<compile_context>
chip_gen: v7x
topology: tpu7x:2x2x1
jax: 0.10.2.dev20260603
libtpu: 0.0.44.dev20260713+nightly
codegen_flags: <defaults>
</compile_context>

<pallas_src>
import functools

import jax
import jax.numpy as jnp
from jax import lax
from jax.experimental import pallas as pl
from jax.experimental.pallas import tpu as pltpu
from jax.experimental.pallas import tpu_sc as plsc

N = 10000
E = 320000
NODE_DIM = 128
EDGE_DIM = 16
HIDDEN = 128
LAYERS = 2
OUT_DIM = 128
HEADS = 4
HEAD_DIM = HIDDEN // HEADS
G = 16

_LANES = 16
_CH = 128
_NCHUNKS = E // _CH
_NW = 32
_CPW = _NCHUNKS // _NW
_REM = _NCHUNKS - _CPW * _NW
_RPB = 632
_RPB_LAST = N - 15 * _RPB



def _mlp_body(x_ref, w1_ref, b1_ref, w2_ref, b2_ref, o_ref):
    t = jnp.maximum(x_ref[...] @ w1_ref[...] + b1_ref[...], 0.0)
    o_ref[...] = t @ w2_ref[...] + b2_ref[...]


def _mlp(x, p, rows):
    n, din = x.shape
    dh = p["l1"]["W"].shape[1]
    dout = p["l2"]["W"].shape[1]
    return pl.pallas_call(
        _mlp_body,
        grid=(n // rows,),
        in_specs=[
            pl.BlockSpec((rows, din), lambda i: (i, 0)),
            pl.BlockSpec((din, dh), lambda i: (0, 0)),
            pl.BlockSpec((1, dh), lambda i: (0, 0)),
            pl.BlockSpec((dh, dout), lambda i: (0, 0)),
            pl.BlockSpec((1, dout), lambda i: (0, 0)),
        ],
        out_specs=pl.BlockSpec((rows, dout), lambda i: (i, 0)),
        out_shape=jax.ShapeDtypeStruct((n, dout), jnp.float32),
    )(x, p["l1"]["W"], p["l1"]["b"].reshape(1, dh),
      p["l2"]["W"], p["l2"]["b"].reshape(1, dout))


def _conv_body(h_ref, a0_ref, a1_ref, w1_ref, b1_ref, w2_ref, b2_ref,
               g_ref, bn_ref, wm_ref, bm_ref, hn_ref, ms_ref):
    h = h_ref[...]
    a = h + a0_ref[0] + a1_ref[0]
    t = jnp.maximum(a @ w1_ref[...] + b1_ref[...], 0.0)
    o = jnp.maximum(t @ w2_ref[...] + b2_ref[...], 0.0)
    o = o + h
    m = jnp.mean(o, axis=-1, keepdims=True)
    v = jnp.mean((o - m) ** 2, axis=-1, keepdims=True)
    hn = (o - m) / jnp.sqrt(v + 1e-5) * g_ref[...] + bn_ref[...]
    hn_ref[...] = hn
    ms_ref[...] = hn @ wm_ref[...] + bm_ref[...]


def _conv(h, aggr2, cp, np_, mp, rows):
    full = lambda shape: pl.BlockSpec(shape, lambda i: (0, 0))
    row_spec = pl.BlockSpec((rows, HIDDEN), lambda i: (i, 0))
    hn, ms = pl.pallas_call(
        _conv_body,
        grid=(N // rows,),
        in_specs=[
            row_spec,
            pl.BlockSpec((1, rows, HIDDEN), lambda i: (0, i, 0)),
            pl.BlockSpec((1, rows, HIDDEN), lambda i: (1, i, 0)),
            full((HIDDEN, HIDDEN)), full((1, HIDDEN)),
            full((HIDDEN, HIDDEN)), full((1, HIDDEN)),
            full((1, HIDDEN)), full((1, HIDDEN)),
            full((HIDDEN, HIDDEN)), full((1, HIDDEN)),
        ],
        out_specs=[row_spec, row_spec],
        out_shape=[jax.ShapeDtypeStruct((N, HIDDEN), jnp.float32),
                   jax.ShapeDtypeStruct((N, HIDDEN), jnp.float32)],
    )(h, aggr2, aggr2,
      cp["l1"]["W"], cp["l1"]["b"].reshape(1, HIDDEN),
      cp["l2"]["W"], cp["l2"]["b"].reshape(1, HIDDEN),
      np_["g"].reshape(1, HIDDEN), np_["b"].reshape(1, HIDDEN),
      mp["W"], mp["b"].reshape(1, HIDDEN))
    return hn, ms


_CONTRACT0 = (((0,), (0,)), ((), ()))


def _onehot(bid):
    return (bid == lax.broadcasted_iota(jnp.int32, (1, G), 1)
            ).astype(jnp.float32)


def _scores_body(h_ref, wk_ref, bk_ref, qm_ref, s_ref):
    k = h_ref[...] @ wk_ref[...] + bk_ref[...]
    s_ref[...] = (k @ qm_ref[...]) * (1.0 / jnp.sqrt(jnp.float32(HEAD_DIM)))


def _softmax_body(s_ref, bid_ref, a_ref):
    scores = s_ref[...].T
    p_t = (bid_ref[...] == lax.broadcasted_iota(jnp.int32, (G, 1), 0)
           ).astype(jnp.float32)
    smax_cols = []
    for g in range(G):
        mask = p_t[g:g + 1, :] > 0.0
        sg = jnp.max(jnp.where(mask, scores, -jnp.inf), axis=1, keepdims=True)
        smax_cols.append(sg)
    smax = jnp.concatenate(smax_cols, axis=1)
    smax = jnp.where(smax > -1e30, smax, 0.0)
    e = jnp.exp(scores - smax @ p_t)
    contract1 = (((1,), (1,)), ((), ()))
    denom = lax.dot_general(e, p_t, contract1)
    a_ref[...] = (e / jnp.maximum(denom @ p_t, 1e-12)).T


def _pool_body(h_ref, ms1_ref, ms2_ref, attn_ref, bid_ref,
               wv_ref, bv_ref, r4_ref, gemb_ref, p1_ref, p2_ref):
    i = pl.program_id(0)
    p_onehot = _onehot(bid_ref[...])
    v = h_ref[...] @ wv_ref[...] + bv_ref[...]
    wvw = (attn_ref[...] @ r4_ref[...]) * v

    @pl.when(i == 0)
    def _():
        gemb_ref[...] = jnp.zeros_like(gemb_ref)
        p1_ref[...] = jnp.zeros_like(p1_ref)
        p2_ref[...] = jnp.zeros_like(p2_ref)

    gemb_ref[...] += lax.dot_general(p_onehot, wvw, _CONTRACT0)
    p1_ref[...] += lax.dot_general(p_onehot, ms1_ref[...], _CONTRACT0)
    p2_ref[...] += lax.dot_general(p_onehot, ms2_ref[...], _CONTRACT0)


def _head_body(gemb_ref, p1_ref, p2_ref, wo_ref, bo_ref, ng_ref, nb_ref,
               w1_ref, b1_ref, w2_ref, b2_ref, w3_ref, b3_ref, o_ref):
    gemb = gemb_ref[...] @ wo_ref[...] + bo_ref[...]
    m = jnp.mean(gemb, axis=-1, keepdims=True)
    var = jnp.mean((gemb - m) ** 2, axis=-1, keepdims=True)
    gemb = (gemb - m) / jnp.sqrt(var + 1e-5) * ng_ref[...] + nb_ref[...]
    cat = jnp.concatenate([gemb, p1_ref[...], p2_ref[...]], axis=-1)
    t = jnp.maximum(cat @ w1_ref[...] + b1_ref[...], 0.0)
    t = jnp.maximum(t @ w2_ref[...] + b2_ref[...], 0.0)
    p_out = t @ w3_ref[...] + b3_ref[...]
    nrm = jnp.sqrt(jnp.sum(p_out * p_out, axis=-1, keepdims=True))
    o_ref[...] = p_out / jnp.maximum(nrm, 1e-12)


def _readout(h, ms1, ms2, batch_ids, rp, hp, rows=2000):
    q = rp["query"].reshape(HEADS, HEAD_DIM)
    eye = jnp.eye(HEADS, dtype=jnp.float32)
    qmat = (q[:, :, None] * eye[:, None, :]).reshape(HIDDEN, HEADS)
    r4 = jnp.repeat(eye, HEAD_DIM, axis=1)
    bid = batch_ids.reshape(N, 1).astype(jnp.int32)
    bid_t = batch_ids.reshape(1, N).astype(jnp.int32)
    full = lambda shape: pl.BlockSpec(shape, lambda i: (0, 0))
    row_h = pl.BlockSpec((rows, HIDDEN), lambda i: (i, 0))
    row_s = pl.BlockSpec((rows, HEADS), lambda i: (i, 0))
    row_b = pl.BlockSpec((rows, 1), lambda i: (i, 0))

    scores = pl.pallas_call(
        _scores_body,
        grid=(N // rows,),
        in_specs=[row_h, full((HIDDEN, HIDDEN)), full((1, HIDDEN)),
                  full((HIDDEN, HEADS))],
        out_specs=row_s,
        out_shape=jax.ShapeDtypeStruct((N, HEADS), jnp.float32),
    )(h, rp["key"]["W"], rp["key"]["b"].reshape(1, HIDDEN), qmat)

    attn = pl.pallas_call(
        _softmax_body,
        out_shape=jax.ShapeDtypeStruct((N, HEADS), jnp.float32),
    )(scores, bid_t)

    gspec = pl.BlockSpec((G, HIDDEN), lambda i: (0, 0))
    gemb, p1, p2 = pl.pallas_call(
        _pool_body,
        grid=(N // rows,),
        in_specs=[row_h, row_h, row_h, row_s, row_b,
                  full((HIDDEN, HIDDEN)), full((1, HIDDEN)),
                  full((HEADS, HIDDEN))],
        out_specs=[gspec, gspec, gspec],
        out_shape=[jax.ShapeDtypeStruct((G, HIDDEN), jnp.float32)] * 3,
    )(h, ms1, ms2, attn, bid,
      rp["value"]["W"], rp["value"]["b"].reshape(1, HIDDEN), r4)

    return pl.pallas_call(
        _head_body,
        out_shape=jax.ShapeDtypeStruct((G, OUT_DIM), jnp.float32),
    )(gemb, p1, p2,
      rp["out"]["W"], rp["out"]["b"].reshape(1, HIDDEN),
      rp["ng"].reshape(1, HIDDEN), rp["nb"].reshape(1, HIDDEN),
      hp["l1"]["W"], hp["l1"]["b"].reshape(1, HIDDEN),
      hp["l2"]["W"], hp["l2"]["b"].reshape(1, HIDDEN),
      hp["l3"]["W"], hp["l3"]["b"].reshape(1, OUT_DIM))



def _gine_aggr(h, ea, src, dst):
    mesh = plsc.VectorSubcoreMesh(core_axis_name="c", subcore_axis_name="s")

    @functools.partial(
        pl.kernel, mesh=mesh,
        out_type=jax.ShapeDtypeStruct((2, N, HIDDEN), jnp.float32),
        scratch_types=[
            pltpu.VMEM(((_CPW + 1) * _CH,), jnp.int32),
            pltpu.VMEM((2, _CH), jnp.int32),
            pltpu.VMEM((_CH, HIDDEN), jnp.float32),
            pltpu.VMEM((_CH, HIDDEN), jnp.float32),
            pltpu.VMEM_SHARED((N, HIDDEN), jnp.float32),
            pltpu.SemaphoreType.DMA,
            pltpu.SemaphoreType.DMA,
        ],
    )
    def k(h_hbm, ea_hbm, src_hbm, dst_hbm, z_hbm, out_hbm,
          srcall, dstv, rowsv, eav, aggr_sh, semg, sems):
        c = lax.axis_index("c")
        s = lax.axis_index("s")
        wid = s * 2 + c
        roff = pl.multiple_of(s * _RPB, 8)
        @pl.when(s < 15)
        def _():
            pltpu.sync_copy(z_hbm.at[pl.ds(roff, _RPB)],
                            aggr_sh.at[pl.ds(roff, _RPB)])

        @pl.when(s == 15)
        def _():
            pltpu.sync_copy(z_hbm.at[pl.ds(roff, _RPB_LAST)],
                            aggr_sh.at[pl.ds(roff, _RPB_LAST)])

        plsc.subcore_barrier()
        nch = jnp.where(wid < _REM, _CPW + 1, _CPW)
        cbase = wid * _CPW + jnp.minimum(wid, _REM)
        pltpu.sync_copy(
            src_hbm.at[pl.ds(pl.multiple_of(cbase * _CH, _CH),
                             (_CPW + 1) * _CH)], srcall)

        def gref(kk):
            ioff = pl.multiple_of(kk * _CH, _CH)
            return h_hbm.at[srcall.at[pl.ds(ioff, _CH)]]

        pltpu.async_copy(gref(0), rowsv, semg)

        def chunk(kk, carry):
            b = lax.rem(kk, 2)
            eoff = pl.multiple_of((cbase + kk) * _CH, _CH)
            pltpu.sync_copy(dst_hbm.at[pl.ds(eoff, _CH)], dstv.at[b])

            @pl.when(kk >= 1)
            def _():
                pltpu.make_async_copy(
                    eav, aggr_sh.at[dstv.at[1 - b]], sems).wait()

            pltpu.sync_copy(ea_hbm.at[pl.ds(eoff, _CH)], eav)
            pltpu.make_async_copy(gref(kk), rowsv, semg).wait()

            def rbody(i, cr):
                for j in range(HIDDEN // _LANES):
                    sl = pl.ds(j * _LANES, _LANES)
                    eav[i, sl] = jnp.maximum(rowsv[i, sl] + eav[i, sl], 0.0)
                return cr

            lax.fori_loop(0, _CH, rbody, 0)
            pltpu.async_copy(gref(jnp.minimum(kk + 1, nch - 1)), rowsv, semg)
            pltpu.async_copy(eav, aggr_sh.at[dstv.at[b]], sems, add=True)
            return carry

        lax.fori_loop(0, nch, chunk, 0)
        pltpu.make_async_copy(gref(nch - 1), rowsv, semg).wait()
        pltpu.make_async_copy(
            eav, aggr_sh.at[dstv.at[lax.rem(nch - 1, 2)]], sems).wait()
        plsc.subcore_barrier()

        @pl.when(s < 15)
        def _():
            pltpu.sync_copy(aggr_sh.at[pl.ds(roff, _RPB)],
                            out_hbm.at[c, pl.ds(roff, _RPB)])

        @pl.when(s == 15)
        def _():
            pltpu.sync_copy(aggr_sh.at[pl.ds(roff, _RPB_LAST)],
                            out_hbm.at[c, pl.ds(roff, _RPB_LAST)])

    src_pad = jnp.concatenate([src, jnp.zeros((_CH * 8,), jnp.int32)])
    return k(h, ea, src_pad, dst, jnp.zeros((N, HIDDEN), jnp.float32))



def kernel(x, edge_attr, params, edge_index, batch_ids):
    p = params
    h = _mlp(x, p["node_enc"], rows=2000)
    ea = _mlp(edge_attr, p["edge_enc"], rows=4000)
    src = edge_index[0]
    dst = edge_index[1]
    ms = []
    for i in range(LAYERS):
        aggr2 = _gine_aggr(h, ea, src, dst)
        h, m = _conv(h, aggr2, p["convs"][i], p["norms"][i], p["ms"][i],
                     rows=2000)
        ms.append(m)
    return _readout(h, ms[0], ms[1], batch_ids, p["readout"], p["head"])

# --- scband reference (transcript-rebuilt; emitter-appended) ---
"""Pipeline reference for scband-multi-feature-gnn-18743237280336 (READ-ONLY COPY).

The authoritative reference and input builder live on the scoring server;
editing this copy changes nothing except your own understanding.
"""

import jax, jax.numpy as jnp
import numpy as np

N = 10000
E = 320000
NODE_DIM = 128
EDGE_DIM = 16
HIDDEN = 128
LAYERS = 2
OUT_DIM = 128
HEADS = 4
HEAD_DIM = HIDDEN // HEADS
G = 16


def _lin_params(key, din, dout):
    k1, _ = jax.random.split(key)
    return {"W": jax.random.normal(k1, (din, dout), jnp.float32) * 0.02,
            "b": jnp.zeros((dout,), jnp.float32)}


def _linear(x, p):
    return x @ p["W"] + p["b"]


def _fp(x, p):
    # FeatureProjector: Linear -> ReLU -> (Dropout eval noop) -> Linear
    return _linear(jax.nn.relu(_linear(x, p["l1"])), p["l2"])


def _ln(x, g, b):
    m = x.mean(axis=-1, keepdims=True)
    v = ((x - m) ** 2).mean(axis=-1, keepdims=True)
    return (x - m) / jnp.sqrt(v + 1e-5) * g + b


def setup_inputs(seed: int = 0) -> dict:
    key = jax.random.key(seed)
    ks = jax.random.split(key, 40)
    x = jax.random.normal(ks[0], (N, NODE_DIM), jnp.float32)
    edge_attr = jax.random.normal(ks[1], (E, EDGE_DIM), jnp.float32)
    edge_index = jax.random.randint(ks[2], (2, E), 0, N)
    batch_ids = jnp.sort(jax.random.randint(ks[3], (N,), 0, G))
    params = {
        "node_enc": {"l1": _lin_params(ks[4], NODE_DIM, HIDDEN), "l2": _lin_params(ks[5], HIDDEN, HIDDEN)},
        "edge_enc": {"l1": _lin_params(ks[6], EDGE_DIM, HIDDEN), "l2": _lin_params(ks[7], HIDDEN, HIDDEN)},
        "convs": [{"l1": _lin_params(ks[8 + 2 * i], HIDDEN, HIDDEN), "l2": _lin_params(ks[9 + 2 * i], HIDDEN, HIDDEN)} for i in range(LAYERS)],
        "norms": [{"g": jnp.ones((HIDDEN,), jnp.float32), "b": jnp.zeros((HIDDEN,), jnp.float32)} for _ in range(LAYERS)],
        "ms": [_lin_params(ks[14 + i], HIDDEN, HIDDEN) for i in range(LAYERS)],
        "readout": {
            "query": jax.random.normal(ks[20], (1, 1, HIDDEN), jnp.float32),
            "key": _lin_params(ks[21], HIDDEN, HIDDEN),
            "value": _lin_params(ks[22], HIDDEN, HIDDEN),
            "out": _lin_params(ks[23], HIDDEN, HIDDEN),
            "ng": jnp.ones((HIDDEN,), jnp.float32),
            "nb": jnp.zeros((HIDDEN,), jnp.float32),
        },
        "head": {
            "l1": _lin_params(ks[24], HIDDEN * (1 + LAYERS), HIDDEN),
            "l2": _lin_params(ks[25], HIDDEN, HIDDEN),
            "l3": _lin_params(ks[26], HIDDEN, OUT_DIM),
        },
    }
    return {"x": x, "edge_attr": edge_attr, "params": params,
            "edge_index": edge_index, "batch_ids": batch_ids}


def _forward(x, edge_attr, params, edge_index, batch_ids):
    h = _fp(x, params["node_enc"])
    ea = _fp(edge_attr, params["edge_enc"])
    src = edge_index[0]
    dst = edge_index[1]
    ms_feats = []
    for i in range(LAYERS):
        residual = h
        # GINEConv: aggr_j relu(x_j + e_ji), then mlp((1+eps)*x_i + aggr), eps=0
        msg = jax.nn.relu(h[src] + ea)
        aggr = jax.ops.segment_sum(msg, dst, num_segments=N)
        cp = params["convs"][i]
        out = _linear(jax.nn.relu(_linear(h + aggr, cp["l1"])), cp["l2"])
        out = jax.nn.relu(out)
        h = _ln(out + residual, params["norms"][i]["g"], params["norms"][i]["b"])
        ms_feats.append(_linear(h, params["ms"][i]))
    # Attention readout (segment softmax over nodes of each graph)
    r = params["readout"]
    k = _linear(h, r["key"]).reshape(N, HEADS, HEAD_DIM)
    v = _linear(h, r["value"]).reshape(N, HEADS, HEAD_DIM)
    q = r["query"].reshape(HEADS, HEAD_DIM)
    scores = jnp.einsum("nhd,hd->nh", k, q) / jnp.sqrt(jnp.float32(HEAD_DIM))
    smax = jax.ops.segment_max(scores, batch_ids, num_segments=G)
    smax = jnp.where(jnp.isfinite(smax), smax, 0.0)
    e = jnp.exp(scores - smax[batch_ids])
    denom = jax.ops.segment_sum(e, batch_ids, num_segments=G)
    attn = e / jnp.maximum(denom[batch_ids], 1e-12)
    gemb = jax.ops.segment_sum(attn[:, :, None] * v, batch_ids, num_segments=G).reshape(G, HIDDEN)
    gemb = _linear(gemb, r["out"])
    gemb = _ln(gemb, r["ng"], r["nb"])
    # multiscale global_add_pool
    scale_embs = [jax.ops.segment_sum(f, batch_ids, num_segments=G) for f in ms_feats]
    gemb = jnp.concatenate([gemb] + scale_embs, axis=-1)
    hd = params["head"]
    p = _linear(jax.nn.relu(_linear(jax.nn.relu(_linear(gemb, hd["l1"])), hd["l2"])), hd["l3"])
    nrm = jnp.linalg.norm(p, axis=-1, keepdims=True)
    return p / jnp.maximum(nrm, 1e-12)


def reference(x, edge_attr, params, edge_index, batch_ids):
    return _forward(x, edge_attr, params, edge_index, batch_ids)

if __name__ == "__main__":
    import jax
    _d = setup_inputs()
    print(jax.jit(kernel)(*tuple(_d.values())))

</pallas_src>

<mosaic_0001>
#map = affine_map<(d0, d1) -> (0, 0)>
#map1 = affine_map<(d0, d1) -> (0)>
#map2 = affine_map<(d0, d1) -> (0, 0, 0)>
module attributes {stable_mosaic.version = 14 : i64} {
  func.func @k(%arg0: i32, %arg1: i32, %arg2: memref<10000x128xf32, #tpu.memory_space<hbm>>, %arg3: memref<320000x128xf32, #tpu.memory_space<hbm>>, %arg4: memref<321024xi32, #tpu.memory_space<hbm>>, %arg5: memref<320000xi32, #tpu.memory_space<hbm>>, %arg6: memref<10000x128xf32, #tpu.memory_space<hbm>>, %arg7: memref<2x10000x128xf32, #tpu.memory_space<hbm>>, %arg8: memref<10112xi32, #tpu.memory_space<vmem>>, %arg9: memref<2x128xi32, #tpu.memory_space<vmem>>, %arg10: memref<128x128xf32, #tpu.memory_space<vmem>>, %arg11: memref<128x128xf32, #tpu.memory_space<vmem>>, %arg12: memref<10000x128xf32, #tpu.memory_space<vmem_shared>>, %arg13: memref<!tpu.dma_semaphore, #tpu.memory_space<semaphore_mem>>, %arg14: memref<!tpu.dma_semaphore, #tpu.memory_space<semaphore_mem>>) attributes {dimension_semantics = [#tpu.dimension_semantics<core_parallel>, #tpu.dimension_semantics<subcore_parallel>], iteration_bounds = array<i64: 2, 16>, scalar_prefetch = 0 : i64, scratch_operands = 7 : i64, tpu.core_type = #tpu.core_type<sc_vector_subcore>, window_params = [{transform_indices = #map}, {transform_indices = #map}, {transform_indices = #map1}, {transform_indices = #map1}, {transform_indices = #map}, {transform_indices = #map2}]} {
    %mul3A = arith.constant 2 : i32
    %mul3A_0 = arith.muli %arg1, %mul3A : i32
    %add3A = arith.addi %mul3A_0, %arg0 : i32
    %mul3A_1 = arith.constant 632 : i32
    %mul3A_2 = arith.muli %arg1, %mul3A_1 : i32
    %multiple_of3A = tpu.assume_multiple %mul3A_2, 8 : i32
    %lt3A = arith.constant 15 : i32
    %lt3A_3 = arith.cmpi slt, %arg1, %lt3A : i32
    %convert_element_type3A = arith.extui %lt3A_3 : i1 to i32
    %cond3A = arith.constant 0 : i32
    %cond3A_4 = arith.cmpi ne, %convert_element_type3A, %cond3A : i32
    scf.if %cond3A_4 {
      "tpu.region"() ({
        %run_scoped3A = tpu.sem_alloc : memref<!tpu.dma_semaphore, #tpu.memory_space<semaphore_mem>>
        %dma_start3A_60 = arith.constant 0 : i32
        %dma_start3A_61 = tpu.memref_slice %arg12[%multiple_of3A, %dma_start3A_60] : memref<10000x128xf32, #tpu.memory_space<vmem_shared>> -> memref<632x128xf32, #tpu.memory_space<vmem_shared>>
        %dma_start3A_62 = arith.constant 0 : i32
        %dma_start3A_63 = tpu.memref_slice %arg6[%multiple_of3A, %dma_start3A_62] : memref<10000x128xf32, #tpu.memory_space<hbm>> -> memref<632x128xf32, #tpu.memory_space<hbm>>
        tpu.enqueue_dma source(%dma_start3A_63 : memref<632x128xf32, #tpu.memory_space<hbm>>) target(%dma_start3A_61 : memref<632x128xf32, #tpu.memory_space<vmem_shared>>) target_semaphore(%run_scoped3A : memref<!tpu.dma_semaphore, #tpu.memory_space<semaphore_mem>>)
        %dma_wait3A_64 = arith.constant 0 : i32
        %dma_wait3A_65 = tpu.memref_slice %arg12[%multiple_of3A, %dma_wait3A_64] : memref<10000x128xf32, #tpu.memory_space<vmem_shared>> -> memref<632x128xf32, #tpu.memory_space<vmem_shared>>
        %dma_wait3A_66 = arith.constant 0 : i32
        %dma_wait3A_67 = tpu.memref_slice %arg6[%multiple_of3A, %dma_wait3A_66] : memref<10000x128xf32, #tpu.memory_space<hbm>> -> memref<632x128xf32, #tpu.memory_space<hbm>>
        tpu.wait_dma2 semaphore(%run_scoped3A : memref<!tpu.dma_semaphore, #tpu.memory_space<semaphore_mem>>) src(%dma_wait3A_67 : memref<632x128xf32, #tpu.memory_space<hbm>>) dst(%dma_wait3A_65 : memref<632x128xf32, #tpu.memory_space<vmem_shared>>)
        tpu.yield
      }) : () -> ()
    } else {
    }
    %eq3A = arith.constant 15 : i32
    %eq3A_5 = arith.cmpi eq, %arg1, %eq3A : i32
    %convert_element_type3A_6 = arith.extui %eq3A_5 : i1 to i32
    %cond3A_7 = arith.constant 0 : i32
    %cond3A_8 = arith.cmpi ne, %convert_element_type3A_6, %cond3A_7 : i32
    scf.if %cond3A_8 {
      "tpu.region"() ({
        %run_scoped3A = tpu.sem_alloc : memref<!tpu.dma_semaphore, #tpu.memory_space<semaphore_mem>>
        %dma_start3A_60 = arith.constant 0 : i32
        %dma_start3A_61 = tpu.memref_slice %arg12[%multiple_of3A, %dma_start3A_60] : memref<10000x128xf32, #tpu.memory_space<vmem_shared>> -> memref<520x128xf32, #tpu.memory_space<vmem_shared>>
        %dma_start3A_62 = arith.constant 0 : i32
        %dma_start3A_63 = tpu.memref_slice %arg6[%multiple_of3A, %dma_start3A_62] : memref<10000x128xf32, #tpu.memory_space<hbm>> -> memref<520x128xf32, #tpu.memory_space<hbm>>
        tpu.enqueue_dma source(%dma_start3A_63 : memref<520x128xf32, #tpu.memory_space<hbm>>) target(%dma_start3A_61 : memref<520x128xf32, #tpu.memory_space<vmem_shared>>) target_semaphore(%run_scoped3A : memref<!tpu.dma_semaphore, #tpu.memory_space<semaphore_mem>>)
        %dma_wait3A_64 = arith.constant 0 : i32
        %dma_wait3A_65 = tpu.memref_slice %arg12[%multiple_of3A, %dma_wait3A_64] : memref<10000x128xf32, #tpu.memory_space<vmem_shared>> -> memref<520x128xf32, #tpu.memory_space<vmem_shared>>
        %dma_wait3A_66 = arith.constant 0 : i32
        %dma_wait3A_67 = tpu.memref_slice %arg6[%multiple_of3A, %dma_wait3A_66] : memref<10000x128xf32, #tpu.memory_space<hbm>> -> memref<520x128xf32, #tpu.memory_space<hbm>>
        tpu.wait_dma2 semaphore(%run_scoped3A : memref<!tpu.dma_semaphore, #tpu.memory_space<semaphore_mem>>) src(%dma_wait3A_67 : memref<520x128xf32, #tpu.memory_space<hbm>>) dst(%dma_wait3A_65 : memref<520x128xf32, #tpu.memory_space<vmem_shared>>)
        tpu.yield
      }) : () -> ()
    } else {
    }
    %barrier3A = arith.constant 0 : index
    tpu.barrier barrier_id(%barrier3A)
    %lt3A_9 = arith.constant 4 : i32
    %lt3A_10 = arith.cmpi slt, %add3A, %lt3A_9 : i32
    %jit3A = arith.constant 79 : i32
    %jit3A_11 = arith.constant 78 : i32
    %select_n3A = arith.select %lt3A_10, %jit3A, %jit3A_11 : i32
    %mul3A_12 = arith.constant 78 : i32
    %mul3A_13 = arith.muli %add3A, %mul3A_12 : i32
    %min3A = arith.constant 4 : i32
    %min3A_14 = arith.minsi %add3A, %min3A : i32
    %add3A_15 = arith.addi %mul3A_13, %min3A_14 : i32
    %mul3A_16 = arith.constant 128 : i32
    %mul3A_17 = arith.muli %add3A_15, %mul3A_16 : i32
    %multiple_of3A_18 = tpu.assume_multiple %mul3A_17, 128 : i32
    "tpu.region"() ({
      %run_scoped3A = tpu.sem_alloc : memref<!tpu.dma_semaphore, #tpu.memory_space<semaphore_mem>>
      %dma_start3A_60 = tpu.memref_slice %arg4[%multiple_of3A_18] : memref<321024xi32, #tpu.memory_space<hbm>> -> memref<10112xi32, #tpu.memory_space<hbm>>
      %dma_start3A_61 = tpu.memref_slice %arg4[%multiple_of3A_18] : memref<321024xi32, #tpu.memory_space<hbm>> -> memref<10112xi32, #tpu.memory_space<hbm>>
      tpu.enqueue_dma source(%dma_start3A_61 : memref<10112xi32, #tpu.memory_space<hbm>>) target(%arg8 : memref<10112xi32, #tpu.memory_space<vmem>>) target_semaphore(%run_scoped3A : memref<!tpu.dma_semaphore, #tpu.memory_space<semaphore_mem>>)
      %dma_wait3A_62 = tpu.memref_slice %arg4[%multiple_of3A_18] : memref<321024xi32, #tpu.memory_space<hbm>> -> memref<10112xi32, #tpu.memory_space<hbm>>
      %dma_wait3A_63 = tpu.memref_slice %arg4[%multiple_of3A_18] : memref<321024xi32, #tpu.memory_space<hbm>> -> memref<10112xi32, #tpu.memory_space<hbm>>
      tpu.wait_dma2 semaphore(%run_scoped3A : memref<!tpu.dma_semaphore, #tpu.memory_space<semaphore_mem>>) src(%dma_wait3A_63 : memref<10112xi32, #tpu.memory_space<hbm>>) dst(%arg8 : memref<10112xi32, #tpu.memory_space<vmem>>)
      tpu.yield
    }) : () -> ()
    %multiple_of3A_19 = arith.constant 0 : i32
    %multiple_of3A_20 = tpu.assume_multiple %multiple_of3A_19, 128 : i32
    %dma_start3A = tpu.memref_slice %arg8[%multiple_of3A_20] : memref<10112xi32, #tpu.memory_space<vmem>> -> memref<128xi32, #tpu.memory_space<vmem>>
    %dma_start3A_21 = arith.constant 0 : i32
    %dma_start3A_22 = arith.constant 0 : i32
    %dma_start3A_23 = tpu.memref_slice %arg2[%dma_start3A_21, %dma_start3A_22] : memref<10000x128xf32, #tpu.memory_space<hbm>> -> memref<10000x128xf32, #tpu.memory_space<hbm>>
    tpu.enqueue_indirect_dma source(%dma_start3A_23 : memref<10000x128xf32, #tpu.memory_space<hbm>>) target(%arg10 : memref<128x128xf32, #tpu.memory_space<vmem>>) offsets(%dma_start3A : memref<128xi32, #tpu.memory_space<vmem>>) semaphore(%arg13 : memref<!tpu.dma_semaphore, #tpu.memory_space<semaphore_mem>>)
    %while3A = arith.constant 0 : i32
    %while3A_24 = arith.constant 0 : i32
    %while3A_25 = arith.subi %select_n3A, %while3A_24 : i32
    %while3A_26 = arith.addi %while3A_24, %while3A_25 : i32
    %while3A_27 = arith.constant 1 : i32
    %while3A_28 = arith.divsi %while3A_25, %while3A_27 : i32
    %while3A_29 = arith.muli %while3A_28, %while3A_27 : i32
    %while3A_30 = arith.addi %while3A_24, %while3A_29 : i32
    %while3A_31 = arith.constant 1 : i32
    scf.for %while3A_60 = %while3A_24 to %while3A_30 step %while3A_31  : i32 {
      %rem3A_61 = arith.constant 2 : i32
      %rem3A_62 = arith.remsi %while3A_60, %rem3A_61 : i32
      %add3A_63 = arith.addi %add3A_15, %while3A_60 : i32
      %mul3A_64 = arith.constant 128 : i32
      %mul3A_65 = arith.muli %add3A_63, %mul3A_64 : i32
      %multiple_of3A_66 = tpu.assume_multiple %mul3A_65, 128 : i32
      "tpu.region"() ({
        %run_scoped3A = tpu.sem_alloc : memref<!tpu.dma_semaphore, #tpu.memory_space<semaphore_mem>>
        %dma_start3A_101 = arith.constant 0 : i32
        %dma_start3A_102 = tpu.memref_slice %arg9[%rem3A_62, %dma_start3A_101] : memref<2x128xi32, #tpu.memory_space<vmem>> -> memref<1x128xi32, #tpu.memory_space<vmem>>
        %dma_start3A_103 = tpu.memref_squeeze %dma_start3A_102 : memref<1x128xi32, #tpu.memory_space<vmem>> -> memref<128xi32, #tpu.memory_space<vmem>>
        %dma_start3A_104 = tpu.memref_slice %arg5[%multiple_of3A_66] : memref<320000xi32, #tpu.memory_space<hbm>> -> memref<128xi32, #tpu.memory_space<hbm>>
        %dma_start3A_105 = arith.constant 0 : i32
        %dma_start3A_106 = tpu.memref_slice %arg9[%rem3A_62, %dma_start3A_105] : memref<2x128xi32, #tpu.memory_space<vmem>> -> memref<1x128xi32, #tpu.memory_space<vmem>>
        %dma_start3A_107 = tpu.memref_squeeze %dma_start3A_106 : memref<1x128xi32, #tpu.memory_space<vmem>> -> memref<128xi32, #tpu.memory_space<vmem>>
        %dma_start3A_108 = tpu.memref_slice %arg5[%multiple_of3A_66] : memref<320000xi32, #tpu.memory_space<hbm>> -> memref<128xi32, #tpu.memory_space<hbm>>
        tpu.enqueue_dma source(%dma_start3A_108 : memref<128xi32, #tpu.memory_space<hbm>>) target(%dma_start3A_107 : memref<128xi32, #tpu.memory_space<vmem>>) target_semaphore(%run_scoped3A : memref<!tpu.dma_semaphore, #tpu.memory_space<semaphore_mem>>)
        %dma_wait3A_109 = arith.constant 0 : i32
        %dma_wait3A_110 = tpu.memref_slice %arg9[%rem3A_62, %dma_wait3A_109] : memref<2x128xi32, #tpu.memory_space<vmem>> -> memref<1x128xi32, #tpu.memory_space<vmem>>
        %dma_wait3A_111 = tpu.memref_squeeze %dma_wait3A_110 : memref<1x128xi32, #tpu.memory_space<vmem>> -> memref<128xi32, #tpu.memory_space<vmem>>
        %dma_wait3A_112 = tpu.memref_slice %arg5[%multiple_of3A_66] : memref<320000xi32, #tpu.memory_space<hbm>> -> memref<128xi32, #tpu.memory_space<hbm>>
        %dma_wait3A_113 = arith.constant 0 : i32
        %dma_wait3A_114 = tpu.memref_slice %arg9[%rem3A_62, %dma_wait3A_113] : memref<2x128xi32, #tpu.memory_space<vmem>> -> memref<1x128xi32, #tpu.memory_space<vmem>>
        %dma_wait3A_115 = tpu.memref_squeeze %dma_wait3A_114 : memref<1x128xi32, #tpu.memory_space<vmem>> -> memref<128xi32, #tpu.memory_space<vmem>>
        %dma_wait3A_116 = tpu.memref_slice %arg5[%multiple_of3A_66] : memref<320000xi32, #tpu.memory_space<hbm>> -> memref<128xi32, #tpu.memory_space<hbm>>
        tpu.wait_dma2 semaphore(%run_scoped3A : memref<!tpu.dma_semaphore, #tpu.memory_space<semaphore_mem>>) src(%dma_wait3A_116 : memref<128xi32, #tpu.memory_space<hbm>>) dst(%dma_wait3A_115 : memref<128xi32, #tpu.memory_space<vmem>>)
        tpu.yield
      }) : () -> ()
      %ge3A = arith.constant 1 : i32
      %ge3A_67 = arith.cmpi sge, %while3A_60, %ge3A : i32
      %convert_element_type3A_68 = arith.extui %ge3A_67 : i1 to i32
      %cond3A_69 = arith.constant 0 : i32
      %cond3A_70 = arith.cmpi ne, %convert_element_type3A_68, %cond3A_69 : i32
      scf.if %cond3A_70 {
        %sub3A_101 = arith.constant 1 : i32
        %sub3A_102 = arith.subi %sub3A_101, %rem3A_62 : i32
        %dma_wait3A_103 = arith.constant 0 : i32
        %dma_wait3A_104 = tpu.memref_slice %arg9[%sub3A_102, %dma_wait3A_103] : memref<2x128xi32, #tpu.memory_space<vmem>> -> memref<1x128xi32, #tpu.memory_space<vmem>>
        %dma_wait3A_105 = tpu.memref_squeeze %dma_wait3A_104 : memref<1x128xi32, #tpu.memory_space<vmem>> -> memref<128xi32, #tpu.memory_space<vmem>>
        %dma_wait3A_106 = arith.constant 0 : i32
        %dma_wait3A_107 = arith.constant 0 : i32
        %dma_wait3A_108 = tpu.memref_slice %arg12[%dma_wait3A_106, %dma_wait3A_107] : memref<10000x128xf32, #tpu.memory_space<vmem_shared>> -> memref<10000x128xf32, #tpu.memory_space<vmem_shared>>
        tpu.wait_indirect_dma semaphore(%arg14 : memref<!tpu.dma_semaphore, #tpu.memory_space<semaphore_mem>>) src(%arg11 : memref<128x128xf32, #tpu.memory_space<vmem>>) dst(%dma_wait3A_108 : memref<10000x128xf32, #tpu.memory_space<vmem_shared>>)
      } else {
      }
      "tpu.region"() ({
        %run_scoped3A = tpu.sem_alloc : memref<!tpu.dma_semaphore, #tpu.memory_space<semaphore_mem>>
        %dma_start3A_101 = arith.constant 0 : i32
        %dma_start3A_102 = tpu.memref_slice %arg3[%multiple_of3A_66, %dma_start3A_101] : memref<320000x128xf32, #tpu.memory_space<hbm>> -> memref<128x128xf32, #tpu.memory_space<hbm>>
        %dma_start3A_103 = arith.constant 0 : i32
        %dma_start3A_104 = tpu.memref_slice %arg3[%multiple_of3A_66, %dma_start3A_103] : memref<320000x128xf32, #tpu.memory_space<hbm>> -> memref<128x128xf32, #tpu.memory_space<hbm>>
        tpu.enqueue_dma source(%dma_start3A_104 : memref<128x128xf32, #tpu.memory_space<hbm>>) target(%arg11 : memref<128x128xf32, #tpu.memory_space<vmem>>) target_semaphore(%run_scoped3A : memref<!tpu.dma_semaphore, #tpu.memory_space<semaphore_mem>>)
        %dma_wait3A_105 = arith.constant 0 : i32
        %dma_wait3A_106 = tpu.memref_slice %arg3[%multiple_of3A_66, %dma_wait3A_105] : memref<320000x128xf32, #tpu.memory_space<hbm>> -> memref<128x128xf32, #tpu.memory_space<hbm>>
        %dma_wait3A_107 = arith.constant 0 : i32
        %dma_wait3A_108 = tpu.memref_slice %arg3[%multiple_of3A_66, %dma_wait3A_107] : memref<320000x128xf32, #tpu.memory_space<hbm>> -> memref<128x128xf32, #tpu.memory_space<hbm>>
        tpu.wait_dma2 semaphore(%run_scoped3A : memref<!tpu.dma_semaphore, #tpu.memory_space<semaphore_mem>>) src(%dma_wait3A_108 : memref<128x128xf32, #tpu.memory_space<hbm>>) dst(%arg11 : memref<128x128xf32, #tpu.memory_space<vmem>>)
        tpu.yield
      }) : () -> ()
      %mul3A_71 = arith.constant 128 : i32
      %mul3A_72 = arith.muli %while3A_60, %mul3A_71 : i32
      %multiple_of3A_73 = tpu.assume_multiple %mul3A_72, 128 : i32
      %dma_wait3A_74 = tpu.memref_slice %arg8[%multiple_of3A_73] : memref<10112xi32, #tpu.memory_space<vmem>> -> memref<128xi32, #tpu.memory_space<vmem>>
      %dma_wait3A_75 = arith.constant 0 : i32
      %dma_wait3A_76 = arith.constant 0 : i32
      %dma_wait3A_77 = tpu.memref_slice %arg2[%dma_wait3A_75, %dma_wait3A_76] : memref<10000x128xf32, #tpu.memory_space<hbm>> -> memref<10000x128xf32, #tpu.memory_space<hbm>>
      tpu.wait_indirect_dma semaphore(%arg13 : memref<!tpu.dma_semaphore, #tpu.memory_space<semaphore_mem>>) src(%dma_wait3A_77 : memref<10000x128xf32, #tpu.memory_space<hbm>>) dst(%arg10 : memref<128x128xf32, #tpu.memory_space<vmem>>)
      %scan3A = arith.constant 0 : i32
      %scan3A_78 = arith.constant 0 : i32
      %scan3A_79 = arith.constant 128 : i32
      %scan3A_80 = arith.addi %scan3A_78, %scan3A_79 : i32
      %scan3A_81 = arith.constant 1 : i32
      scf.for %scan3A_101 = %scan3A_78 to %scan3A_80 step %scan3A_81  : i32 {
        %get3A = arith.index_cast %scan3A_101 : i32 to index
        %get3A_102 = arith.constant 0 : index
        %get3A_103 = tpu.vector_load %arg10[%get3A, %get3A_102] {strides = array<i32>} : memref<128x128xf32, #tpu.memory_space<vmem>>, vector<1x16xf32>,
        %get3A_104 = vector.shape_cast %get3A_103 : vector<1x16xf32> to vector<16xf32>
        %get3A_105 = arith.index_cast %scan3A_101 : i32 to index
        %get3A_106 = arith.constant 0 : index
        %get3A_107 = tpu.vector_load %arg11[%get3A_105, %get3A_106] {strides = array<i32>} : memref<128x128xf32, #tpu.memory_space<vmem>>, vector<1x16xf32>,
        %get3A_108 = vector.shape_cast %get3A_107 : vector<1x16xf32> to vector<16xf32>
        %add3A_109 = arith.addf %get3A_104, %get3A_108 : vector<16xf32>
        %max3A = arith.constant 0.000000e+00 : f32
        %max3A_110 = vector.broadcast %max3A : f32 to vector<16xf32>
        %max3A_111 = arith.maximumf %add3A_109, %max3A_110 : vector<16xf32>
        %swap3A = arith.index_cast %scan3A_101 : i32 to index
        %swap3A_112 = arith.constant 0 : index
        %swap3A_113 = tpu.vector_load %arg11[%swap3A, %swap3A_112] {strides = array<i32>} : memref<128x128xf32, #tpu.memory_space<vmem>>, vector<1x16xf32>,
        %swap3A_114 = vector.shape_cast %swap3A_113 : vector<1x16xf32> to vector<16xf32>
        %swap3A_115 = vector.shape_cast %max3A_111 : vector<16xf32> to vector<1x16xf32>
        tpu.vector_store %arg11[%swap3A, %swap3A_112], %swap3A_115 {strides = array<i32>} : memref<128x128xf32, #tpu.memory_space<vmem>>, vector<1x16xf32>,
        %get3A_116 = arith.index_cast %scan3A_101 : i32 to index
        %get3A_117 = arith.constant 16 : index
        %get3A_118 = tpu.vector_load %arg10[%get3A_116, %get3A_117] {strides = array<i32>} : memref<128x128xf32, #tpu.memory_space<vmem>>, vector<1x16xf32>,
        %get3A_119 = vector.shape_cast %get3A_118 : vector<1x16xf32> to vector<16xf32>
        %get3A_120 = arith.index_cast %scan3A_101 : i32 to index
        %get3A_121 = arith.constant 16 : index
        %get3A_122 = tpu.vector_load %arg11[%get3A_120, %get3A_121] {strides = array<i32>} : memref<128x128xf32, #tpu.memory_space<vmem>>, vector<1x16xf32>,
        %get3A_123 = vector.shape_cast %get3A_122 : vector<1x16xf32> to vector<16xf32>
        %add3A_124 = arith.addf %get3A_119, %get3A_123 : vector<16xf32>
        %max3A_125 = arith.constant 0.000000e+00 : f32
        %max3A_126 = vector.broadcast %max3A_125 : f32 to vector<16xf32>
        %max3A_127 = arith.maximumf %add3A_124, %max3A_126 : vector<16xf32>
        %swap3A_128 = arith.index_cast %scan3A_101 : i32 to index
        %swap3A_129 = arith.constant 16 : index
        %swap3A_130 = tpu.vector_load %arg11[%swap3A_128, %swap3A_129] {strides = array<i32>} : memref<128x128xf32, #tpu.memory_space<vmem>>, vector<1x16xf32>,
        %swap3A_131 = vector.shape_cast %swap3A_130 : vector<1x16xf32> to vector<16xf32>
        %swap3A_132 = vector.shape_cast %max3A_127 : vector<16xf32> to vector<1x16xf32>
        tpu.vector_store %arg11[%swap3A_128, %swap3A_129], %swap3A_132 {strides = array<i32>} : memref<128x128xf32, #tpu.memory_space<vmem>>, vector<1x16xf32>,
        %get3A_133 = arith.index_cast %scan3A_101 : i32 to index
        %get3A_134 = arith.constant 32 : index
        %get3A_135 = tpu.vector_load %arg10[%get3A_133, %get3A_134] {strides = array<i32>} : memref<128x128xf32, #tpu.memory_space<vmem>>, vector<1x16xf32>,
        %get3A_136 = vector.shape_cast %get3A_135 : vector<1x16xf32> to vector<16xf32>
        %get3A_137 = arith.index_cast %scan3A_101 : i32 to index
        %get3A_138 = arith.constant 32 : index
        %get3A_139 = tpu.vector_load %arg11[%get3A_137, %get3A_138] {strides = array<i32>} : memref<128x128xf32, #tpu.memory_space<vmem>>, vector<1x16xf32>,
        %get3A_140 = vector.shape_cast %get3A_139 : vector<1x16xf32> to vector<16xf32>
        %add3A_141 = arith.addf %get3A_136, %get3A_140 : vector<16xf32>
        %max3A_142 = arith.constant 0.000000e+00 : f32
        %max3A_143 = vector.broadcast %max3A_142 : f32 to vector<16xf32>
        %max3A_144 = arith.maximumf %add3A_141, %max3A_143 : vector<16xf32>
        %swap3A_145 = arith.index_cast %scan3A_101 : i32 to index
        %swap3A_146 = arith.constant 32 : index
        %swap3A_147 = tpu.vector_load %arg11[%swap3A_145, %swap3A_146] {strides = array<i32>} : memref<128x128xf32, #tpu.memory_space<vmem>>, vector<1x16xf32>,
        %swap3A_148 = vector.shape_cast %swap3A_147 : vector<1x16xf32> to vector<16xf32>
        %swap3A_149 = vector.shape_cast %max3A_144 : vector<16xf32> to vector<1x16xf32>
        tpu.vector_store %arg11[%swap3A_145, %swap3A_146], %swap3A_149 {strides = array<i32>} : memref<128x128xf32, #tpu.memory_space<vmem>>, vector<1x16xf32>,
        %get3A_150 = arith.index_cast %scan3A_101 : i32 to index
        %get3A_151 = arith.constant 48 : index
        %get3A_152 = tpu.vector_load %arg10[%get3A_150, %get3A_151] {strides = array<i32>} : memref<128x128xf32, #tpu.memory_space<vmem>>, vector<1x16xf32>,
        %get3A_153 = vector.shape_cast %get3A_152 : vector<1x16xf32> to vector<16xf32>
        %get3A_154 = arith.index_cast %scan3A_101 : i32 to index
        %get3A_155 = arith.constant 48 : index
        %get3A_156 = tpu.vector_load %arg11[%get3A_154, %get3A_155] {strides = array<i32>} : memref<128x128xf32, #tpu.memory_space<vmem>>, vector<1x16xf32>,
        %get3A_157 = vector.shape_cast %get3A_156 : vector<1x16xf32> to vector<16xf32>
        %add3A_158 = arith.addf %get3A_153, %get3A_157 : vector<16xf32>
        %max3A_159 = arith.constant 0.000000e+00 : f32
        %max3A_160 = vector.broadcast %max3A_159 : f32 to vector<16xf32>
        %max3A_161 = arith.maximumf %add3A_158, %max3A_160 : vector<16xf32>
        %swap3A_162 = arith.index_cast %scan3A_101 : i32 to index
        %swap3A_163 = arith.constant 48 : index
        %swap3A_164 = tpu.vector_load %arg11[%swap3A_162, %swap3A_163] {strides = array<i32>} : memref<128x128xf32, #tpu.memory_space<vmem>>, vector<1x16xf32>,
        %swap3A_165 = vector.shape_cast %swap3A_164 : vector<1x16xf32> to vector<16xf32>
        %swap3A_166 = vector.shape_cast %max3A_161 : vector<16xf32> to vector<1x16xf32>
        tpu.vector_store %arg11[%swap3A_162, %swap3A_163], %swap3A_166 {strides = array<i32>} : memref<128x128xf32, #tpu.memory_space<vmem>>, vector<1x16xf32>,
        %get3A_167 = arith.index_cast %scan3A_101 : i32 to index
        %get3A_168 = arith.constant 64 : index
        %get3A_169 = tpu.vector_load %arg10[%get3A_167, %get3A_168] {strides = array<i32>} : memref<128x128xf32, #tpu.memory_space<vmem>>, vector<1x16xf32>,
        %get3A_170 = vector.shape_cast %get3A_169 : vector<1x16xf32> to vector<16xf32>
        %get3A_171 = arith.index_cast %scan3A_101 : i32 to index
        %get3A_172 = arith.constant 64 : index
        %get3A_173 = tpu.vector_load %arg11[%get3A_171, %get3A_172] {strides = array<i32>} : memref<128x128xf32, #tpu.memory_space<vmem>>, vector<1x16xf32>,
        %get3A_174 = vector.shape_cast %get3A_173 : vector<1x16xf32> to vector<16xf32>
        %add3A_175 = arith.addf %get3A_170, %get3A_174 : vector<16xf32>
        %max3A_176 = arith.constant 0.000000e+00 : f32
        %max3A_177 = vector.broadcast %max3A_176 : f32 to vector<16xf32>
        %max3A_178 = arith.maximumf %add3A_175, %max3A_177 : vector<16xf32>
        %swap3A_179 = arith.index_cast %scan3A_101 : i32 to index
        %swap3A_180 = arith.constant 64 : index
        %swap3A_181 = tpu.vector_load %arg11[%swap3A_179, %swap3A_180] {strides = array<i32>} : memref<128x128xf32, #tpu.memory_space<vmem>>, vector<1x16xf32>,
        %swap3A_182 = vector.shape_cast %swap3A_181 : vector<1x16xf32> to vector<16xf32>
        %swap3A_183 = vector.shape_cast %max3A_178 : vector<16xf32> to vector<1x16xf32>
        tpu.vector_store %arg11[%swap3A_179, %swap3A_180], %swap3A_183 {strides = array<i32>} : memref<128x128xf32, #tpu.memory_space<vmem>>, vector<1x16xf32>,
        %get3A_184 = arith.index_cast %scan3A_101 : i32 to index
        %get3A_185 = arith.constant 80 : index
        %get3A_186 = tpu.vector_load %arg10[%get3A_184, %get3A_185] {strides = array<i32>} : memref<128x128xf32, #tpu.memory_space<vmem>>, vector<1x16xf32>,
        %get3A_187 = vector.shape_cast %get3A_186 : vector<1x16xf32> to vector<16xf32>
        %get3A_188 = arith.index_cast %scan3A_101 : i32 to index
        %get3A_189 = arith.constant 80 : index
        %get3A_190 = tpu.vector_load %arg11[%get3A_188, %get3A_189] {strides = array<i32>} : memref<128x128xf32, #tpu.memory_space<vmem>>, vector<1x16xf32>,
        %get3A_191 = vector.shape_cast %get3A_190 : vector<1x16xf32> to vector<16xf32>
        %add3A_192 = arith.addf %get3A_187, %get3A_191 : vector<16xf32>
        %max3A_193 = arith.constant 0.000000e+00 : f32
        %max3A_194 = vector.broadcast %max3A_193 : f32 to vector<16xf32>
        %max3A_195 = arith.maximumf %add3A_192, %max3A_194 : vector<16xf32>
        %swap3A_196 = arith.index_cast %scan3A_101 : i32 to index
        %swap3A_197 = arith.constant 80 : index
        %swap3A_198 = tpu.vector_load %arg11[%swap3A_196, %swap3A_197] {strides = array<i32>} : memref<128x128xf32, #tpu.memory_space<vmem>>, vector<1x16xf32>,
        %swap3A_199 = vector.shape_cast %swap3A_198 : vector<1x16xf32> to vector<16xf32>
        %swap3A_200 = vector.shape_cast %max3A_195 : vector<16xf32> to vector<1x16xf32>
        tpu.vector_store %arg11[%swap3A_196, %swap3A_197], %swap3A_200 {strides = array<i32>} : memref<128x128xf32, #tpu.memory_space<vmem>>, vector<1x16xf32>,
        %get3A_201 = arith.index_cast %scan3A_101 : i32 to index
        %get3A_202 = arith.constant 96 : index
        %get3A_203 = tpu.vector_load %arg10[%get3A_201, %get3A_202] {strides = array<i32>} : memref<128x128xf32, #tpu.memory_space<vmem>>, vector<1x16xf32>,
        %get3A_204 = vector.shape_cast %get3A_203 : vector<1x16xf32> to vector<16xf32>
        %get3A_205 = arith.index_cast %scan3A_101 : i32 to index
        %get3A_206 = arith.constant 96 : index
        %get3A_207 = tpu.vector_load %arg11[%get3A_205, %get3A_206] {strides = array<i32>} : memref<128x128xf32, #tpu.memory_space<vmem>>, vector<1x16xf32>,
        %get3A_208 = vector.shape_cast %get3A_207 : vector<1x16xf32> to vector<16xf32>
        %add3A_209 = arith.addf %get3A_204, %get3A_208 : vector<16xf32>
        %max3A_210 = arith.constant 0.000000e+00 : f32
        %max3A_211 = vector.broadcast %max3A_210 : f32 to vector<16xf32>
        %max3A_212 = arith.maximumf %add3A_209, %max3A_211 : vector<16xf32>
        %swap3A_213 = arith.index_cast %scan3A_101 : i32 to index
        %swap3A_214 = arith.constant 96 : index
        %swap3A_215 = tpu.vector_load %arg11[%swap3A_213, %swap3A_214] {strides = array<i32>} : memref<128x128xf32, #tpu.memory_space<vmem>>, vector<1x16xf32>,
        %swap3A_216 = vector.shape_cast %swap3A_215 : vector<1x16xf32> to vector<16xf32>
        %swap3A_217 = vector.shape_cast %max3A_212 : vector<16xf32> to vector<1x16xf32>
        tpu.vector_store %arg11[%swap3A_213, %swap3A_214], %swap3A_217 {strides = array<i32>} : memref<128x128xf32, #tpu.memory_space<vmem>>, vector<1x16xf32>,
        %get3A_218 = arith.index_cast %scan3A_101 : i32 to index
        %get3A_219 = arith.constant 112 : index
        %get3A_220 = tpu.vector_load %arg10[%get3A_218, %get3A_219] {strides = array<i32>} : memref<128x128xf32, #tpu.memory_space<vmem>>, vector<1x16xf32>,
        %get3A_221 = vector.shape_cast %get3A_220 : vector<1x16xf32> to vector<16xf32>
        %get3A_222 = arith.index_cast %scan3A_101 : i32 to index
        %get3A_223 = arith.constant 112 : index
        %get3A_224 = tpu.vector_load %arg11[%get3A_222, %get3A_223] {strides = array<i32>} : memref<128x128xf32, #tpu.memory_space<vmem>>, vector<1x16xf32>,
        %get3A_225 = vector.shape_cast %get3A_224 : vector<1x16xf32> to vector<16xf32>
        %add3A_226 = arith.addf %get3A_221, %get3A_225 : vector<16xf32>
        %max3A_227 = arith.constant 0.000000e+00 : f32
        %max3A_228 = vector.broadcast %max3A_227 : f32 to vector<16xf32>
        %max3A_229 = arith.maximumf %add3A_226, %max3A_228 : vector<16xf32>
        %swap3A_230 = arith.index_cast %scan3A_101 : i32 to index
        %swap3A_231 = arith.constant 112 : index
        %swap3A_232 = tpu.vector_load %arg11[%swap3A_230, %swap3A_231] {strides = array<i32>} : memref<128x128xf32, #tpu.memory_space<vmem>>, vector<1x16xf32>,
        %swap3A_233 = vector.shape_cast %swap3A_232 : vector<1x16xf32> to vector<16xf32>
        %swap3A_234 = vector.shape_cast %max3A_229 : vector<16xf32> to vector<1x16xf32>
        tpu.vector_store %arg11[%swap3A_230, %swap3A_231], %swap3A_234 {strides = array<i32>} : memref<128x128xf32, #tpu.memory_space<vmem>>, vector<1x16xf32>,
      }
      %scan3A_82 = arith.constant 128 : i32
      %add3A_83 = arith.constant 1 : i32
      %add3A_84 = arith.addi %while3A_60, %add3A_83 : i32
      %sub3A_85 = arith.constant 1 : i32
      %sub3A_86 = arith.subi %select_n3A, %sub3A_85 : i32
      %min3A_87 = arith.minsi %add3A_84, %sub3A_86 : i32
      %mul3A_88 = arith.constant 128 : i32
      %mul3A_89 = arith.muli %min3A_87, %mul3A_88 : i32
      %multiple_of3A_90 = tpu.assume_multiple %mul3A_89, 128 : i32
      %dma_start3A_91 = tpu.memref_slice %arg8[%multiple_of3A_90] : memref<10112xi32, #tpu.memory_space<vmem>> -> memref<128xi32, #tpu.memory_space<vmem>>
      %dma_start3A_92 = arith.constant 0 : i32
      %dma_start3A_93 = arith.constant 0 : i32
      %dma_start3A_94 = tpu.memref_slice %arg2[%dma_start3A_92, %dma_start3A_93] : memref<10000x128xf32, #tpu.memory_space<hbm>> -> memref<10000x128xf32, #tpu.memory_space<hbm>>
      tpu.enqueue_indirect_dma source(%dma_start3A_94 : memref<10000x128xf32, #tpu.memory_space<hbm>>) target(%arg10 : memref<128x128xf32, #tpu.memory_space<vmem>>) offsets(%dma_start3A_91 : memref<128xi32, #tpu.memory_space<vmem>>) semaphore(%arg13 : memref<!tpu.dma_semaphore, #tpu.memory_space<semaphore_mem>>)
      %dma_start3A_95 = arith.constant 0 : i32
      %dma_start3A_96 = tpu.memref_slice %arg9[%rem3A_62, %dma_start3A_95] : memref<2x128xi32, #tpu.memory_space<vmem>> -> memref<1x128xi32, #tpu.memory_space<vmem>>
      %dma_start3A_97 = tpu.memref_squeeze %dma_start3A_96 : memref<1x128xi32, #tpu.memory_space<vmem>> -> memref<128xi32, #tpu.memory_space<vmem>>
      %dma_start3A_98 = arith.constant 0 : i32
      %dma_start3A_99 = arith.constant 0 : i32
      %dma_start3A_100 = tpu.memref_slice %arg12[%dma_start3A_98, %dma_start3A_99] : memref<10000x128xf32, #tpu.memory_space<vmem_shared>> -> memref<10000x128xf32, #tpu.memory_space<vmem_shared>>
      tpu.enqueue_indirect_dma source(%arg11 : memref<128x128xf32, #tpu.memory_space<vmem>>) target(%dma_start3A_100 : memref<10000x128xf32, #tpu.memory_space<vmem_shared>>) offsets(%dma_start3A_97 : memref<128xi32, #tpu.memory_space<vmem>>) semaphore(%arg14 : memref<!tpu.dma_semaphore, #tpu.memory_space<semaphore_mem>>) {add = true}
    }
    %while3A_32 = arith.constant 1 : i32
    scf.for %while3A_60 = %while3A_30 to %while3A_26 step %while3A_32  : i32 {
      %rem3A_61 = arith.constant 2 : i32
      %rem3A_62 = arith.remsi %while3A_60, %rem3A_61 : i32
      %add3A_63 = arith.addi %add3A_15, %while3A_60 : i32
      %mul3A_64 = arith.constant 128 : i32
      %mul3A_65 = arith.muli %add3A_63, %mul3A_64 : i32
      %multiple_of3A_66 = tpu.assume_multiple %mul3A_65, 128 : i32
      "tpu.region"() ({
        %run_scoped3A = tpu.sem_alloc : memref<!tpu.dma_semaphore, #tpu.memory_space<semaphore_mem>>
        %dma_start3A_101 = arith.constant 0 : i32
        %dma_start3A_102 = tpu.memref_slice %arg9[%rem3A_62, %dma_start3A_101] : memref<2x128xi32, #tpu.memory_space<vmem>> -> memref<1x128xi32, #tpu.memory_space<vmem>>
        %dma_start3A_103 = tpu.memref_squeeze %dma_start3A_102 : memref<1x128xi32, #tpu.memory_space<vmem>> -> memref<128xi32, #tpu.memory_space<vmem>>
        %dma_start3A_104 = tpu.memref_slice %arg5[%multiple_of3A_66] : memref<320000xi32, #tpu.memory_space<hbm>> -> memref<128xi32, #tpu.memory_space<hbm>>
        %dma_start3A_105 = arith.constant 0 : i32
        %dma_start3A_106 = tpu.memref_slice %arg9[%rem3A_62, %dma_start3A_105] : memref<2x128xi32, #tpu.memory_space<vmem>> -> memref<1x128xi32, #tpu.memory_space<vmem>>
        %dma_start3A_107 = tpu.memref_squeeze %dma_start3A_106 : memref<1x128xi32, #tpu.memory_space<vmem>> -> memref<128xi32, #tpu.memory_space<vmem>>
        %dma_start3A_108 = tpu.memref_slice %arg5[%multiple_of3A_66] : memref<320000xi32, #tpu.memory_space<hbm>> -> memref<128xi32, #tpu.memory_space<hbm>>
        tpu.enqueue_dma source(%dma_start3A_108 : memref<128xi32, #tpu.memory_space<hbm>>) target(%dma_start3A_107 : memref<128xi32, #tpu.memory_space<vmem>>) target_semaphore(%run_scoped3A : memref<!tpu.dma_semaphore, #tpu.memory_space<semaphore_mem>>)
        %dma_wait3A_109 = arith.constant 0 : i32
        %dma_wait3A_110 = tpu.memref_slice %arg9[%rem3A_62, %dma_wait3A_109] : memref<2x128xi32, #tpu.memory_space<vmem>> -> memref<1x128xi32, #tpu.memory_space<vmem>>
        %dma_wait3A_111 = tpu.memref_squeeze %dma_wait3A_110 : memref<1x128xi32, #tpu.memory_space<vmem>> -> memref<128xi32, #tpu.memory_space<vmem>>
        %dma_wait3A_112 = tpu.memref_slice %arg5[%multiple_of3A_66] : memref<320000xi32, #tpu.memory_space<hbm>> -> memref<128xi32, #tpu.memory_space<hbm>>
        %dma_wait3A_113 = arith.constant 0 : i32
        %dma_wait3A_114 = tpu.memref_slice %arg9[%rem3A_62, %dma_wait3A_113] : memref<2x128xi32, #tpu.memory_space<vmem>> -> memref<1x128xi32, #tpu.memory_space<vmem>>
        %dma_wait3A_115 = tpu.memref_squeeze %dma_wait3A_114 : memref<1x128xi32, #tpu.memory_space<vmem>> -> memref<128xi32, #tpu.memory_space<vmem>>
        %dma_wait3A_116 = tpu.memref_slice %arg5[%multiple_of3A_66] : memref<320000xi32, #tpu.memory_space<hbm>> -> memref<128xi32, #tpu.memory_space<hbm>>
        tpu.wait_dma2 semaphore(%run_scoped3A : memref<!tpu.dma_semaphore, #tpu.memory_space<semaphore_mem>>) src(%dma_wait3A_116 : memref<128xi32, #tpu.memory_space<hbm>>) dst(%dma_wait3A_115 : memref<128xi32, #tpu.memory_space<vmem>>)
        tpu.yield
      }) : () -> ()
      %ge3A = arith.constant 1 : i32
      %ge3A_67 = arith.cmpi sge, %while3A_60, %ge3A : i32
      %convert_element_type3A_68 = arith.extui %ge3A_67 : i1 to i32
      %cond3A_69 = arith.constant 0 : i32
      %cond3A_70 = arith.cmpi ne, %convert_element_type3A_68, %cond3A_69 : i32
      scf.if %cond3A_70 {
        %sub3A_101 = arith.constant 1 : i32
        %sub3A_102 = arith.subi %sub3A_101, %rem3A_62 : i32
        %dma_wait3A_103 = arith.constant 0 : i32
        %dma_wait3A_104 = tpu.memref_slice %arg9[%sub3A_102, %dma_wait3A_103] : memref<2x128xi32, #tpu.memory_space<vmem>> -> memref<1x128xi32, #tpu.memory_space<vmem>>
        %dma_wait3A_105 = tpu.memref_squeeze %dma_wait3A_104 : memref<1x128xi32, #tpu.memory_space<vmem>> -> memref<128xi32, #tpu.memory_space<vmem>>
        %dma_wait3A_106 = arith.constant 0 : i32
        %dma_wait3A_107 = arith.constant 0 : i32
        %dma_wait3A_108 = tpu.memref_slice %arg12[%dma_wait3A_106, %dma_wait3A_107] : memref<10000x128xf32, #tpu.memory_space<vmem_shared>> -> memref<10000x128xf32, #tpu.memory_space<vmem_shared>>
        tpu.wait_indirect_dma semaphore(%arg14 : memref<!tpu.dma_semaphore, #tpu.memory_space<semaphore_mem>>) src(%arg11 : memref<128x128xf32, #tpu.memory_space<vmem>>) dst(%dma_wait3A_108 : memref<10000x128xf32, #tpu.memory_space<vmem_shared>>)
      } else {
      }
      "tpu.region"() ({
        %run_scoped3A = tpu.sem_alloc : memref<!tpu.dma_semaphore, #tpu.memory_space<semaphore_mem>>
        %dma_start3A_101 = arith.constant 0 : i32
        %dma_start3A_102 = tpu.memref_slice %arg3[%multiple_of3A_66, %dma_start3A_101] : memref<320000x128xf32, #tpu.memory_space<hbm>> -> memref<128x128xf32, #tpu.memory_space<hbm>>
        %dma_start3A_103 = arith.constant 0 : i32
        %dma_start3A_104 = tpu.memref_slice %arg3[%multiple_of3A_66, %dma_start3A_103] : memref<320000x128xf32, #tpu.memory_space<hbm>> -> memref<128x128xf32, #tpu.memory_space<hbm>>
        tpu.enqueue_dma source(%dma_start3A_104 : memref<128x128xf32, #tpu.memory_space<hbm>>) target(%arg11 : memref<128x128xf32, #tpu.memory_space<vmem>>) target_semaphore(%run_scoped3A : memref<!tpu.dma_semaphore, #tpu.memory_space<semaphore_mem>>)
        %dma_wait3A_105 = arith.constant 0 : i32
        %dma_wait3A_106 = tpu.memref_slice %arg3[%multiple_of3A_66, %dma_wait3A_105] : memref<320000x128xf32, #tpu.memory_space<hbm>> -> memref<128x128xf32, #tpu.memory_space<hbm>>
        %dma_wait3A_107 = arith.constant 0 : i32
        %dma_wait3A_108 = tpu.memref_slice %arg3[%multiple_of3A_66, %dma_wait3A_107] : memref<320000x128xf32, #tpu.memory_space<hbm>> -> memref<128x128xf32, #tpu.memory_space<hbm>>
        tpu.wait_dma2 semaphore(%run_scoped3A : memref<!tpu.dma_semaphore, #tpu.memory_space<semaphore_mem>>) src(%dma_wait3A_108 : memref<128x128xf32, #tpu.memory_space<hbm>>) dst(%arg11 : memref<128x128xf32, #tpu.memory_space<vmem>>)
        tpu.yield
      }) : () -> ()
      %mul3A_71 = arith.constant 128 : i32
      %mul3A_72 = arith.muli %while3A_60, %mul3A_71 : i32
      %multiple_of3A_73 = tpu.assume_multiple %mul3A_72, 128 : i32
      %dma_wait3A_74 = tpu.memref_slice %arg8[%multiple_of3A_73] : memref<10112xi32, #tpu.memory_space<vmem>> -> memref<128xi32, #tpu.memory_space<vmem>>
      %dma_wait3A_75 = arith.constant 0 : i32
      %dma_wait3A_76 = arith.constant 0 : i32
      %dma_wait3A_77 = tpu.memref_slice %arg2[%dma_wait3A_75, %dma_wait3A_76] : memref<10000x128xf32, #tpu.memory_space<hbm>> -> memref<10000x128xf32, #tpu.memory_space<hbm>>
      tpu.wait_indirect_dma semaphore(%arg13 : memref<!tpu.dma_semaphore, #tpu.memory_space<semaphore_mem>>) src(%dma_wait3A_77 : memref<10000x128xf32, #tpu.memory_space<hbm>>) dst(%arg10 : memref<128x128xf32, #tpu.memory_space<vmem>>)
      %scan3A = arith.constant 0 : i32
      %scan3A_78 = arith.constant 0 : i32
      %scan3A_79 = arith.constant 128 : i32
      %scan3A_80 = arith.addi %scan3A_78, %scan3A_79 : i32
      %scan3A_81 = arith.constant 1 : i32
      scf.for %scan3A_101 = %scan3A_78 to %scan3A_80 step %scan3A_81  : i32 {
        %get3A = arith.index_cast %scan3A_101 : i32 to index
        %get3A_102 = arith.constant 0 : index
        %get3A_103 = tpu.vector_load %arg10[%get3A, %get3A_102] {strides = array<i32>} : memref<128x128xf32, #tpu.memory_space<vmem>>, vector<1x16xf32>,
        %get3A_104 = vector.shape_cast %get3A_103 : vector<1x16xf32> to vector<16xf32>
        %get3A_105 = arith.index_cast %scan3A_101 : i32 to index
        %get3A_106 = arith.constant 0 : index
        %get3A_107 = tpu.vector_load %arg11[%get3A_105, %get3A_106] {strides = array<i32>} : memref<128x128xf32, #tpu.memory_space<vmem>>, vector<1x16xf32>,
        %get3A_108 = vector.shape_cast %get3A_107 : vector<1x16xf32> to vector<16xf32>
        %add3A_109 = arith.addf %get3A_104, %get3A_108 : vector<16xf32>
        %max3A = arith.constant 0.000000e+00 : f32
        %max3A_110 = vector.broadcast %max3A : f32 to vector<16xf32>
        %max3A_111 = arith.maximumf %add3A_109, %max3A_110 : vector<16xf32>
        %swap3A = arith.index_cast %scan3A_101 : i32 to index
        %swap3A_112 = arith.constant 0 : index
        %swap3A_113 = tpu.vector_load %arg11[%swap3A, %swap3A_112] {strides = array<i32>} : memref<128x128xf32, #tpu.memory_space<vmem>>, vector<1x16xf32>,
        %swap3A_114 = vector.shape_cast %swap3A_113 : vector<1x16xf32> to vector<16xf32>
        %swap3A_115 = vector.shape_cast %max3A_111 : vector<16xf32> to vector<1x16xf32>
        tpu.vector_store %arg11[%swap3A, %swap3A_112], %swap3A_115 {strides = array<i32>} : memref<128x128xf32, #tpu.memory_space<vmem>>, vector<1x16xf32>,
        %get3A_116 = arith.index_cast %scan3A_101 : i32 to index
        %get3A_117 = arith.constant 16 : index
        %get3A_118 = tpu.vector_load %arg10[%get3A_116, %get3A_117] {strides = array<i32>} : memref<128x128xf32, #tpu.memory_space<vmem>>, vector<1x16xf32>,
        %get3A_119 = vector.shape_cast %get3A_118 : vector<1x16xf32> to vector<16xf32>
        %get3A_120 = arith.index_cast %scan3A_101 : i32 to index
        %get3A_121 = arith.constant 16 : index
        %get3A_122 = tpu.vector_load %arg11[%get3A_120, %get3A_121] {strides = array<i32>} : memref<128x128xf32, #tpu.memory_space<vmem>>, vector<1x16xf32>,
        %get3A_123 = vector.shape_cast %get3A_122 : vector<1x16xf32> to vector<16xf32>
        %add3A_124 = arith.addf %get3A_119, %get3A_123 : vector<16xf32>
        %max3A_125 = arith.constant 0.000000e+00 : f32
        %max3A_126 = vector.broadcast %max3A_125 : f32 to vector<16xf32>
        %max3A_127 = arith.maximumf %add3A_124, %max3A_126 : vector<16xf32>
        %swap3A_128 = arith.index_cast %scan3A_101 : i32 to index
        %swap3A_129 = arith.constant 16 : index
        %swap3A_130 = tpu.vector_load %arg11[%swap3A_128, %swap3A_129] {strides = array<i32>} : memref<128x128xf32, #tpu.memory_space<vmem>>, vector<1x16xf32>,
        %swap3A_131 = vector.shape_cast %swap3A_130 : vector<1x16xf32> to vector<16xf32>
        %swap3A_132 = vector.shape_cast %max3A_127 : vector<16xf32> to vector<1x16xf32>
        tpu.vector_store %arg11[%swap3A_128, %swap3A_129], %swap3A_132 {strides = array<i32>} : memref<128x128xf32, #tpu.memory_space<vmem>>, vector<1x16xf32>,
        %get3A_133 = arith.index_cast %scan3A_101 : i32 to index
        %get3A_134 = arith.constant 32 : index
        %get3A_135 = tpu.vector_load %arg10[%get3A_133, %get3A_134] {strides = array<i32>} : memref<128x128xf32, #tpu.memory_space<vmem>>, vector<1x16xf32>,
        %get3A_136 = vector.shape_cast %get3A_135 : vector<1x16xf32> to vector<16xf32>
        %get3A_137 = arith.index_cast %scan3A_101 : i32 to index
        %get3A_138 = arith.constant 32 : index
        %get3A_139 = tpu.vector_load %arg11[%get3A_137, %get3A_138] {strides = array<i32>} : memref<128x128xf32, #tpu.memory_space<vmem>>, vector<1x16xf32>,
        %get3A_140 = vector.shape_cast %get3A_139 : vector<1x16xf32> to vector<16xf32>
        %add3A_141 = arith.addf %get3A_136, %get3A_140 : vector<16xf32>
        %max3A_142 = arith.constant 0.000000e+00 : f32
        %max3A_143 = vector.broadcast %max3A_142 : f32 to vector<16xf32>
        %max3A_144 = arith.maximumf %add3A_141, %max3A_143 : vector<16xf32>
        %swap3A_145 = arith.index_cast %scan3A_101 : i32 to index
        %swap3A_146 = arith.constant 32 : index
        %swap3A_147 = tpu.vector_load %arg11[%swap3A_145, %swap3A_146] {strides = array<i32>} : memref<128x128xf32, #tpu.memory_space<vmem>>, vector<1x16xf32>,
        %swap3A_148 = vector.shape_cast %swap3A_147 : vector<1x16xf32> to vector<16xf32>
        %swap3A_149 = vector.shape_cast %max3A_144 : vector<16xf32> to vector<1x16xf32>
        tpu.vector_store %arg11[%swap3A_145, %swap3A_146], %swap3A_149 {strides = array<i32>} : memref<128x128xf32, #tpu.memory_space<vmem>>, vector<1x16xf32>,
        %get3A_150 = arith.index_cast %scan3A_101 : i32 to index
        %get3A_151 = arith.constant 48 : index
        %get3A_152 = tpu.vector_load %arg10[%get3A_150, %get3A_151] {strides = array<i32>} : memref<128x128xf32, #tpu.memory_space<vmem>>, vector<1x16xf32>,
        %get3A_153 = vector.shape_cast %get3A_152 : vector<1x16xf32> to vector<16xf32>
        %get3A_154 = arith.index_cast %scan3A_101 : i32 to index
        %get3A_155 = arith.constant 48 : index
        %get3A_156 = tpu.vector_load %arg11[%get3A_154, %get3A_155] {strides = array<i32>} : memref<128x128xf32, #tpu.memory_space<vmem>>, vector<1x16xf32>,
        %get3A_157 = vector.shape_cast %get3A_156 : vector<1x16xf32> to vector<16xf32>
        %add3A_158 = arith.addf %get3A_153, %get3A_157 : vector<16xf32>
        %max3A_159 = arith.constant 0.000000e+00 : f32
        %max3A_160 = vector.broadcast %max3A_159 : f32 to vector<16xf32>
        %max3A_161 = arith.maximumf %add3A_158, %max3A_160 : vector<16xf32>
        %swap3A_162 = arith.index_cast %scan3A_101 : i32 to index
        %swap3A_163 = arith.constant 48 : index
        %swap3A_164 = tpu.vector_load %arg11[%swap3A_162, %swap3A_163] {strides = array<i32>} : memref<128x128xf32, #tpu.memory_space<vmem>>, vector<1x16xf32>,
        %swap3A_165 = vector.shape_cast %swap3A_164 : vector<1x16xf32> to vector<16xf32>
        %swap3A_166 = vector.shape_cast %max3A_161 : vector<16xf32> to vector<1x16xf32>
        tpu.vector_store %arg11[%swap3A_162, %swap3A_163], %swap3A_166 {strides = array<i32>} : memref<128x128xf32, #tpu.memory_space<vmem>>, vector<1x16xf32>,
        %get3A_167 = arith.index_cast %scan3A_101 : i32 to index
        %get3A_168 = arith.constant 64 : index
        %get3A_169 = tpu.vector_load %arg10[%get3A_167, %get3A_168] {strides = array<i32>} : memref<128x128xf32, #tpu.memory_space<vmem>>, vector<1x16xf32>,
        %get3A_170 = vector.shape_cast %get3A_169 : vector<1x16xf32> to vector<16xf32>
        %get3A_171 = arith.index_cast %scan3A_101 : i32 to index
        %get3A_172 = arith.constant 64 : index
        %get3A_173 = tpu.vector_load %arg11[%get3A_171, %get3A_172] {strides = array<i32>} : memref<128x128xf32, #tpu.memory_space<vmem>>, vector<1x16xf32>,
        %get3A_174 = vector.shape_cast %get3A_173 : vector<1x16xf32> to vector<16xf32>
        %add3A_175 = arith.addf %get3A_170, %get3A_174 : vector<16xf32>
        %max3A_176 = arith.constant 0.000000e+00 : f32
        %max3A_177 = vector.broadcast %max3A_176 : f32 to vector<16xf32>
        %max3A_178 = arith.maximumf %add3A_175, %max3A_177 : vector<16xf32>
        %swap3A_179 = arith.index_cast %scan3A_101 : i32 to index
        %swap3A_180 = arith.constant 64 : index
        %swap3A_181 = tpu.vector_load %arg11[%swap3A_179, %swap3A_180] {strides = array<i32>} : memref<128x128xf32, #tpu.memory_space<vmem>>, vector<1x16xf32>,
        %swap3A_182 = vector.shape_cast %swap3A_181 : vector<1x16xf32> to vector<16xf32>
        %swap3A_183 = vector.shape_cast %max3A_178 : vector<16xf32> to vector<1x16xf32>
        tpu.vector_store %arg11[%swap3A_179, %swap3A_180], %swap3A_183 {strides = array<i32>} : memref<128x128xf32, #tpu.memory_space<vmem>>, vector<1x16xf32>,
        %get3A_184 = arith.index_cast %scan3A_101 : i32 to index
        %get3A_185 = arith.constant 80 : index
        %get3A_186 = tpu.vector_load %arg10[%get3A_184, %get3A_185] {strides = array<i32>} : memref<128x128xf32, #tpu.memory_space<vmem>>, vector<1x16xf32>,
        %get3A_187 = vector.shape_cast %get3A_186 : vector<1x16xf32> to vector<16xf32>
        %get3A_188 = arith.index_cast %scan3A_101 : i32 to index
        %get3A_189 = arith.constant 80 : index
        %get3A_190 = tpu.vector_load %arg11[%get3A_188, %get3A_189] {strides = array<i32>} : memref<128x128xf32, #tpu.memory_space<vmem>>, vector<1x16xf32>,
        %get3A_191 = vector.shape_cast %get3A_190 : vector<1x16xf32> to vector<16xf32>
        %add3A_192 = arith.addf %get3A_187, %get3A_191 : vector<16xf32>
        %max3A_193 = arith.constant 0.000000e+00 : f32
        %max3A_194 = vector.broadcast %max3A_193 : f32 to vector<16xf32>
        %max3A_195 = arith.maximumf %add3A_192, %max3A_194 : vector<16xf32>
        %swap3A_196 = arith.index_cast %scan3A_101 : i32 to index
        %swap3A_197 = arith.constant 80 : index
        %swap3A_198 = tpu.vector_load %arg11[%swap3A_196, %swap3A_197] {strides = array<i32>} : memref<128x128xf32, #tpu.memory_space<vmem>>, vector<1x16xf32>,
        %swap3A_199 = vector.shape_cast %swap3A_198 : vector<1x16xf32> to vector<16xf32>
        %swap3A_200 = vector.shape_cast %max3A_195 : vector<16xf32> to vector<1x16xf32>
        tpu.vector_store %arg11[%swap3A_196, %swap3A_197], %swap3A_200 {strides = array<i32>} : memref<128x128xf32, #tpu.memory_space<vmem>>, vector<1x16xf32>,
        %get3A_201 = arith.index_cast %scan3A_101 : i32 to index
        %get3A_202 = arith.constant 96 : index
        %get3A_203 = tpu.vector_load %arg10[%get3A_201, %get3A_202] {strides = array<i32>} : memref<128x128xf32, #tpu.memory_space<vmem>>, vector<1x16xf32>,
        %get3A_204 = vector.shape_cast %get3A_203 : vector<1x16xf32> to vector<16xf32>
        %get3A_205 = arith.index_cast %scan3A_101 : i32 to index
        %get3A_206 = arith.constant 96 : index
        %get3A_207 = tpu.vector_load %arg11[%get3A_205, %get3A_206] {strides = array<i32>} : memref<128x128xf32, #tpu.memory_space<vmem>>, vector<1x16xf32>,
        %get3A_208 = vector.shape_cast %get3A_207 : vector<1x16xf32> to vector<16xf32>
        %add3A_209 = arith.addf %get3A_204, %get3A_208 : vector<16xf32>
        %max3A_210 = arith.constant 0.000000e+00 : f32
        %max3A_211 = vector.broadcast %max3A_210 : f32 to vector<16xf32>
        %max3A_212 = arith.maximumf %add3A_209, %max3A_211 : vector<16xf32>
        %swap3A_213 = arith.index_cast %scan3A_101 : i32 to index
        %swap3A_214 = arith.constant 96 : index
        %swap3A_215 = tpu.vector_load %arg11[%swap3A_213, %swap3A_214] {strides = array<i32>} : memref<128x128xf32, #tpu.memory_space<vmem>>, vector<1x16xf32>,
        %swap3A_216 = vector.shape_cast %swap3A_215 : vector<1x16xf32> to vector<16xf32>
        %swap3A_217 = vector.shape_cast %max3A_212 : vector<16xf32> to vector<1x16xf32>
        tpu.vector_store %arg11[%swap3A_213, %swap3A_214], %swap3A_217 {strides = array<i32>} : memref<128x128xf32, #tpu.memory_space<vmem>>, vector<1x16xf32>,
        %get3A_218 = arith.index_cast %scan3A_101 : i32 to index
        %get3A_219 = arith.constant 112 : index
        %get3A_220 = tpu.vector_load %arg10[%get3A_218, %get3A_219] {strides = array<i32>} : memref<128x128xf32, #tpu.memory_space<vmem>>, vector<1x16xf32>,
        %get3A_221 = vector.shape_cast %get3A_220 : vector<1x16xf32> to vector<16xf32>
        %get3A_222 = arith.index_cast %scan3A_101 : i32 to index
        %get3A_223 = arith.constant 112 : index
        %get3A_224 = tpu.vector_load %arg11[%get3A_222, %get3A_223] {strides = array<i32>} : memref<128x128xf32, #tpu.memory_space<vmem>>, vector<1x16xf32>,
        %get3A_225 = vector.shape_cast %get3A_224 : vector<1x16xf32> to vector<16xf32>
        %add3A_226 = arith.addf %get3A_221, %get3A_225 : vector<16xf32>
        %max3A_227 = arith.constant 0.000000e+00 : f32
        %max3A_228 = vector.broadcast %max3A_227 : f32 to vector<16xf32>
        %max3A_229 = arith.maximumf %add3A_226, %max3A_228 : vector<16xf32>
        %swap3A_230 = arith.index_cast %scan3A_101 : i32 to index
        %swap3A_231 = arith.constant 112 : index
        %swap3A_232 = tpu.vector_load %arg11[%swap3A_230, %swap3A_231] {strides = array<i32>} : memref<128x128xf32, #tpu.memory_space<vmem>>, vector<1x16xf32>,
        %swap3A_233 = vector.shape_cast %swap3A_232 : vector<1x16xf32> to vector<16xf32>
        %swap3A_234 = vector.shape_cast %max3A_229 : vector<16xf32> to vector<1x16xf32>
        tpu.vector_store %arg11[%swap3A_230, %swap3A_231], %swap3A_234 {strides = array<i32>} : memref<128x128xf32, #tpu.memory_space<vmem>>, vector<1x16xf32>,
      }
      %scan3A_82 = arith.constant 128 : i32
      %add3A_83 = arith.constant 1 : i32
      %add3A_84 = arith.addi %while3A_60, %add3A_83 : i32
      %sub3A_85 = arith.constant 1 : i32
      %sub3A_86 = arith.subi %select_n3A, %sub3A_85 : i32
      %min3A_87 = arith.minsi %add3A_84, %sub3A_86 : i32
      %mul3A_88 = arith.constant 128 : i32
      %mul3A_89 = arith.muli %min3A_87, %mul3A_88 : i32
      %multiple_of3A_90 = tpu.assume_multiple %mul3A_89, 128 : i32
      %dma_start3A_91 = tpu.memref_slice %arg8[%multiple_of3A_90] : memref<10112xi32, #tpu.memory_space<vmem>> -> memref<128xi32, #tpu.memory_space<vmem>>
      %dma_start3A_92 = arith.constant 0 : i32
      %dma_start3A_93 = arith.constant 0 : i32
      %dma_start3A_94 = tpu.memref_slice %arg2[%dma_start3A_92, %dma_start3A_93] : memref<10000x128xf32, #tpu.memory_space<hbm>> -> memref<10000x128xf32, #tpu.memory_space<hbm>>
      tpu.enqueue_indirect_dma source(%dma_start3A_94 : memref<10000x128xf32, #tpu.memory_space<hbm>>) target(%arg10 : memref<128x128xf32, #tpu.memory_space<vmem>>) offsets(%dma_start3A_91 : memref<128xi32, #tpu.memory_space<vmem>>) semaphore(%arg13 : memref<!tpu.dma_semaphore, #tpu.memory_space<semaphore_mem>>)
      %dma_start3A_95 = arith.constant 0 : i32
      %dma_start3A_96 = tpu.memref_slice %arg9[%rem3A_62, %dma_start3A_95] : memref<2x128xi32, #tpu.memory_space<vmem>> -> memref<1x128xi32, #tpu.memory_space<vmem>>
      %dma_start3A_97 = tpu.memref_squeeze %dma_start3A_96 : memref<1x128xi32, #tpu.memory_space<vmem>> -> memref<128xi32, #tpu.memory_space<vmem>>
      %dma_start3A_98 = arith.constant 0 : i32
      %dma_start3A_99 = arith.constant 0 : i32
      %dma_start3A_100 = tpu.memref_slice %arg12[%dma_start3A_98, %dma_start3A_99] : memref<10000x128xf32, #tpu.memory_space<vmem_shared>> -> memref<10000x128xf32, #tpu.memory_space<vmem_shared>>
      tpu.enqueue_indirect_dma source(%arg11 : memref<128x128xf32, #tpu.memory_space<vmem>>) target(%dma_start3A_100 : memref<10000x128xf32, #tpu.memory_space<vmem_shared>>) offsets(%dma_start3A_97 : memref<128xi32, #tpu.memory_space<vmem>>) semaphore(%arg14 : memref<!tpu.dma_semaphore, #tpu.memory_space<semaphore_mem>>) {add = true}
    }
    %sub3A = arith.constant 1 : i32
    %sub3A_33 = arith.subi %select_n3A, %sub3A : i32
    %mul3A_34 = arith.constant 128 : i32
    %mul3A_35 = arith.muli %sub3A_33, %mul3A_34 : i32
    %multiple_of3A_36 = tpu.assume_multiple %mul3A_35, 128 : i32
    %dma_wait3A = tpu.memref_slice %arg8[%multiple_of3A_36] : memref<10112xi32, #tpu.memory_space<vmem>> -> memref<128xi32, #tpu.memory_space<vmem>>
    %dma_wait3A_37 = arith.constant 0 : i32
    %dma_wait3A_38 = arith.constant 0 : i32
    %dma_wait3A_39 = tpu.memref_slice %arg2[%dma_wait3A_37, %dma_wait3A_38] : memref<10000x128xf32, #tpu.memory_space<hbm>> -> memref<10000x128xf32, #tpu.memory_space<hbm>>
    tpu.wait_indirect_dma semaphore(%arg13 : memref<!tpu.dma_semaphore, #tpu.memory_space<semaphore_mem>>) src(%dma_wait3A_39 : memref<10000x128xf32, #tpu.memory_space<hbm>>) dst(%arg10 : memref<128x128xf32, #tpu.memory_space<vmem>>)
    %sub3A_40 = arith.constant 1 : i32
    %sub3A_41 = arith.subi %select_n3A, %sub3A_40 : i32
    %rem3A = arith.constant 2 : i32
    %rem3A_42 = arith.remsi %sub3A_41, %rem3A : i32
    %dma_wait3A_43 = arith.constant 0 : i32
    %dma_wait3A_44 = tpu.memref_slice %arg9[%rem3A_42, %dma_wait3A_43] : memref<2x128xi32, #tpu.memory_space<vmem>> -> memref<1x128xi32, #tpu.memory_space<vmem>>
    %dma_wait3A_45 = tpu.memref_squeeze %dma_wait3A_44 : memref<1x128xi32, #tpu.memory_space<vmem>> -> memref<128xi32, #tpu.memory_space<vmem>>
    %dma_wait3A_46 = arith.constant 0 : i32
    %dma_wait3A_47 = arith.constant 0 : i32
    %dma_wait3A_48 = tpu.memref_slice %arg12[%dma_wait3A_46, %dma_wait3A_47] : memref<10000x128xf32, #tpu.memory_space<vmem_shared>> -> memref<10000x128xf32, #tpu.memory_space<vmem_shared>>
    tpu.wait_indirect_dma semaphore(%arg14 : memref<!tpu.dma_semaphore, #tpu.memory_space<semaphore_mem>>) src(%arg11 : memref<128x128xf32, #tpu.memory_space<vmem>>) dst(%dma_wait3A_48 : memref<10000x128xf32, #tpu.memory_space<vmem_shared>>)
    %barrier3A_49 = arith.constant 0 : index
    tpu.barrier barrier_id(%barrier3A_49)
    %lt3A_50 = arith.constant 15 : i32
    %lt3A_51 = arith.cmpi slt, %arg1, %lt3A_50 : i32
    %convert_element_type3A_52 = arith.extui %lt3A_51 : i1 to i32
    %cond3A_53 = arith.constant 0 : i32
    %cond3A_54 = arith.cmpi ne, %convert_element_type3A_52, %cond3A_53 : i32
    scf.if %cond3A_54 {
      "tpu.region"() ({
        %run_scoped3A = tpu.sem_alloc : memref<!tpu.dma_semaphore, #tpu.memory_space<semaphore_mem>>
        %dma_start3A_60 = arith.constant 0 : i32
        %dma_start3A_61 = tpu.memref_slice %arg7[%arg0, %multiple_of3A, %dma_start3A_60] : memref<2x10000x128xf32, #tpu.memory_space<hbm>> -> memref<1x632x128xf32, #tpu.memory_space<hbm>>
        %dma_start3A_62 = tpu.memref_squeeze %dma_start3A_61 : memref<1x632x128xf32, #tpu.memory_space<hbm>> -> memref<632x128xf32, #tpu.memory_space<hbm>>
        %dma_start3A_63 = arith.constant 0 : i32
        %dma_start3A_64 = tpu.memref_slice %arg12[%multiple_of3A, %dma_start3A_63] : memref<10000x128xf32, #tpu.memory_space<vmem_shared>> -> memref<632x128xf32, #tpu.memory_space<vmem_shared>>
        tpu.enqueue_dma source(%dma_start3A_64 : memref<632x128xf32, #tpu.memory_space<vmem_shared>>) target(%dma_start3A_62 : memref<632x128xf32, #tpu.memory_space<hbm>>) target_semaphore(%run_scoped3A : memref<!tpu.dma_semaphore, #tpu.memory_space<semaphore_mem>>)
        %dma_wait3A_65 = arith.constant 0 : i32
        %dma_wait3A_66 = tpu.memref_slice %arg7[%arg0, %multiple_of3A, %dma_wait3A_65] : memref<2x10000x128xf32, #tpu.memory_space<hbm>> -> memref<1x632x128xf32, #tpu.memory_space<hbm>>
        %dma_wait3A_67 = tpu.memref_squeeze %dma_wait3A_66 : memref<1x632x128xf32, #tpu.memory_space<hbm>> -> memref<632x128xf32, #tpu.memory_space<hbm>>
        %dma_wait3A_68 = arith.constant 0 : i32
        %dma_wait3A_69 = tpu.memref_slice %arg12[%multiple_of3A, %dma_wait3A_68] : memref<10000x128xf32, #tpu.memory_space<vmem_shared>> -> memref<632x128xf32, #tpu.memory_space<vmem_shared>>
        tpu.wait_dma2 semaphore(%run_scoped3A : memref<!tpu.dma_semaphore, #tpu.memory_space<semaphore_mem>>) src(%dma_wait3A_69 : memref<632x128xf32, #tpu.memory_space<vmem_shared>>) dst(%dma_wait3A_67 : memref<632x128xf32, #tpu.memory_space<hbm>>)
        tpu.yield
      }) : () -> ()
    } else {
    }
    %eq3A_55 = arith.constant 15 : i32
    %eq3A_56 = arith.cmpi eq, %arg1, %eq3A_55 : i32
    %convert_element_type3A_57 = arith.extui %eq3A_56 : i1 to i32
    %cond3A_58 = arith.constant 0 : i32
    %cond3A_59 = arith.cmpi ne, %convert_element_type3A_57, %cond3A_58 : i32
    scf.if %cond3A_59 {
      "tpu.region"() ({
        %run_scoped3A = tpu.sem_alloc : memref<!tpu.dma_semaphore, #tpu.memory_space<semaphore_mem>>
        %dma_start3A_60 = arith.constant 0 : i32
        %dma_start3A_61 = tpu.memref_slice %arg7[%arg0, %multiple_of3A, %dma_start3A_60] : memref<2x10000x128xf32, #tpu.memory_space<hbm>> -> memref<1x520x128xf32, #tpu.memory_space<hbm>>
        %dma_start3A_62 = tpu.memref_squeeze %dma_start3A_61 : memref<1x520x128xf32, #tpu.memory_space<hbm>> -> memref<520x128xf32, #tpu.memory_space<hbm>>
        %dma_start3A_63 = arith.constant 0 : i32
        %dma_start3A_64 = tpu.memref_slice %arg12[%multiple_of3A, %dma_start3A_63] : memref<10000x128xf32, #tpu.memory_space<vmem_shared>> -> memref<520x128xf32, #tpu.memory_space<vmem_shared>>
        tpu.enqueue_dma source(%dma_start3A_64 : memref<520x128xf32, #tpu.memory_space<vmem_shared>>) target(%dma_start3A_62 : memref<520x128xf32, #tpu.memory_space<hbm>>) target_semaphore(%run_scoped3A : memref<!tpu.dma_semaphore, #tpu.memory_space<semaphore_mem>>)
        %dma_wait3A_65 = arith.constant 0 : i32
        %dma_wait3A_66 = tpu.memref_slice %arg7[%arg0, %multiple_of3A, %dma_wait3A_65] : memref<2x10000x128xf32, #tpu.memory_space<hbm>> -> memref<1x520x128xf32, #tpu.memory_space<hbm>>
        %dma_wait3A_67 = tpu.memref_squeeze %dma_wait3A_66 : memref<1x520x128xf32, #tpu.memory_space<hbm>> -> memref<520x128xf32, #tpu.memory_space<hbm>>
        %dma_wait3A_68 = arith.constant 0 : i32
        %dma_wait3A_69 = tpu.memref_slice %arg12[%multiple_of3A, %dma_wait3A_68] : memref<10000x128xf32, #tpu.memory_space<vmem_shared>> -> memref<520x128xf32, #tpu.memory_space<vmem_shared>>
        tpu.wait_dma2 semaphore(%run_scoped3A : memref<!tpu.dma_semaphore, #tpu.memory_space<semaphore_mem>>) src(%dma_wait3A_69 : memref<520x128xf32, #tpu.memory_space<vmem_shared>>) dst(%dma_wait3A_67 : memref<520x128xf32, #tpu.memory_space<hbm>>)
        tpu.yield
      }) : () -> ()
    } else {
    }
    return
  }
}

#map = affine_map<(d0, d1) -> (0, 0)>
#map1 = affine_map<(d0, d1) -> (0)>
#map2 = affine_map<(d0, d1) -> (0, 0, 0)>
module attributes {stable_mosaic.version = 14 : i64} {
  func.func @k(%arg0: i32, %arg1: i32, %arg2: memref<10000x128xf32, #tpu.memory_space<hbm>>, %arg3: memref<320000x128xf32, #tpu.memory_space<hbm>>, %arg4: memref<321024xi32, #tpu.memory_space<hbm>>, %arg5: memref<320000xi32, #tpu.memory_space<hbm>>, %arg6: memref<10000x128xf32, #tpu.memory_space<hbm>>, %arg7: memref<2x10000x128xf32, #tpu.memory_space<hbm>>, %arg8: memref<10112xi32, #tpu.memory_space<vmem>>, %arg9: memref<2x128xi32, #tpu.memory_space<vmem>>, %arg10: memref<128x128xf32, #tpu.memory_space<vmem>>, %arg11: memref<128x128xf32, #tpu.memory_space<vmem>>, %arg12: memref<10000x128xf32, #tpu.memory_space<vmem_shared>>, %arg13: memref<!tpu.dma_semaphore, #tpu.memory_space<semaphore_mem>>, %arg14: memref<!tpu.dma_semaphore, #tpu.memory_space<semaphore_mem>>) attributes {dimension_semantics = [#tpu.dimension_semantics<core_parallel>, #tpu.dimension_semantics<subcore_parallel>], iteration_bounds = array<i64: 2, 16>, scalar_prefetch = 0 : i64, scratch_operands = 7 : i64, tpu.core_type = #tpu.core_type<sc_vector_subcore>, window_params = [{transform_indices = #map}, {transform_indices = #map}, {transform_indices = #map1}, {transform_indices = #map1}, {transform_indices = #map}, {transform_indices = #map2}]} {
    %mul3A = arith.constant 2 : i32
    %mul3A_0 = arith.muli %arg1, %mul3A : i32
    %add3A = arith.addi %mul3A_0, %arg0 : i32
    %mul3A_1 = arith.constant 632 : i32
    %mul3A_2 = arith.muli %arg1, %mul3A_1 : i32
    %multiple_of3A = tpu.assume_multiple %mul3A_2, 8 : i32
    %lt3A = arith.constant 15 : i32
    %lt3A_3 = arith.cmpi slt, %arg1, %lt3A : i32
    %convert_element_type3A = arith.extui %lt3A_3 : i1 to i32
    %cond3A = arith.constant 0 : i32
    %cond3A_4 = arith.cmpi ne, %convert_element_type3A, %cond3A : i32
    scf.if %cond3A_4 {
      "tpu.region"() ({
        %run_scoped3A = tpu.sem_alloc : memref<!tpu.dma_semaphore, #tpu.memory_space<semaphore_mem>>
        %dma_start3A_60 = arith.constant 0 : i32
        %dma_start3A_61 = tpu.memref_slice %arg12[%multiple_of3A, %dma_start3A_60] : memref<10000x128xf32, #tpu.memory_space<vmem_shared>> -> memref<632x128xf32, #tpu.memory_space<vmem_shared>>
        %dma_start3A_62 = arith.constant 0 : i32
        %dma_start3A_63 = tpu.memref_slice %arg6[%multiple_of3A, %dma_start3A_62] : memref<10000x128xf32, #tpu.memory_space<hbm>> -> memref<632x128xf32, #tpu.memory_space<hbm>>
        tpu.enqueue_dma source(%dma_start3A_63 : memref<632x128xf32, #tpu.memory_space<hbm>>) target(%dma_start3A_61 : memref<632x128xf32, #tpu.memory_space<vmem_shared>>) target_semaphore(%run_scoped3A : memref<!tpu.dma_semaphore, #tpu.memory_space<semaphore_mem>>)
        %dma_wait3A_64 = arith.constant 0 : i32
        %dma_wait3A_65 = tpu.memref_slice %arg12[%multiple_of3A, %dma_wait3A_64] : memref<10000x128xf32, #tpu.memory_space<vmem_shared>> -> memref<632x128xf32, #tpu.memory_space<vmem_shared>>
        %dma_wait3A_66 = arith.constant 0 : i32
        %dma_wait3A_67 = tpu.memref_slice %arg6[%multiple_of3A, %dma_wait3A_66] : memref<10000x128xf32, #tpu.memory_space<hbm>> -> memref<632x128xf32, #tpu.memory_space<hbm>>
        tpu.wait_dma2 semaphore(%run_scoped3A : memref<!tpu.dma_semaphore, #tpu.memory_space<semaphore_mem>>) src(%dma_wait3A_67 : memref<632x128xf32, #tpu.memory_space<hbm>>) dst(%dma_wait3A_65 : memref<632x128xf32, #tpu.memory_space<vmem_shared>>)
        tpu.yield
      }) : () -> ()
    } else {
    }
    %eq3A = arith.constant 15 : i32
    %eq3A_5 = arith.cmpi eq, %arg1, %eq3A : i32
    %convert_element_type3A_6 = arith.extui %eq3A_5 : i1 to i32
    %cond3A_7 = arith.constant 0 : i32
    %cond3A_8 = arith.cmpi ne, %convert_element_type3A_6, %cond3A_7 : i32
    scf.if %cond3A_8 {
      "tpu.region"() ({
        %run_scoped3A = tpu.sem_alloc : memref<!tpu.dma_semaphore, #tpu.memory_space<semaphore_mem>>
        %dma_start3A_60 = arith.constant 0 : i32
        %dma_start3A_61 = tpu.memref_slice %arg12[%multiple_of3A, %dma_start3A_60] : memref<10000x128xf32, #tpu.memory_space<vmem_shared>> -> memref<520x128xf32, #tpu.memory_space<vmem_shared>>
        %dma_start3A_62 = arith.constant 0 : i32
        %dma_start3A_63 = tpu.memref_slice %arg6[%multiple_of3A, %dma_start3A_62] : memref<10000x128xf32, #tpu.memory_space<hbm>> -> memref<520x128xf32, #tpu.memory_space<hbm>>
        tpu.enqueue_dma source(%dma_start3A_63 : memref<520x128xf32, #tpu.memory_space<hbm>>) target(%dma_start3A_61 : memref<520x128xf32, #tpu.memory_space<vmem_shared>>) target_semaphore(%run_scoped3A : memref<!tpu.dma_semaphore, #tpu.memory_space<semaphore_mem>>)
        %dma_wait3A_64 = arith.constant 0 : i32
        %dma_wait3A_65 = tpu.memref_slice %arg12[%multiple_of3A, %dma_wait3A_64] : memref<10000x128xf32, #tpu.memory_space<vmem_shared>> -> memref<520x128xf32, #tpu.memory_space<vmem_shared>>
        %dma_wait3A_66 = arith.constant 0 : i32
        %dma_wait3A_67 = tpu.memref_slice %arg6[%multiple_of3A, %dma_wait3A_66] : memref<10000x128xf32, #tpu.memory_space<hbm>> -> memref<520x128xf32, #tpu.memory_space<hbm>>
        tpu.wait_dma2 semaphore(%run_scoped3A : memref<!tpu.dma_semaphore, #tpu.memory_space<semaphore_mem>>) src(%dma_wait3A_67 : memref<520x128xf32, #tpu.memory_space<hbm>>) dst(%dma_wait3A_65 : memref<520x128xf32, #tpu.memory_space<vmem_shared>>)
        tpu.yield
      }) : () -> ()
    } else {
    }
    %barrier3A = arith.constant 0 : index
    tpu.barrier barrier_id(%barrier3A)
    %lt3A_9 = arith.constant 4 : i32
    %lt3A_10 = arith.cmpi slt, %add3A, %lt3A_9 : i32
    %jit3A = arith.constant 79 : i32
    %jit3A_11 = arith.constant 78 : i32
    %select_n3A = arith.select %lt3A_10, %jit3A, %jit3A_11 : i32
    %mul3A_12 = arith.constant 78 : i32
    %mul3A_13 = arith.muli %add3A, %mul3A_12 : i32
    %min3A = arith.constant 4 : i32
    %min3A_14 = arith.minsi %add3A, %min3A : i32
    %add3A_15 = arith.addi %mul3A_13, %min3A_14 : i32
    %mul3A_16 = arith.constant 128 : i32
    %mul3A_17 = arith.muli %add3A_15, %mul3A_16 : i32
    %multiple_of3A_18 = tpu.assume_multiple %mul3A_17, 128 : i32
    "tpu.region"() ({
      %run_scoped3A = tpu.sem_alloc : memref<!tpu.dma_semaphore, #tpu.memory_space<semaphore_mem>>
      %dma_start3A_60 = tpu.memref_slice %arg4[%multiple_of3A_18] : memref<321024xi32, #tpu.memory_space<hbm>> -> memref<10112xi32, #tpu.memory_space<hbm>>
      %dma_start3A_61 = tpu.memref_slice %arg4[%multiple_of3A_18] : memref<321024xi32, #tpu.memory_space<hbm>> -> memref<10112xi32, #tpu.memory_space<hbm>>
      tpu.enqueue_dma source(%dma_start3A_61 : memref<10112xi32, #tpu.memory_space<hbm>>) target(%arg8 : memref<10112xi32, #tpu.memory_space<vmem>>) target_semaphore(%run_scoped3A : memref<!tpu.dma_semaphore, #tpu.memory_space<semaphore_mem>>)
      %dma_wait3A_62 = tpu.memref_slice %arg4[%multiple_of3A_18] : memref<321024xi32, #tpu.memory_space<hbm>> -> memref<10112xi32, #tpu.memory_space<hbm>>
      %dma_wait3A_63 = tpu.memref_slice %arg4[%multiple_of3A_18] : memref<321024xi32, #tpu.memory_space<hbm>> -> memref<10112xi32, #tpu.memory_space<hbm>>
      tpu.wait_dma2 semaphore(%run_scoped3A : memref<!tpu.dma_semaphore, #tpu.memory_space<semaphore_mem>>) src(%dma_wait3A_63 : memref<10112xi32, #tpu.memory_space<hbm>>) dst(%arg8 : memref<10112xi32, #tpu.memory_space<vmem>>)
      tpu.yield
    }) : () -> ()
    %multiple_of3A_19 = arith.constant 0 : i32
    %multiple_of3A_20 = tpu.assume_multiple %multiple_of3A_19, 128 : i32
    %dma_start3A = tpu.memref_slice %arg8[%multiple_of3A_20] : memref<10112xi32, #tpu.memory_space<vmem>> -> memref<128xi32, #tpu.memory_space<vmem>>
    %dma_start3A_21 = arith.constant 0 : i32
    %dma_start3A_22 = arith.constant 0 : i32
    %dma_start3A_23 = tpu.memref_slice %arg2[%dma_start3A_21, %dma_start3A_22] : memref<10000x128xf32, #tpu.memory_space<hbm>> -> memref<10000x128xf32, #tpu.memory_space<hbm>>
    tpu.enqueue_indirect_dma source(%dma_start3A_23 : memref<10000x128xf32, #tpu.memory_space<hbm>>) target(%arg10 : memref<128x128xf32, #tpu.memory_space<vmem>>) offsets(%dma_start3A : memref<128xi32, #tpu.memory_space<vmem>>) semaphore(%arg13 : memref<!tpu.dma_semaphore, #tpu.memory_space<semaphore_mem>>)
    %while3A = arith.constant 0 : i32
    %while3A_24 = arith.constant 0 : i32
    %while3A_25 = arith.subi %select_n3A, %while3A_24 : i32
    %while3A_26 = arith.addi %while3A_24, %while3A_25 : i32
    %while3A_27 = arith.constant 1 : i32
    %while3A_28 = arith.divsi %while3A_25, %while3A_27 : i32
    %while3A_29 = arith.muli %while3A_28, %while3A_27 : i32
    %while3A_30 = arith.addi %while3A_24, %while3A_29 : i32
    %while3A_31 = arith.constant 1 : i32
    scf.for %while3A_60 = %while3A_24 to %while3A_30 step %while3A_31  : i32 {
      %rem3A_61 = arith.constant 2 : i32
      %rem3A_62 = arith.remsi %while3A_60, %rem3A_61 : i32
      %add3A_63 = arith.addi %add3A_15, %while3A_60 : i32
      %mul3A_64 = arith.constant 128 : i32
      %mul3A_65 = arith.muli %add3A_63, %mul3A_64 : i32
      %multiple_of3A_66 = tpu.assume_multiple %mul3A_65, 128 : i32
      "tpu.region"() ({
        %run_scoped3A = tpu.sem_alloc : memref<!tpu.dma_semaphore, #tpu.memory_space<semaphore_mem>>
        %dma_start3A_101 = arith.constant 0 : i32
        %dma_start3A_102 = tpu.memref_slice %arg9[%rem3A_62, %dma_start3A_101] : memref<2x128xi32, #tpu.memory_space<vmem>> -> memref<1x128xi32, #tpu.memory_space<vmem>>
        %dma_start3A_103 = tpu.memref_squeeze %dma_start3A_102 : memref<1x128xi32, #tpu.memory_space<vmem>> -> memref<128xi32, #tpu.memory_space<vmem>>
        %dma_start3A_104 = tpu.memref_slice %arg5[%multiple_of3A_66] : memref<320000xi32, #tpu.memory_space<hbm>> -> memref<128xi32, #tpu.memory_space<hbm>>
        %dma_start3A_105 = arith.constant 0 : i32
        %dma_start3A_106 = tpu.memref_slice %arg9[%rem3A_62, %dma_start3A_105] : memref<2x128xi32, #tpu.memory_space<vmem>> -> memref<1x128xi32, #tpu.memory_space<vmem>>
        %dma_start3A_107 = tpu.memref_squeeze %dma_start3A_106 : memref<1x128xi32, #tpu.memory_space<vmem>> -> memref<128xi32, #tpu.memory_space<vmem>>
        %dma_start3A_108 = tpu.memref_slice %arg5[%multiple_of3A_66] : memref<320000xi32, #tpu.memory_space<hbm>> -> memref<128xi32, #tpu.memory_space<hbm>>
        tpu.enqueue_dma source(%dma_start3A_108 : memref<128xi32, #tpu.memory_space<hbm>>) target(%dma_start3A_107 : memref<128xi32, #tpu.memory_space<vmem>>) target_semaphore(%run_scoped3A : memref<!tpu.dma_semaphore, #tpu.memory_space<semaphore_mem>>)
        %dma_wait3A_109 = arith.constant 0 : i32
        %dma_wait3A_110 = tpu.memref_slice %arg9[%rem3A_62, %dma_wait3A_109] : memref<2x128xi32, #tpu.memory_space<vmem>> -> memref<1x128xi32, #tpu.memory_space<vmem>>
        %dma_wait3A_111 = tpu.memref_squeeze %dma_wait3A_110 : memref<1x128xi32, #tpu.memory_space<vmem>> -> memref<128xi32, #tpu.memory_space<vmem>>
        %dma_wait3A_112 = tpu.memref_slice %arg5[%multiple_of3A_66] : memref<320000xi32, #tpu.memory_space<hbm>> -> memref<128xi32, #tpu.memory_space<hbm>>
        %dma_wait3A_113 = arith.constant 0 : i32
        %dma_wait3A_114 = tpu.memref_slice %arg9[%rem3A_62, %dma_wait3A_113] : memref<2x128xi32, #tpu.memory_space<vmem>> -> memref<1x128xi32, #tpu.memory_space<vmem>>
        %dma_wait3A_115 = tpu.memref_squeeze %dma_wait3A_114 : memref<1x128xi32, #tpu.memory_space<vmem>> -> memref<128xi32, #tpu.memory_space<vmem>>
        %dma_wait3A_116 = tpu.memref_slice %arg5[%multiple_of3A_66] : memref<320000xi32, #tpu.memory_space<hbm>> -> memref<128xi32, #tpu.memory_space<hbm>>
        tpu.wait_dma2 semaphore(%run_scoped3A : memref<!tpu.dma_semaphore, #tpu.memory_space<semaphore_mem>>) src(%dma_wait3A_116 : memref<128xi32, #tpu.memory_space<hbm>>) dst(%dma_wait3A_115 : memref<128xi32, #tpu.memory_space<vmem>>)
        tpu.yield
      }) : () -> ()
      %ge3A = arith.constant 1 : i32
      %ge3A_67 = arith.cmpi sge, %while3A_60, %ge3A : i32
      %convert_element_type3A_68 = arith.extui %ge3A_67 : i1 to i32
      %cond3A_69 = arith.constant 0 : i32
      %cond3A_70 = arith.cmpi ne, %convert_element_type3A_68, %cond3A_69 : i32
      scf.if %cond3A_70 {
        %sub3A_101 = arith.constant 1 : i32
        %sub3A_102 = arith.subi %sub3A_101, %rem3A_62 : i32
        %dma_wait3A_103 = arith.constant 0 : i32
        %dma_wait3A_104 = tpu.memref_slice %arg9[%sub3A_102, %dma_wait3A_103] : memref<2x128xi32, #tpu.memory_space<vmem>> -> memref<1x128xi32, #tpu.memory_space<vmem>>
        %dma_wait3A_105 = tpu.memref_squeeze %dma_wait3A_104 : memref<1x128xi32, #tpu.memory_space<vmem>> -> memref<128xi32, #tpu.memory_space<vmem>>
        %dma_wait3A_106 = arith.constant 0 : i32
        %dma_wait3A_107 = arith.constant 0 : i32
        %dma_wait3A_108 = tpu.memref_slice %arg12[%dma_wait3A_106, %dma_wait3A_107] : memref<10000x128xf32, #tpu.memory_space<vmem_shared>> -> memref<10000x128xf32, #tpu.memory_space<vmem_shared>>
        tpu.wait_indirect_dma semaphore(%arg14 : memref<!tpu.dma_semaphore, #tpu.memory_space<semaphore_mem>>) src(%arg11 : memref<128x128xf32, #tpu.memory_space<vmem>>) dst(%dma_wait3A_108 : memref<10000x128xf32, #tpu.memory_space<vmem_shared>>)
      } else {
      }
      "tpu.region"() ({
        %run_scoped3A = tpu.sem_alloc : memref<!tpu.dma_semaphore, #tpu.memory_space<semaphore_mem>>
        %dma_start3A_101 = arith.constant 0 : i32
        %dma_start3A_102 = tpu.memref_slice %arg3[%multiple_of3A_66, %dma_start3A_101] : memref<320000x128xf32, #tpu.memory_space<hbm>> -> memref<128x128xf32, #tpu.memory_space<hbm>>
        %dma_start3A_103 = arith.constant 0 : i32
        %dma_start3A_104 = tpu.memref_slice %arg3[%multiple_of3A_66, %dma_start3A_103] : memref<320000x128xf32, #tpu.memory_space<hbm>> -> memref<128x128xf32, #tpu.memory_space<hbm>>
        tpu.enqueue_dma source(%dma_start3A_104 : memref<128x128xf32, #tpu.memory_space<hbm>>) target(%arg11 : memref<128x128xf32, #tpu.memory_space<vmem>>) target_semaphore(%run_scoped3A : memref<!tpu.dma_semaphore, #tpu.memory_space<semaphore_mem>>)
        %dma_wait3A_105 = arith.constant 0 : i32
        %dma_wait3A_106 = tpu.memref_slice %arg3[%multiple_of3A_66, %dma_wait3A_105] : memref<320000x128xf32, #tpu.memory_space<hbm>> -> memref<128x128xf32, #tpu.memory_space<hbm>>
        %dma_wait3A_107 = arith.constant 0 : i32
        %dma_wait3A_108 = tpu.memref_slice %arg3[%multiple_of3A_66, %dma_wait3A_107] : memref<320000x128xf32, #tpu.memory_space<hbm>> -> memref<128x128xf32, #tpu.memory_space<hbm>>
        tpu.wait_dma2 semaphore(%run_scoped3A : memref<!tpu.dma_semaphore, #tpu.memory_space<semaphore_mem>>) src(%dma_wait3A_108 : memref<128x128xf32, #tpu.memory_space<hbm>>) dst(%arg11 : memref<128x128xf32, #tpu.memory_space<vmem>>)
        tpu.yield
      }) : () -> ()
      %mul3A_71 = arith.constant 128 : i32
      %mul3A_72 = arith.muli %while3A_60, %mul3A_71 : i32
      %multiple_of3A_73 = tpu.assume_multiple %mul3A_72, 128 : i32
      %dma_wait3A_74 = tpu.memref_slice %arg8[%multiple_of3A_73] : memref<10112xi32, #tpu.memory_space<vmem>> -> memref<128xi32, #tpu.memory_space<vmem>>
      %dma_wait3A_75 = arith.constant 0 : i32
      %dma_wait3A_76 = arith.constant 0 : i32
      %dma_wait3A_77 = tpu.memref_slice %arg2[%dma_wait3A_75, %dma_wait3A_76] : memref<10000x128xf32, #tpu.memory_space<hbm>> -> memref<10000x128xf32, #tpu.memory_space<hbm>>
      tpu.wait_indirect_dma semaphore(%arg13 : memref<!tpu.dma_semaphore, #tpu.memory_space<semaphore_mem>>) src(%dma_wait3A_77 : memref<10000x128xf32, #tpu.memory_space<hbm>>) dst(%arg10 : memref<128x128xf32, #tpu.memory_space<vmem>>)
      %scan3A = arith.constant 0 : i32
      %scan3A_78 = arith.constant 0 : i32
      %scan3A_79 = arith.constant 128 : i32
      %scan3A_80 = arith.addi %scan3A_78, %scan3A_79 : i32
      %scan3A_81 = arith.constant 1 : i32
      scf.for %scan3A_101 = %scan3A_78 to %scan3A_80 step %scan3A_81  : i32 {
        %get3A = arith.index_cast %scan3A_101 : i32 to index
        %get3A_102 = arith.constant 0 : index
        %get3A_103 = tpu.vector_load %arg10[%get3A, %get3A_102] {strides = array<i32>} : memref<128x128xf32, #tpu.memory_space<vmem>>, vector<1x16xf32>,
        %get3A_104 = vector.shape_cast %get3A_103 : vector<1x16xf32> to vector<16xf32>
        %get3A_105 = arith.index_cast %scan3A_101 : i32 to index
        %get3A_106 = arith.constant 0 : index
        %get3A_107 = tpu.vector_load %arg11[%get3A_105, %get3A_106] {strides = array<i32>} : memref<128x128xf32, #tpu.memory_space<vmem>>, vector<1x16xf32>,
        %get3A_108 = vector.shape_cast %get3A_107 : vector<1x16xf32> to vector<16xf32>
        %add3A_109 = arith.addf %get3A_104, %get3A_108 : vector<16xf32>
        %max3A = arith.constant 0.000000e+00 : f32
        %max3A_110 = vector.broadcast %max3A : f32 to vector<16xf32>
        %max3A_111 = arith.maximumf %add3A_109, %max3A_110 : vector<16xf32>
        %swap3A = arith.index_cast %scan3A_101 : i32 to index
        %swap3A_112 = arith.constant 0 : index
        %swap3A_113 = tpu.vector_load %arg11[%swap3A, %swap3A_112] {strides = array<i32>} : memref<128x128xf32, #tpu.memory_space<vmem>>, vector<1x16xf32>,
        %swap3A_114 = vector.shape_cast %swap3A_113 : vector<1x16xf32> to vector<16xf32>
        %swap3A_115 = vector.shape_cast %max3A_111 : vector<16xf32> to vector<1x16xf32>
        tpu.vector_store %arg11[%swap3A, %swap3A_112], %swap3A_115 {strides = array<i32>} : memref<128x128xf32, #tpu.memory_space<vmem>>, vector<1x16xf32>,
        %get3A_116 = arith.index_cast %scan3A_101 : i32 to index
        %get3A_117 = arith.constant 16 : index
        %get3A_118 = tpu.vector_load %arg10[%get3A_116, %get3A_117] {strides = array<i32>} : memref<128x128xf32, #tpu.memory_space<vmem>>, vector<1x16xf32>,
        %get3A_119 = vector.shape_cast %get3A_118 : vector<1x16xf32> to vector<16xf32>
        %get3A_120 = arith.index_cast %scan3A_101 : i32 to index
        %get3A_121 = arith.constant 16 : index
        %get3A_122 = tpu.vector_load %arg11[%get3A_120, %get3A_121] {strides = array<i32>} : memref<128x128xf32, #tpu.memory_space<vmem>>, vector<1x16xf32>,
        %get3A_123 = vector.shape_cast %get3A_122 : vector<1x16xf32> to vector<16xf32>
        %add3A_124 = arith.addf %get3A_119, %get3A_123 : vector<16xf32>
        %max3A_125 = arith.constant 0.000000e+00 : f32
        %max3A_126 = vector.broadcast %max3A_125 : f32 to vector<16xf32>
        %max3A_127 = arith.maximumf %add3A_124, %max3A_126 : vector<16xf32>
        %swap3A_128 = arith.index_cast %scan3A_101 : i32 to index
        %swap3A_129 = arith.constant 16 : index
        %swap3A_130 = tpu.vector_load %arg11[%swap3A_128, %swap3A_129] {strides = array<i32>} : memref<128x128xf32, #tpu.memory_space<vmem>>, vector<1x16xf32>,
        %swap3A_131 = vector.shape_cast %swap3A_130 : vector<1x16xf32> to vector<16xf32>
        %swap3A_132 = vector.shape_cast %max3A_127 : vector<16xf32> to vector<1x16xf32>
        tpu.vector_store %arg11[%swap3A_128, %swap3A_129], %swap3A_132 {strides = array<i32>} : memref<128x128xf32, #tpu.memory_space<vmem>>, vector<1x16xf32>,
        %get3A_133 = arith.index_cast %scan3A_101 : i32 to index
        %get3A_134 = arith.constant 32 : index
        %get3A_135 = tpu.vector_load %arg10[%get3A_133, %get3A_134] {strides = array<i32>} : memref<128x128xf32, #tpu.memory_space<vmem>>, vector<1x16xf32>,
        %get3A_136 = vector.shape_cast %get3A_135 : vector<1x16xf32> to vector<16xf32>
        %get3A_137 = arith.index_cast %scan3A_101 : i32 to index
        %get3A_138 = arith.constant 32 : index
        %get3A_139 = tpu.vector_load %arg11[%get3A_137, %get3A_138] {strides = array<i32>} : memref<128x128xf32, #tpu.memory_space<vmem>>, vector<1x16xf32>,
        %get3A_140 = vector.shape_cast %get3A_139 : vector<1x16xf32> to vector<16xf32>
        %add3A_141 = arith.addf %get3A_136, %get3A_140 : vector<16xf32>
        %max3A_142 = arith.constant 0.000000e+00 : f32
        %max3A_143 = vector.broadcast %max3A_142 : f32 to vector<16xf32>
        %max3A_144 = arith.maximumf %add3A_141, %max3A_143 : vector<16xf32>
        %swap3A_145 = arith.index_cast %scan3A_101 : i32 to index
        %swap3A_146 = arith.constant 32 : index
        %swap3A_147 = tpu.vector_load %arg11[%swap3A_145, %swap3A_146] {strides = array<i32>} : memref<128x128xf32, #tpu.memory_space<vmem>>, vector<1x16xf32>,
        %swap3A_148 = vector.shape_cast %swap3A_147 : vector<1x16xf32> to vector<16xf32>
        %swap3A_149 = vector.shape_cast %max3A_144 : vector<16xf32> to vector<1x16xf32>
        tpu.vector_store %arg11[%swap3A_145, %swap3A_146], %swap3A_149 {strides = array<i32>} : memref<128x128xf32, #tpu.memory_space<vmem>>, vector<1x16xf32>,
        %get3A_150 = arith.index_cast %scan3A_101 : i32 to index
        %get3A_151 = arith.constant 48 : index
        %get3A_152 = tpu.vector_load %arg10[%get3A_150, %get3A_151] {strides = array<i32>} : memref<128x128xf32, #tpu.memory_space<vmem>>, vector<1x16xf32>,
        %get3A_153 = vector.shape_cast %get3A_152 : vector<1x16xf32> to vector<16xf32>
        %get3A_154 = arith.index_cast %scan3A_101 : i32 to index
        %get3A_155 = arith.constant 48 : index
        %get3A_156 = tpu.vector_load %arg11[%get3A_154, %get3A_155] {strides = array<i32>} : memref<128x128xf32, #tpu.memory_space<vmem>>, vector<1x16xf32>,
        %get3A_157 = vector.shape_cast %get3A_156 : vector<1x16xf32> to vector<16xf32>
        %add3A_158 = arith.addf %get3A_153, %get3A_157 : vector<16xf32>
        %max3A_159 = arith.constant 0.000000e+00 : f32
        %max3A_160 = vector.broadcast %max3A_159 : f32 to vector<16xf32>
        %max3A_161 = arith.maximumf %add3A_158, %max3A_160 : vector<16xf32>
        %swap3A_162 = arith.index_cast %scan3A_101 : i32 to index
        %swap3A_163 = arith.constant 48 : index
        %swap3A_164 = tpu.vector_load %arg11[%swap3A_162, %swap3A_163] {strides = array<i32>} : memref<128x128xf32, #tpu.memory_space<vmem>>, vector<1x16xf32>,
        %swap3A_165 = vector.shape_cast %swap3A_164 : vector<1x16xf32> to vector<16xf32>
        %swap3A_166 = vector.shape_cast %max3A_161 : vector<16xf32> to vector<1x16xf32>
        tpu.vector_store %arg11[%swap3A_162, %swap3A_163], %swap3A_166 {strides = array<i32>} : memref<128x128xf32, #tpu.memory_space<vmem>>, vector<1x16xf32>,
        %get3A_167 = arith.index_cast %scan3A_101 : i32 to index
        %get3A_168 = arith.constant 64 : index
        %get3A_169 = tpu.vector_load %arg10[%get3A_167, %get3A_168] {strides = array<i32>} : memref<128x128xf32, #tpu.memory_space<vmem>>, vector<1x16xf32>,
        %get3A_170 = vector.shape_cast %get3A_169 : vector<1x16xf32> to vector<16xf32>
        %get3A_171 = arith.index_cast %scan3A_101 : i32 to index
        %get3A_172 = arith.constant 64 : index
        %get3A_173 = tpu.vector_load %arg11[%get3A_171, %get3A_172] {strides = array<i32>} : memref<128x128xf32, #tpu.memory_space<vmem>>, vector<1x16xf32>,
        %get3A_174 = vector.shape_cast %get3A_173 : vector<1x16xf32> to vector<16xf32>
        %add3A_175 = arith.addf %get3A_170, %get3A_174 : vector<16xf32>
        %max3A_176 = arith.constant 0.000000e+00 : f32
        %max3A_177 = vector.broadcast %max3A_176 : f32 to vector<16xf32>
        %max3A_178 = arith.maximumf %add3A_175, %max3A_177 : vector<16xf32>
        %swap3A_179 = arith.index_cast %scan3A_101 : i32 to index
        %swap3A_180 = arith.constant 64 : index
        %swap3A_181 = tpu.vector_load %arg11[%swap3A_179, %swap3A_180] {strides = array<i32>} : memref<128x128xf32, #tpu.memory_space<vmem>>, vector<1x16xf32>,
        %swap3A_182 = vector.shape_cast %swap3A_181 : vector<1x16xf32> to vector<16xf32>
        %swap3A_183 = vector.shape_cast %max3A_178 : vector<16xf32> to vector<1x16xf32>
        tpu.vector_store %arg11[%swap3A_179, %swap3A_180], %swap3A_183 {strides = array<i32>} : memref<128x128xf32, #tpu.memory_space<vmem>>, vector<1x16xf32>,
        %get3A_184 = arith.index_cast %scan3A_101 : i32 to index
        %get3A_185 = arith.constant 80 : index
        %get3A_186 = tpu.vector_load %arg10[%get3A_184, %get3A_185] {strides = array<i32>} : memref<128x128xf32, #tpu.memory_space<vmem>>, vector<1x16xf32>,
        %get3A_187 = vector.shape_cast %get3A_186 : vector<1x16xf32> to vector<16xf32>
        %get3A_188 = arith.index_cast %scan3A_101 : i32 to index
        %get3A_189 = arith.constant 80 : index
        %get3A_190 = tpu.vector_load %arg11[%get3A_188, %get3A_189] {strides = array<i32>} : memref<128x128xf32, #tpu.memory_space<vmem>>, vector<1x16xf32>,
        %get3A_191 = vector.shape_cast %get3A_190 : vector<1x16xf32> to vector<16xf32>
        %add3A_192 = arith.addf %get3A_187, %get3A_191 : vector<16xf32>
        %max3A_193 = arith.constant 0.000000e+00 : f32
        %max3A_194 = vector.broadcast %max3A_193 : f32 to vector<16xf32>
        %max3A_195 = arith.maximumf %add3A_192, %max3A_194 : vector<16xf32>
        %swap3A_196 = arith.index_cast %scan3A_101 : i32 to index
        %swap3A_197 = arith.constant 80 : index
        %swap3A_198 = tpu.vector_load %arg11[%swap3A_196, %swap3A_197] {strides = array<i32>} : memref<128x128xf32, #tpu.memory_space<vmem>>, vector<1x16xf32>,
        %swap3A_199 = vector.shape_cast %swap3A_198 : vector<1x16xf32> to vector<16xf32>
        %swap3A_200 = vector.shape_cast %max3A_195 : vector<16xf32> to vector<1x16xf32>
        tpu.vector_store %arg11[%swap3A_196, %swap3A_197], %swap3A_200 {strides = array<i32>} : memref<128x128xf32, #tpu.memory_space<vmem>>, vector<1x16xf32>,
        %get3A_201 = arith.index_cast %scan3A_101 : i32 to index
        %get3A_202 = arith.constant 96 : index
        %get3A_203 = tpu.vector_load %arg10[%get3A_201, %get3A_202] {strides = array<i32>} : memref<128x128xf32, #tpu.memory_space<vmem>>, vector<1x16xf32>,
        %get3A_204 = vector.shape_cast %get3A_203 : vector<1x16xf32> to vector<16xf32>
        %get3A_205 = arith.index_cast %scan3A_101 : i32 to index
        %get3A_206 = arith.constant 96 : index
        %get3A_207 = tpu.vector_load %arg11[%get3A_205, %get3A_206] {strides = array<i32>} : memref<128x128xf32, #tpu.memory_space<vmem>>, vector<1x16xf32>,
        %get3A_208 = vector.shape_cast %get3A_207 : vector<1x16xf32> to vector<16xf32>
        %add3A_209 = arith.addf %get3A_204, %get3A_208 : vector<16xf32>
        %max3A_210 = arith.constant 0.000000e+00 : f32
        %max3A_211 = vector.broadcast %max3A_210 : f32 to vector<16xf32>
        %max3A_212 = arith.maximumf %add3A_209, %max3A_211 : vector<16xf32>
        %swap3A_213 = arith.index_cast %scan3A_101 : i32 to index
        %swap3A_214 = arith.constant 96 : index
        %swap3A_215 = tpu.vector_load %arg11[%swap3A_213, %swap3A_214] {strides = array<i32>} : memref<128x128xf32, #tpu.memory_space<vmem>>, vector<1x16xf32>,
        %swap3A_216 = vector.shape_cast %swap3A_215 : vector<1x16xf32> to vector<16xf32>
        %swap3A_217 = vector.shape_cast %max3A_212 : vector<16xf32> to vector<1x16xf32>
        tpu.vector_store %arg11[%swap3A_213, %swap3A_214], %swap3A_217 {strides = array<i32>} : memref<128x128xf32, #tpu.memory_space<vmem>>, vector<1x16xf32>,
        %get3A_218 = arith.index_cast %scan3A_101 : i32 to index
        %get3A_219 = arith.constant 112 : index
        %get3A_220 = tpu.vector_load %arg10[%get3A_218, %get3A_219] {strides = array<i32>} : memref<128x128xf32, #tpu.memory_space<vmem>>, vector<1x16xf32>,
        %get3A_221 = vector.shape_cast %get3A_220 : vector<1x16xf32> to vector<16xf32>
        %get3A_222 = arith.index_cast %scan3A_101 : i32 to index
        %get3A_223 = arith.constant 112 : index
        %get3A_224 = tpu.vector_load %arg11[%get3A_222, %get3A_223] {strides = array<i32>} : memref<128x128xf32, #tpu.memory_space<vmem>>, vector<1x16xf32>,
        %get3A_225 = vector.shape_cast %get3A_224 : vector<1x16xf32> to vector<16xf32>
        %add3A_226 = arith.addf %get3A_221, %get3A_225 : vector<16xf32>
        %max3A_227 = arith.constant 0.000000e+00 : f32
        %max3A_228 = vector.broadcast %max3A_227 : f32 to vector<16xf32>
        %max3A_229 = arith.maximumf %add3A_226, %max3A_228 : vector<16xf32>
        %swap3A_230 = arith.index_cast %scan3A_101 : i32 to index
        %swap3A_231 = arith.constant 112 : index
        %swap3A_232 = tpu.vector_load %arg11[%swap3A_230, %swap3A_231] {strides = array<i32>} : memref<128x128xf32, #tpu.memory_space<vmem>>, vector<1x16xf32>,
        %swap3A_233 = vector.shape_cast %swap3A_232 : vector<1x16xf32> to vector<16xf32>
        %swap3A_234 = vector.shape_cast %max3A_229 : vector<16xf32> to vector<1x16xf32>
        tpu.vector_store %arg11[%swap3A_230, %swap3A_231], %swap3A_234 {strides = array<i32>} : memref<128x128xf32, #tpu.memory_space<vmem>>, vector<1x16xf32>,
      }
      %scan3A_82 = arith.constant 128 : i32
      %add3A_83 = arith.constant 1 : i32
      %add3A_84 = arith.addi %while3A_60, %add3A_83 : i32
      %sub3A_85 = arith.constant 1 : i32
      %sub3A_86 = arith.subi %select_n3A, %sub3A_85 : i32
      %min3A_87 = arith.minsi %add3A_84, %sub3A_86 : i32
      %mul3A_88 = arith.constant 128 : i32
      %mul3A_89 = arith.muli %min3A_87, %mul3A_88 : i32
      %multiple_of3A_90 = tpu.assume_multiple %mul3A_89, 128 : i32
      %dma_start3A_91 = tpu.memref_slice %arg8[%multiple_of3A_90] : memref<10112xi32, #tpu.memory_space<vmem>> -> memref<128xi32, #tpu.memory_space<vmem>>
      %dma_start3A_92 = arith.constant 0 : i32
      %dma_start3A_93 = arith.constant 0 : i32
      %dma_start3A_94 = tpu.memref_slice %arg2[%dma_start3A_92, %dma_start3A_93] : memref<10000x128xf32, #tpu.memory_space<hbm>> -> memref<10000x128xf32, #tpu.memory_space<hbm>>
      tpu.enqueue_indirect_dma source(%dma_start3A_94 : memref<10000x128xf32, #tpu.memory_space<hbm>>) target(%arg10 : memref<128x128xf32, #tpu.memory_space<vmem>>) offsets(%dma_start3A_91 : memref<128xi32, #tpu.memory_space<vmem>>) semaphore(%arg13 : memref<!tpu.dma_semaphore, #tpu.memory_space<semaphore_mem>>)
      %dma_start3A_95 = arith.constant 0 : i32
      %dma_start3A_96 = tpu.memref_slice %arg9[%rem3A_62, %dma_start3A_95] : memref<2x128xi32, #tpu.memory_space<vmem>> -> memref<1x128xi32, #tpu.memory_space<vmem>>
      %dma_start3A_97 = tpu.memref_squeeze %dma_start3A_96 : memref<1x128xi32, #tpu.memory_space<vmem>> -> memref<128xi32, #tpu.memory_space<vmem>>
      %dma_start3A_98 = arith.constant 0 : i32
      %dma_start3A_99 = arith.constant 0 : i32
      %dma_start3A_100 = tpu.memref_slice %arg12[%dma_start3A_98, %dma_start3A_99] : memref<10000x128xf32, #tpu.memory_space<vmem_shared>> -> memref<10000x128xf32, #tpu.memory_space<vmem_shared>>
      tpu.enqueue_indirect_dma source(%arg11 : memref<128x128xf32, #tpu.memory_space<vmem>>) target(%dma_start3A_100 : memref<10000x128xf32, #tpu.memory_space<vmem_shared>>) offsets(%dma_start3A_97 : memref<128xi32, #tpu.memory_space<vmem>>) semaphore(%arg14 : memref<!tpu.dma_semaphore, #tpu.memory_space<semaphore_mem>>) {add = true}
    }
    %while3A_32 = arith.constant 1 : i32
    scf.for %while3A_60 = %while3A_30 to %while3A_26 step %while3A_32  : i32 {
      %rem3A_61 = arith.constant 2 : i32
      %rem3A_62 = arith.remsi %while3A_60, %rem3A_61 : i32
      %add3A_63 = arith.addi %add3A_15, %while3A_60 : i32
      %mul3A_64 = arith.constant 128 : i32
      %mul3A_65 = arith.muli %add3A_63, %mul3A_64 : i32
      %multiple_of3A_66 = tpu.assume_multiple %mul3A_65, 128 : i32
      "tpu.region"() ({
        %run_scoped3A = tpu.sem_alloc : memref<!tpu.dma_semaphore, #tpu.memory_space<semaphore_mem>>
        %dma_start3A_101 = arith.constant 0 : i32
        %dma_start3A_102 = tpu.memref_slice %arg9[%rem3A_62, %dma_start3A_101] : memref<2x128xi32, #tpu.memory_space<vmem>> -> memref<1x128xi32, #tpu.memory_space<vmem>>
        %dma_start3A_103 = tpu.memref_squeeze %dma_start3A_102 : memref<1x128xi32, #tpu.memory_space<vmem>> -> memref<128xi32, #tpu.memory_space<vmem>>
        %dma_start3A_104 = tpu.memref_slice %arg5[%multiple_of3A_66] : memref<320000xi32, #tpu.memory_space<hbm>> -> memref<128xi32, #tpu.memory_space<hbm>>
        %dma_start3A_105 = arith.constant 0 : i32
        %dma_start3A_106 = tpu.memref_slice %arg9[%rem3A_62, %dma_start3A_105] : memref<2x128xi32, #tpu.memory_space<vmem>> -> memref<1x128xi32, #tpu.memory_space<vmem>>
        %dma_start3A_107 = tpu.memref_squeeze %dma_start3A_106 : memref<1x128xi32, #tpu.memory_space<vmem>> -> memref<128xi32, #tpu.memory_space<vmem>>
        %dma_start3A_108 = tpu.memref_slice %arg5[%multiple_of3A_66] : memref<320000xi32, #tpu.memory_space<hbm>> -> memref<128xi32, #tpu.memory_space<hbm>>
        tpu.enqueue_dma source(%dma_start3A_108 : memref<128xi32, #tpu.memory_space<hbm>>) target(%dma_start3A_107 : memref<128xi32, #tpu.memory_space<vmem>>) target_semaphore(%run_scoped3A : memref<!tpu.dma_semaphore, #tpu.memory_space<semaphore_mem>>)
        %dma_wait3A_109 = arith.constant 0 : i32
        %dma_wait3A_110 = tpu.memref_slice %arg9[%rem3A_62, %dma_wait3A_109] : memref<2x128xi32, #tpu.memory_space<vmem>> -> memref<1x128xi32, #tpu.memory_space<vmem>>
        %dma_wait3A_111 = tpu.memref_squeeze %dma_wait3A_110 : memref<1x128xi32, #tpu.memory_space<vmem>> -> memref<128xi32, #tpu.memory_space<vmem>>
        %dma_wait3A_112 = tpu.memref_slice %arg5[%multiple_of3A_66] : memref<320000xi32, #tpu.memory_space<hbm>> -> memref<128xi32, #tpu.memory_space<hbm>>
        %dma_wait3A_113 = arith.constant 0 : i32
        %dma_wait3A_114 = tpu.memref_slice %arg9[%rem3A_62, %dma_wait3A_113] : memref<2x128xi32, #tpu.memory_space<vmem>> -> memref<1x128xi32, #tpu.memory_space<vmem>>
        %dma_wait3A_115 = tpu.memref_squeeze %dma_wait3A_114 : memref<1x128xi32, #tpu.memory_space<vmem>> -> memref<128xi32, #tpu.memory_space<vmem>>
        %dma_wait3A_116 = tpu.memref_slice %arg5[%multiple_of3A_66] : memref<320000xi32, #tpu.memory_space<hbm>> -> memref<128xi32, #tpu.memory_space<hbm>>
        tpu.wait_dma2 semaphore(%run_scoped3A : memref<!tpu.dma_semaphore, #tpu.memory_space<semaphore_mem>>) src(%dma_wait3A_116 : memref<128xi32, #tpu.memory_space<hbm>>) dst(%dma_wait3A_115 : memref<128xi32, #tpu.memory_space<vmem>>)
        tpu.yield
      }) : () -> ()
      %ge3A = arith.constant 1 : i32
      %ge3A_67 = arith.cmpi sge, %while3A_60, %ge3A : i32
      %convert_element_type3A_68 = arith.extui %ge3A_67 : i1 to i32
      %cond3A_69 = arith.constant 0 : i32
      %cond3A_70 = arith.cmpi ne, %convert_element_type3A_68, %cond3A_69 : i32
      scf.if %cond3A_70 {
        %sub3A_101 = arith.constant 1 : i32
        %sub3A_102 = arith.subi %sub3A_101, %rem3A_62 : i32
        %dma_wait3A_103 = arith.constant 0 : i32
        %dma_wait3A_104 = tpu.memref_slice %arg9[%sub3A_102, %dma_wait3A_103] : memref<2x128xi32, #tpu.memory_space<vmem>> -> memref<1x128xi32, #tpu.memory_space<vmem>>
        %dma_wait3A_105 = tpu.memref_squeeze %dma_wait3A_104 : memref<1x128xi32, #tpu.memory_space<vmem>> -> memref<128xi32, #tpu.memory_space<vmem>>
        %dma_wait3A_106 = arith.constant 0 : i32
        %dma_wait3A_107 = arith.constant 0 : i32
        %dma_wait3A_108 = tpu.memref_slice %arg12[%dma_wait3A_106, %dma_wait3A_107] : memref<10000x128xf32, #tpu.memory_space<vmem_shared>> -> memref<10000x128xf32, #tpu.memory_space<vmem_shared>>
        tpu.wait_indirect_dma semaphore(%arg14 : memref<!tpu.dma_semaphore, #tpu.memory_space<semaphore_mem>>) src(%arg11 : memref<128x128xf32, #tpu.memory_space<vmem>>) dst(%dma_wait3A_108 : memref<10000x128xf32, #tpu.memory_space<vmem_shared>>)
      } else {
      }
      "tpu.region"() ({
        %run_scoped3A = tpu.sem_alloc : memref<!tpu.dma_semaphore, #tpu.memory_space<semaphore_mem>>
        %dma_start3A_101 = arith.constant 0 : i32
        %dma_start3A_102 = tpu.memref_slice %arg3[%multiple_of3A_66, %dma_start3A_101] : memref<320000x128xf32, #tpu.memory_space<hbm>> -> memref<128x128xf32, #tpu.memory_space<hbm>>
        %dma_start3A_103 = arith.constant 0 : i32
        %dma_start3A_104 = tpu.memref_slice %arg3[%multiple_of3A_66, %dma_start3A_103] : memref<320000x128xf32, #tpu.memory_space<hbm>> -> memref<128x128xf32, #tpu.memory_space<hbm>>
        tpu.enqueue_dma source(%dma_start3A_104 : memref<128x128xf32, #tpu.memory_space<hbm>>) target(%arg11 : memref<128x128xf32, #tpu.memory_space<vmem>>) target_semaphore(%run_scoped3A : memref<!tpu.dma_semaphore, #tpu.memory_space<semaphore_mem>>)
        %dma_wait3A_105 = arith.constant 0 : i32
        %dma_wait3A_106 = tpu.memref_slice %arg3[%multiple_of3A_66, %dma_wait3A_105] : memref<320000x128xf32, #tpu.memory_space<hbm>> -> memref<128x128xf32, #tpu.memory_space<hbm>>
        %dma_wait3A_107 = arith.constant 0 : i32
        %dma_wait3A_108 = tpu.memref_slice %arg3[%multiple_of3A_66, %dma_wait3A_107] : memref<320000x128xf32, #tpu.memory_space<hbm>> -> memref<128x128xf32, #tpu.memory_space<hbm>>
        tpu.wait_dma2 semaphore(%run_scoped3A : memref<!tpu.dma_semaphore, #tpu.memory_space<semaphore_mem>>) src(%dma_wait3A_108 : memref<128x128xf32, #tpu.memory_space<hbm>>) dst(%arg11 : memref<128x128xf32, #tpu.memory_space<vmem>>)
        tpu.yield
      }) : () -> ()
      %mul3A_71 = arith.constant 128 : i32
      %mul3A_72 = arith.muli %while3A_60, %mul3A_71 : i32
      %multiple_of3A_73 = tpu.assume_multiple %mul3A_72, 128 : i32
      %dma_wait3A_74 = tpu.memref_slice %arg8[%multiple_of3A_73] : memref<10112xi32, #tpu.memory_space<vmem>> -> memref<128xi32, #tpu.memory_space<vmem>>
      %dma_wait3A_75 = arith.constant 0 : i32
      %dma_wait3A_76 = arith.constant 0 : i32
      %dma_wait3A_77 = tpu.memref_slice %arg2[%dma_wait3A_75, %dma_wait3A_76] : memref<10000x128xf32, #tpu.memory_space<hbm>> -> memref<10000x128xf32, #tpu.memory_space<hbm>>
      tpu.wait_indirect_dma semaphore(%arg13 : memref<!tpu.dma_semaphore, #tpu.memory_space<semaphore_mem>>) src(%dma_wait3A_77 : memref<10000x128xf32, #tpu.memory_space<hbm>>) dst(%arg10 : memref<128x128xf32, #tpu.memory_space<vmem>>)
      %scan3A = arith.constant 0 : i32
      %scan3A_78 = arith.constant 0 : i32
      %scan3A_79 = arith.constant 128 : i32
      %scan3A_80 = arith.addi %scan3A_78, %scan3A_79 : i32
      %scan3A_81 = arith.constant 1 : i32
      scf.for %scan3A_101 = %scan3A_78 to %scan3A_80 step %scan3A_81  : i32 {
        %get3A = arith.index_cast %scan3A_101 : i32 to index
        %get3A_102 = arith.constant 0 : index
        %get3A_103 = tpu.vector_load %arg10[%get3A, %get3A_102] {strides = array<i32>} : memref<128x128xf32, #tpu.memory_space<vmem>>, vector<1x16xf32>,
        %get3A_104 = vector.shape_cast %get3A_103 : vector<1x16xf32> to vector<16xf32>
        %get3A_105 = arith.index_cast %scan3A_101 : i32 to index
        %get3A_106 = arith.constant 0 : index
        %get3A_107 = tpu.vector_load %arg11[%get3A_105, %get3A_106] {strides = array<i32>} : memref<128x128xf32, #tpu.memory_space<vmem>>, vector<1x16xf32>,
        %get3A_108 = vector.shape_cast %get3A_107 : vector<1x16xf32> to vector<16xf32>
        %add3A_109 = arith.addf %get3A_104, %get3A_108 : vector<16xf32>
        %max3A = arith.constant 0.000000e+00 : f32
        %max3A_110 = vector.broadcast %max3A : f32 to vector<16xf32>
        %max3A_111 = arith.maximumf %add3A_109, %max3A_110 : vector<16xf32>
        %swap3A = arith.index_cast %scan3A_101 : i32 to index
        %swap3A_112 = arith.constant 0 : index
        %swap3A_113 = tpu.vector_load %arg11[%swap3A, %swap3A_112] {strides = array<i32>} : memref<128x128xf32, #tpu.memory_space<vmem>>, vector<1x16xf32>,
        %swap3A_114 = vector.shape_cast %swap3A_113 : vector<1x16xf32> to vector<16xf32>
        %swap3A_115 = vector.shape_cast %max3A_111 : vector<16xf32> to vector<1x16xf32>
        tpu.vector_store %arg11[%swap3A, %swap3A_112], %swap3A_115 {strides = array<i32>} : memref<128x128xf32, #tpu.memory_space<vmem>>, vector<1x16xf32>,
        %get3A_116 = arith.index_cast %scan3A_101 : i32 to index
        %get3A_117 = arith.constant 16 : index
        %get3A_118 = tpu.vector_load %arg10[%get3A_116, %get3A_117] {strides = array<i32>} : memref<128x128xf32, #tpu.memory_space<vmem>>, vector<1x16xf32>,
        %get3A_119 = vector.shape_cast %get3A_118 : vector<1x16xf32> to vector<16xf32>
        %get3A_120 = arith.index_cast %scan3A_101 : i32 to index
        %get3A_121 = arith.constant 16 : index
        %get3A_122 = tpu.vector_load %arg11[%get3A_120, %get3A_121] {strides = array<i32>} : memref<128x128xf32, #tpu.memory_space<vmem>>, vector<1x16xf32>,
        %get3A_123 = vector.shape_cast %get3A_122 : vector<1x16xf32> to vector<16xf32>
        %add3A_124 = arith.addf %get3A_119, %get3A_123 : vector<16xf32>
        %max3A_125 = arith.constant 0.000000e+00 : f32
        %max3A_126 = vector.broadcast %max3A_125 : f32 to vector<16xf32>
        %max3A_127 = arith.maximumf %add3A_124, %max3A_126 : vector<16xf32>
        %swap3A_128 = arith.index_cast %scan3A_101 : i32 to index
        %swap3A_129 = arith.constant 16 : index
        %swap3A_130 = tpu.vector_load %arg11[%swap3A_128, %swap3A_129] {strides = array<i32>} : memref<128x128xf32, #tpu.memory_space<vmem>>, vector<1x16xf32>,
        %swap3A_131 = vector.shape_cast %swap3A_130 : vector<1x16xf32> to vector<16xf32>
        %swap3A_132 = vector.shape_cast %max3A_127 : vector<16xf32> to vector<1x16xf32>
        tpu.vector_store %arg11[%swap3A_128, %swap3A_129], %swap3A_132 {strides = array<i32>} : memref<128x128xf32, #tpu.memory_space<vmem>>, vector<1x16xf32>,
        %get3A_133 = arith.index_cast %scan3A_101 : i32 to index
        %get3A_134 = arith.constant 32 : index
        %get3A_135 = tpu.vector_load %arg10[%get3A_133, %get3A_134] {strides = array<i32>} : memref<128x128xf32, #tpu.memory_space<vmem>>, vector<1x16xf32>,
        %get3A_136 = vector.shape_cast %get3A_135 : vector<1x16xf32> to vector<16xf32>
        %get3A_137 = arith.index_cast %scan3A_101 : i32 to index
        %get3A_138 = arith.constant 32 : index
        %get3A_139 = tpu.vector_load %arg11[%get3A_137, %get3A_138] {strides = array<i32>} : memref<128x128xf32, #tpu.memory_space<vmem>>, vector<1x16xf32>,
        %get3A_140 = vector.shape_cast %get3A_139 : vector<1x16xf32> to vector<16xf32>
        %add3A_141 = arith.addf %get3A_136, %get3A_140 : vector<16xf32>
        %max3A_142 = arith.constant 0.000000e+00 : f32
        %max3A_143 = vector.broadcast %max3A_142 : f32 to vector<16xf32>
        %max3A_144 = arith.maximumf %add3A_141, %max3A_143 : vector<16xf32>
        %swap3A_145 = arith.index_cast %scan3A_101 : i32 to index
        %swap3A_146 = arith.constant 32 : index
        %swap3A_147 = tpu.vector_load %arg11[%swap3A_145, %swap3A_146] {strides = array<i32>} : memref<128x128xf32, #tpu.memory_space<vmem>>, vector<1x16xf32>,
        %swap3A_148 = vector.shape_cast %swap3A_147 : vector<1x16xf32> to vector<16xf32>
        %swap3A_149 = vector.shape_cast %max3A_144 : vector<16xf32> to vector<1x16xf32>
        tpu.vector_store %arg11[%swap3A_145, %swap3A_146], %swap3A_149 {strides = array<i32>} : memref<128x128xf32, #tpu.memory_space<vmem>>, vector<1x16xf32>,
        %get3A_150 = arith.index_cast %scan3A_101 : i32 to index
        %get3A_151 = arith.constant 48 : index
        %get3A_152 = tpu.vector_load %arg10[%get3A_150, %get3A_151] {strides = array<i32>} : memref<128x128xf32, #tpu.memory_space<vmem>>, vector<1x16xf32>,
        %get3A_153 = vector.shape_cast %get3A_152 : vector<1x16xf32> to vector<16xf32>
        %get3A_154 = arith.index_cast %scan3A_101 : i32 to index
        %get3A_155 = arith.constant 48 : index
        %get3A_156 = tpu.vector_load %arg11[%get3A_154, %get3A_155] {strides = array<i32>} : memref<128x128xf32, #tpu.memory_space<vmem>>, vector<1x16xf32>,
        %get3A_157 = vector.shape_cast %get3A_156 : vector<1x16xf32> to vector<16xf32>
        %add3A_158 = arith.addf %get3A_153, %get3A_157 : vector<16xf32>
        %max3A_159 = arith.constant 0.000000e+00 : f32
        %max3A_160 = vector.broadcast %max3A_159 : f32 to vector<16xf32>
        %max3A_161 = arith.maximumf %add3A_158, %max3A_160 : vector<16xf32>
        %swap3A_162 = arith.index_cast %scan3A_101 : i32 to index
        %swap3A_163 = arith.constant 48 : index
        %swap3A_164 = tpu.vector_load %arg11[%swap3A_162, %swap3A_163] {strides = array<i32>} : memref<128x128xf32, #tpu.memory_space<vmem>>, vector<1x16xf32>,
        %swap3A_165 = vector.shape_cast %swap3A_164 : vector<1x16xf32> to vector<16xf32>
        %swap3A_166 = vector.shape_cast %max3A_161 : vector<16xf32> to vector<1x16xf32>
        tpu.vector_store %arg11[%swap3A_162, %swap3A_163], %swap3A_166 {strides = array<i32>} : memref<128x128xf32, #tpu.memory_space<vmem>>, vector<1x16xf32>,
        %get3A_167 = arith.index_cast %scan3A_101 : i32 to index
        %get3A_168 = arith.constant 64 : index
        %get3A_169 = tpu.vector_load %arg10[%get3A_167, %get3A_168] {strides = array<i32>} : memref<128x128xf32, #tpu.memory_space<vmem>>, vector<1x16xf32>,
        %get3A_170 = vector.shape_cast %get3A_169 : vector<1x16xf32> to vector<16xf32>
        %get3A_171 = arith.index_cast %scan3A_101 : i32 to index
        %get3A_172 = arith.constant 64 : index
        %get3A_173 = tpu.vector_load %arg11[%get3A_171, %get3A_172] {strides = array<i32>} : memref<128x128xf32, #tpu.memory_space<vmem>>, vector<1x16xf32>,
        %get3A_174 = vector.shape_cast %get3A_173 : vector<1x16xf32> to vector<16xf32>
        %add3A_175 = arith.addf %get3A_170, %get3A_174 : vector<16xf32>
        %max3A_176 = arith.constant 0.000000e+00 : f32
        %max3A_177 = vector.broadcast %max3A_176 : f32 to vector<16xf32>
        %max3A_178 = arith.maximumf %add3A_175, %max3A_177 : vector<16xf32>
        %swap3A_179 = arith.index_cast %scan3A_101 : i32 to index
        %swap3A_180 = arith.constant 64 : index
        %swap3A_181 = tpu.vector_load %arg11[%swap3A_179, %swap3A_180] {strides = array<i32>} : memref<128x128xf32, #tpu.memory_space<vmem>>, vector<1x16xf32>,
        %swap3A_182 = vector.shape_cast %swap3A_181 : vector<1x16xf32> to vector<16xf32>
        %swap3A_183 = vector.shape_cast %max3A_178 : vector<16xf32> to vector<1x16xf32>
        tpu.vector_store %arg11[%swap3A_179, %swap3A_180], %swap3A_183 {strides = array<i32>} : memref<128x128xf32, #tpu.memory_space<vmem>>, vector<1x16xf32>,
        %get3A_184 = arith.index_cast %scan3A_101 : i32 to index
        %get3A_185 = arith.constant 80 : index
        %get3A_186 = tpu.vector_load %arg10[%get3A_184, %get3A_185] {strides = array<i32>} : memref<128x128xf32, #tpu.memory_space<vmem>>, vector<1x16xf32>,
        %get3A_187 = vector.shape_cast %get3A_186 : vector<1x16xf32> to vector<16xf32>
        %get3A_188 = arith.index_cast %scan3A_101 : i32 to index
        %get3A_189 = arith.constant 80 : index
        %get3A_190 = tpu.vector_load %arg11[%get3A_188, %get3A_189] {strides = array<i32>} : memref<128x128xf32, #tpu.memory_space<vmem>>, vector<1x16xf32>,
        %get3A_191 = vector.shape_cast %get3A_190 : vector<1x16xf32> to vector<16xf32>
        %add3A_192 = arith.addf %get3A_187, %get3A_191 : vector<16xf32>
        %max3A_193 = arith.constant 0.000000e+00 : f32
        %max3A_194 = vector.broadcast %max3A_193 : f32 to vector<16xf32>
        %max3A_195 = arith.maximumf %add3A_192, %max3A_194 : vector<16xf32>
        %swap3A_196 = arith.index_cast %scan3A_101 : i32 to index
        %swap3A_197 = arith.constant 80 : index
        %swap3A_198 = tpu.vector_load %arg11[%swap3A_196, %swap3A_197] {strides = array<i32>} : memref<128x128xf32, #tpu.memory_space<vmem>>, vector<1x16xf32>,
        %swap3A_199 = vector.shape_cast %swap3A_198 : vector<1x16xf32> to vector<16xf32>
        %swap3A_200 = vector.shape_cast %max3A_195 : vector<16xf32> to vector<1x16xf32>
        tpu.vector_store %arg11[%swap3A_196, %swap3A_197], %swap3A_200 {strides = array<i32>} : memref<128x128xf32, #tpu.memory_space<vmem>>, vector<1x16xf32>,
        %get3A_201 = arith.index_cast %scan3A_101 : i32 to index
        %get3A_202 = arith.constant 96 : index
        %get3A_203 = tpu.vector_load %arg10[%get3A_201, %get3A_202] {strides = array<i32>} : memref<128x128xf32, #tpu.memory_space<vmem>>, vector<1x16xf32>,
        %get3A_204 = vector.shape_cast %get3A_203 : vector<1x16xf32> to vector<16xf32>
        %get3A_205 = arith.index_cast %scan3A_101 : i32 to index
        %get3A_206 = arith.constant 96 : index
        %get3A_207 = tpu.vector_load %arg11[%get3A_205, %get3A_206] {strides = array<i32>} : memref<128x128xf32, #tpu.memory_space<vmem>>, vector<1x16xf32>,
        %get3A_208 = vector.shape_cast %get3A_207 : vector<1x16xf32> to vector<16xf32>
        %add3A_209 = arith.addf %get3A_204, %get3A_208 : vector<16xf32>
        %max3A_210 = arith.constant 0.000000e+00 : f32
        %max3A_211 = vector.broadcast %max3A_210 : f32 to vector<16xf32>
        %max3A_212 = arith.maximumf %add3A_209, %max3A_211 : vector<16xf32>
        %swap3A_213 = arith.index_cast %scan3A_101 : i32 to index
        %swap3A_214 = arith.constant 96 : index
        %swap3A_215 = tpu.vector_load %arg11[%swap3A_213, %swap3A_214] {strides = array<i32>} : memref<128x128xf32, #tpu.memory_space<vmem>>, vector<1x16xf32>,
        %swap3A_216 = vector.shape_cast %swap3A_215 : vector<1x16xf32> to vector<16xf32>
        %swap3A_217 = vector.shape_cast %max3A_212 : vector<16xf32> to vector<1x16xf32>
        tpu.vector_store %arg11[%swap3A_213, %swap3A_214], %swap3A_217 {strides = array<i32>} : memref<128x128xf32, #tpu.memory_space<vmem>>, vector<1x16xf32>,
        %get3A_218 = arith.index_cast %scan3A_101 : i32 to index
        %get3A_219 = arith.constant 112 : index
        %get3A_220 = tpu.vector_load %arg10[%get3A_218, %get3A_219] {strides = array<i32>} : memref<128x128xf32, #tpu.memory_space<vmem>>, vector<1x16xf32>,
        %get3A_221 = vector.shape_cast %get3A_220 : vector<1x16xf32> to vector<16xf32>
        %get3A_222 = arith.index_cast %scan3A_101 : i32 to index
        %get3A_223 = arith.constant 112 : index
        %get3A_224 = tpu.vector_load %arg11[%get3A_222, %get3A_223] {strides = array<i32>} : memref<128x128xf32, #tpu.memory_space<vmem>>, vector<1x16xf32>,
        %get3A_225 = vector.shape_cast %get3A_224 : vector<1x16xf32> to vector<16xf32>
        %add3A_226 = arith.addf %get3A_221, %get3A_225 : vector<16xf32>
        %max3A_227 = arith.constant 0.000000e+00 : f32
        %max3A_228 = vector.broadcast %max3A_227 : f32 to vector<16xf32>
        %max3A_229 = arith.maximumf %add3A_226, %max3A_228 : vector<16xf32>
        %swap3A_230 = arith.index_cast %scan3A_101 : i32 to index
        %swap3A_231 = arith.constant 112 : index
        %swap3A_232 = tpu.vector_load %arg11[%swap3A_230, %swap3A_231] {strides = array<i32>} : memref<128x128xf32, #tpu.memory_space<vmem>>, vector<1x16xf32>,
        %swap3A_233 = vector.shape_cast %swap3A_232 : vector<1x16xf32> to vector<16xf32>
        %swap3A_234 = vector.shape_cast %max3A_229 : vector<16xf32> to vector<1x16xf32>
        tpu.vector_store %arg11[%swap3A_230, %swap3A_231], %swap3A_234 {strides = array<i32>} : memref<128x128xf32, #tpu.memory_space<vmem>>, vector<1x16xf32>,
      }
      %scan3A_82 = arith.constant 128 : i32
      %add3A_83 = arith.constant 1 : i32
      %add3A_84 = arith.addi %while3A_60, %add3A_83 : i32
      %sub3A_85 = arith.constant 1 : i32
      %sub3A_86 = arith.subi %select_n3A, %sub3A_85 : i32
      %min3A_87 = arith.minsi %add3A_84, %sub3A_86 : i32
      %mul3A_88 = arith.constant 128 : i32
      %mul3A_89 = arith.muli %min3A_87, %mul3A_88 : i32
      %multiple_of3A_90 = tpu.assume_multiple %mul3A_89, 128 : i32
      %dma_start3A_91 = tpu.memref_slice %arg8[%multiple_of3A_90] : memref<10112xi32, #tpu.memory_space<vmem>> -> memref<128xi32, #tpu.memory_space<vmem>>
      %dma_start3A_92 = arith.constant 0 : i32
      %dma_start3A_93 = arith.constant 0 : i32
      %dma_start3A_94 = tpu.memref_slice %arg2[%dma_start3A_92, %dma_start3A_93] : memref<10000x128xf32, #tpu.memory_space<hbm>> -> memref<10000x128xf32, #tpu.memory_space<hbm>>
      tpu.enqueue_indirect_dma source(%dma_start3A_94 : memref<10000x128xf32, #tpu.memory_space<hbm>>) target(%arg10 : memref<128x128xf32, #tpu.memory_space<vmem>>) offsets(%dma_start3A_91 : memref<128xi32, #tpu.memory_space<vmem>>) semaphore(%arg13 : memref<!tpu.dma_semaphore, #tpu.memory_space<semaphore_mem>>)
      %dma_start3A_95 = arith.constant 0 : i32
      %dma_start3A_96 = tpu.memref_slice %arg9[%rem3A_62, %dma_start3A_95] : memref<2x128xi32, #tpu.memory_space<vmem>> -> memref<1x128xi32, #tpu.memory_space<vmem>>
      %dma_start3A_97 = tpu.memref_squeeze %dma_start3A_96 : memref<1x128xi32, #tpu.memory_space<vmem>> -> memref<128xi32, #tpu.memory_space<vmem>>
      %dma_start3A_98 = arith.constant 0 : i32
      %dma_start3A_99 = arith.constant 0 : i32
      %dma_start3A_100 = tpu.memref_slice %arg12[%dma_start3A_98, %dma_start3A_99] : memref<10000x128xf32, #tpu.memory_space<vmem_shared>> -> memref<10000x128xf32, #tpu.memory_space<vmem_shared>>
      tpu.enqueue_indirect_dma source(%arg11 : memref<128x128xf32, #tpu.memory_space<vmem>>) target(%dma_start3A_100 : memref<10000x128xf32, #tpu.memory_space<vmem_shared>>) offsets(%dma_start3A_97 : memref<128xi32, #tpu.memory_space<vmem>>) semaphore(%arg14 : memref<!tpu.dma_semaphore, #tpu.memory_space<semaphore_mem>>) {add = true}
    }
    %sub3A = arith.constant 1 : i32
    %sub3A_33 = arith.subi %select_n3A, %sub3A : i32
    %mul3A_34 = arith.constant 128 : i32
    %mul3A_35 = arith.muli %sub3A_33, %mul3A_34 : i32
    %multiple_of3A_36 = tpu.assume_multiple %mul3A_35, 128 : i32
    %dma_wait3A = tpu.memref_slice %arg8[%multiple_of3A_36] : memref<10112xi32, #tpu.memory_space<vmem>> -> memref<128xi32, #tpu.memory_space<vmem>>
    %dma_wait3A_37 = arith.constant 0 : i32
    %dma_wait3A_38 = arith.constant 0 : i32
    %dma_wait3A_39 = tpu.memref_slice %arg2[%dma_wait3A_37, %dma_wait3A_38] : memref<10000x128xf32, #tpu.memory_space<hbm>> -> memref<10000x128xf32, #tpu.memory_space<hbm>>
    tpu.wait_indirect_dma semaphore(%arg13 : memref<!tpu.dma_semaphore, #tpu.memory_space<semaphore_mem>>) src(%dma_wait3A_39 : memref<10000x128xf32, #tpu.memory_space<hbm>>) dst(%arg10 : memref<128x128xf32, #tpu.memory_space<vmem>>)
    %sub3A_40 = arith.constant 1 : i32
    %sub3A_41 = arith.subi %select_n3A, %sub3A_40 : i32
    %rem3A = arith.constant 2 : i32
    %rem3A_42 = arith.remsi %sub3A_41, %rem3A : i32
    %dma_wait3A_43 = arith.constant 0 : i32
    %dma_wait3A_44 = tpu.memref_slice %arg9[%rem3A_42, %dma_wait3A_43] : memref<2x128xi32, #tpu.memory_space<vmem>> -> memref<1x128xi32, #tpu.memory_space<vmem>>
    %dma_wait3A_45 = tpu.memref_squeeze %dma_wait3A_44 : memref<1x128xi32, #tpu.memory_space<vmem>> -> memref<128xi32, #tpu.memory_space<vmem>>
    %dma_wait3A_46 = arith.constant 0 : i32
    %dma_wait3A_47 = arith.constant 0 : i32
    %dma_wait3A_48 = tpu.memref_slice %arg12[%dma_wait3A_46, %dma_wait3A_47] : memref<10000x128xf32, #tpu.memory_space<vmem_shared>> -> memref<10000x128xf32, #tpu.memory_space<vmem_shared>>
    tpu.wait_indirect_dma semaphore(%arg14 : memref<!tpu.dma_semaphore, #tpu.memory_space<semaphore_mem>>) src(%arg11 : memref<128x128xf32, #tpu.memory_space<vmem>>) dst(%dma_wait3A_48 : memref<10000x128xf32, #tpu.memory_space<vmem_shared>>)
    %barrier3A_49 = arith.constant 0 : index
    tpu.barrier barrier_id(%barrier3A_49)
    %lt3A_50 = arith.constant 15 : i32
    %lt3A_51 = arith.cmpi slt, %arg1, %lt3A_50 : i32
    %convert_element_type3A_52 = arith.extui %lt3A_51 : i1 to i32
    %cond3A_53 = arith.constant 0 : i32
    %cond3A_54 = arith.cmpi ne, %convert_element_type3A_52, %cond3A_53 : i32
    scf.if %cond3A_54 {
      "tpu.region"() ({
        %run_scoped3A = tpu.sem_alloc : memref<!tpu.dma_semaphore, #tpu.memory_space<semaphore_mem>>
        %dma_start3A_60 = arith.constant 0 : i32
        %dma_start3A_61 = tpu.memref_slice %arg7[%arg0, %multiple_of3A, %dma_start3A_60] : memref<2x10000x128xf32, #tpu.memory_space<hbm>> -> memref<1x632x128xf32, #tpu.memory_space<hbm>>
        %dma_start3A_62 = tpu.memref_squeeze %dma_start3A_61 : memref<1x632x128xf32, #tpu.memory_space<hbm>> -> memref<632x128xf32, #tpu.memory_space<hbm>>
        %dma_start3A_63 = arith.constant 0 : i32
        %dma_start3A_64 = tpu.memref_slice %arg12[%multiple_of3A, %dma_start3A_63] : memref<10000x128xf32, #tpu.memory_space<vmem_shared>> -> memref<632x128xf32, #tpu.memory_space<vmem_shared>>
        tpu.enqueue_dma source(%dma_start3A_64 : memref<632x128xf32, #tpu.memory_space<vmem_shared>>) target(%dma_start3A_62 : memref<632x128xf32, #tpu.memory_space<hbm>>) target_semaphore(%run_scoped3A : memref<!tpu.dma_semaphore, #tpu.memory_space<semaphore_mem>>)
        %dma_wait3A_65 = arith.constant 0 : i32
        %dma_wait3A_66 = tpu.memref_slice %arg7[%arg0, %multiple_of3A, %dma_wait3A_65] : memref<2x10000x128xf32, #tpu.memory_space<hbm>> -> memref<1x632x128xf32, #tpu.memory_space<hbm>>
        %dma_wait3A_67 = tpu.memref_squeeze %dma_wait3A_66 : memref<1x632x128xf32, #tpu.memory_space<hbm>> -> memref<632x128xf32, #tpu.memory_space<hbm>>
        %dma_wait3A_68 = arith.constant 0 : i32
        %dma_wait3A_69 = tpu.memref_slice %arg12[%multiple_of3A, %dma_wait3A_68] : memref<10000x128xf32, #tpu.memory_space<vmem_shared>> -> memref<632x128xf32, #tpu.memory_space<vmem_shared>>
        tpu.wait_dma2 semaphore(%run_scoped3A : memref<!tpu.dma_semaphore, #tpu.memory_space<semaphore_mem>>) src(%dma_wait3A_69 : memref<632x128xf32, #tpu.memory_space<vmem_shared>>) dst(%dma_wait3A_67 : memref<632x128xf32, #tpu.memory_space<hbm>>)
        tpu.yield
      }) : () -> ()
    } else {
    }
    %eq3A_55 = arith.constant 15 : i32
    %eq3A_56 = arith.cmpi eq, %arg1, %eq3A_55 : i32
    %convert_element_type3A_57 = arith.extui %eq3A_56 : i1 to i32
    %cond3A_58 = arith.constant 0 : i32
    %cond3A_59 = arith.cmpi ne, %convert_element_type3A_57, %cond3A_58 : i32
    scf.if %cond3A_59 {
      "tpu.region"() ({
        %run_scoped3A = tpu.sem_alloc : memref<!tpu.dma_semaphore, #tpu.memory_space<semaphore_mem>>
        %dma_start3A_60 = arith.constant 0 : i32
        %dma_start3A_61 = tpu.memref_slice %arg7[%arg0, %multiple_of3A, %dma_start3A_60] : memref<2x10000x128xf32, #tpu.memory_space<hbm>> -> memref<1x520x128xf32, #tpu.memory_space<hbm>>
        %dma_start3A_62 = tpu.memref_squeeze %dma_start3A_61 : memref<1x520x128xf32, #tpu.memory_space<hbm>> -> memref<520x128xf32, #tpu.memory_space<hbm>>
        %dma_start3A_63 = arith.constant 0 : i32
        %dma_start3A_64 = tpu.memref_slice %arg12[%multiple_of3A, %dma_start3A_63] : memref<10000x128xf32, #tpu.memory_space<vmem_shared>> -> memref<520x128xf32, #tpu.memory_space<vmem_shared>>
        tpu.enqueue_dma source(%dma_start3A_64 : memref<520x128xf32, #tpu.memory_space<vmem_shared>>) target(%dma_start3A_62 : memref<520x128xf32, #tpu.memory_space<hbm>>) target_semaphore(%run_scoped3A : memref<!tpu.dma_semaphore, #tpu.memory_space<semaphore_mem>>)
        %dma_wait3A_65 = arith.constant 0 : i32
        %dma_wait3A_66 = tpu.memref_slice %arg7[%arg0, %multiple_of3A, %dma_wait3A_65] : memref<2x10000x128xf32, #tpu.memory_space<hbm>> -> memref<1x520x128xf32, #tpu.memory_space<hbm>>
        %dma_wait3A_67 = tpu.memref_squeeze %dma_wait3A_66 : memref<1x520x128xf32, #tpu.memory_space<hbm>> -> memref<520x128xf32, #tpu.memory_space<hbm>>
        %dma_wait3A_68 = arith.constant 0 : i32
        %dma_wait3A_69 = tpu.memref_slice %arg12[%multiple_of3A, %dma_wait3A_68] : memref<10000x128xf32, #tpu.memory_space<vmem_shared>> -> memref<520x128xf32, #tpu.memory_space<vmem_shared>>
        tpu.wait_dma2 semaphore(%run_scoped3A : memref<!tpu.dma_semaphore, #tpu.memory_space<semaphore_mem>>) src(%dma_wait3A_69 : memref<520x128xf32, #tpu.memory_space<vmem_shared>>) dst(%dma_wait3A_67 : memref<520x128xf32, #tpu.memory_space<hbm>>)
        tpu.yield
      }) : () -> ()
    } else {
    }
    return
  }
}

module attributes {stable_mosaic.version = 14 : i64} {
  func.func @_mlp_body(%arg0: i32, %arg1: memref<4000x16xf32, #tpu.memory_space<vmem>>, %arg2: memref<16x128xf32, #tpu.memory_space<vmem>>, %arg3: memref<1x128xf32, #tpu.memory_space<vmem>>, %arg4: memref<128x128xf32, #tpu.memory_space<vmem>>, %arg5: memref<1x128xf32, #tpu.memory_space<vmem>>, %arg6: memref<4000x128xf32, #tpu.memory_space<vmem>>) attributes {dimension_semantics = [#tpu.dimension_semantics<arbitrary>], iteration_bounds = array<i64: 80>, scalar_prefetch = 0 : i64, scratch_operands = 0 : i64, tpu.core_type = #tpu.core_type<tc>, window_params = [{transform_indices = @transform_0, window_bounds = array<i64: 4000, 16>}, {pipeline_mode = #tpu.pipeline_mode<synchronous>, transform_indices = @transform_1, window_bounds = array<i64: 16, 128>}, {pipeline_mode = #tpu.pipeline_mode<synchronous>, transform_indices = @transform_2, window_bounds = array<i64: 1, 128>}, {pipeline_mode = #tpu.pipeline_mode<synchronous>, transform_indices = @transform_3, window_bounds = array<i64: 128, 128>}, {pipeline_mode = #tpu.pipeline_mode<synchronous>, transform_indices = @transform_4, window_bounds = array<i64: 1, 128>}, {transform_indices = @transform_5, window_bounds = array<i64: 4000, 128>}]} {
    %get3A = arith.constant 0 : index
    %get3A_0 = arith.constant 0 : index
    %get3A_1 = vector.load %arg1[%get3A, %get3A_0] : memref<4000x16xf32, #tpu.memory_space<vmem>>, vector<4000x16xf32>
    %get3A_2 = arith.constant 0 : index
    %get3A_3 = arith.constant 0 : index
    %get3A_4 = vector.load %arg2[%get3A_2, %get3A_3] : memref<16x128xf32, #tpu.memory_space<vmem>>, vector<16x128xf32>
    %dot_general3A = arith.constant dense<0.000000e+00> : vector<4000x128xf32>
    %dot_general3A_5 = tpu.matmul %get3A_1, %get3A_4, %dot_general3A {dimension_numbers = #tpu.dot_dimension_numbers<[1], [0], [0], [1], [0, 0, 1, 1], [], []>, transpose_lhs_hint = false} : vector<4000x16xf32>, vector<16x128xf32>, vector<4000x128xf32> -> vector<4000x128xf32>
    %get3A_6 = arith.constant 0 : index
    %get3A_7 = arith.constant 0 : index
    %get3A_8 = vector.load %arg3[%get3A_6, %get3A_7] : memref<1x128xf32, #tpu.memory_space<vmem>>, vector<1x128xf32>
    %add3A = vector.broadcast %get3A_8 : vector<1x128xf32> to vector<4000x128xf32>
    %add3A_9 = arith.addf %dot_general3A_5, %add3A : vector<4000x128xf32>
    %max3A = arith.constant 0.000000e+00 : f32
    %max3A_10 = vector.broadcast %max3A : f32 to vector<4000x128xf32>
    %max3A_11 = arith.maximumf %add3A_9, %max3A_10 : vector<4000x128xf32>
    %get3A_12 = arith.constant 0 : index
    %get3A_13 = arith.constant 0 : index
    %get3A_14 = vector.load %arg4[%get3A_12, %get3A_13] : memref<128x128xf32, #tpu.memory_space<vmem>>, vector<128x128xf32>
    %dot_general3A_15 = arith.constant dense<0.000000e+00> : vector<4000x128xf32>
    %dot_general3A_16 = tpu.matmul %max3A_11, %get3A_14, %dot_general3A_15 {dimension_numbers = #tpu.dot_dimension_numbers<[1], [0], [0], [1], [0, 0, 1, 1], [], []>, transpose_lhs_hint = false} : vector<4000x128xf32>, vector<128x128xf32>, vector<4000x128xf32> -> vector<4000x128xf32>
    %get3A_17 = arith.constant 0 : index
    %get3A_18 = arith.constant 0 : index
    %get3A_19 = vector.load %arg5[%get3A_17, %get3A_18] : memref<1x128xf32, #tpu.memory_space<vmem>>, vector<1x128xf32>
    %add3A_20 = vector.broadcast %get3A_19 : vector<1x128xf32> to vector<4000x128xf32>
    %add3A_21 = arith.addf %dot_general3A_16, %add3A_20 : vector<4000x128xf32>
    %swap3A = arith.constant 0 : index
    %swap3A_22 = arith.constant 0 : index
    %swap3A_23 = vector.load %arg6[%swap3A, %swap3A_22] : memref<4000x128xf32, #tpu.memory_space<vmem>>, vector<4000x128xf32>
    tpu.vector_store %arg6[%swap3A, %swap3A_22], %add3A_21 {strides = array<i32>} : memref<4000x128xf32, #tpu.memory_space<vmem>>, vector<4000x128xf32>,
    return
  }
  func.func @transform_0(%arg0: i32) -> (i32, i32) {
    %c0_i32 = arith.constant 0 : i32
    %c0_i32_0 = arith.constant 0 : i32
    return %arg0, %c0_i32 : i32, i32
  }
  func.func @transform_1(%arg0: i32) -> (i32, i32) {
    %c0_i32 = arith.constant 0 : i32
    %c0_i32_0 = arith.constant 0 : i32
    %c0_i32_1 = arith.constant 0 : i32
    return %c0_i32, %c0_i32_0 : i32, i32
  }
  func.func @transform_2(%arg0: i32) -> (i32, i32) {
    %c0_i32 = arith.constant 0 : i32
    %c0_i32_0 = arith.constant 0 : i32
    %c0_i32_1 = arith.constant 0 : i32
    return %c0_i32, %c0_i32_0 : i32, i32
  }
  func.func @transform_3(%arg0: i32) -> (i32, i32) {
    %c0_i32 = arith.constant 0 : i32
    %c0_i32_0 = arith.constant 0 : i32
    %c0_i32_1 = arith.constant 0 : i32
    return %c0_i32, %c0_i32_0 : i32, i32
  }
  func.func @transform_4(%arg0: i32) -> (i32, i32) {
    %c0_i32 = arith.constant 0 : i32
    %c0_i32_0 = arith.constant 0 : i32
    %c0_i32_1 = arith.constant 0 : i32
    return %c0_i32, %c0_i32_0 : i32, i32
  }
  func.func @transform_5(%arg0: i32) -> (i32, i32) {
    %c0_i32 = arith.constant 0 : i32
    %c0_i32_0 = arith.constant 0 : i32
    return %arg0, %c0_i32 : i32, i32
  }
}

module attributes {stable_mosaic.version = 14 : i64} {
  func.func @_mlp_body(%arg0: i32, %arg1: memref<2000x128xf32, #tpu.memory_space<vmem>>, %arg2: memref<128x128xf32, #tpu.memory_space<vmem>>, %arg3: memref<1x128xf32, #tpu.memory_space<vmem>>, %arg4: memref<128x128xf32, #tpu.memory_space<vmem>>, %arg5: memref<1x128xf32, #tpu.memory_space<vmem>>, %arg6: memref<2000x128xf32, #tpu.memory_space<vmem>>) attributes {dimension_semantics = [#tpu.dimension_semantics<arbitrary>], iteration_bounds = array<i64: 5>, scalar_prefetch = 0 : i64, scratch_operands = 0 : i64, tpu.core_type = #tpu.core_type<tc>, window_params = [{transform_indices = @transform_0, window_bounds = array<i64: 2000, 128>}, {pipeline_mode = #tpu.pipeline_mode<synchronous>, transform_indices = @transform_1, window_bounds = array<i64: 128, 128>}, {pipeline_mode = #tpu.pipeline_mode<synchronous>, transform_indices = @transform_2, window_bounds = array<i64: 1, 128>}, {pipeline_mode = #tpu.pipeline_mode<synchronous>, transform_indices = @transform_3, window_bounds = array<i64: 128, 128>}, {pipeline_mode = #tpu.pipeline_mode<synchronous>, transform_indices = @transform_4, window_bounds = array<i64: 1, 128>}, {transform_indices = @transform_5, window_bounds = array<i64: 2000, 128>}]} {
    %get3A = arith.constant 0 : index
    %get3A_0 = arith.constant 0 : index
    %get3A_1 = vector.load %arg1[%get3A, %get3A_0] : memref<2000x128xf32, #tpu.memory_space<vmem>>, vector<2000x128xf32>
    %get3A_2 = arith.constant 0 : index
    %get3A_3 = arith.constant 0 : index
    %get3A_4 = vector.load %arg2[%get3A_2, %get3A_3] : memref<128x128xf32, #tpu.memory_space<vmem>>, vector<128x128xf32>
    %dot_general3A = arith.constant dense<0.000000e+00> : vector<2000x128xf32>
    %dot_general3A_5 = tpu.matmul %get3A_1, %get3A_4, %dot_general3A {dimension_numbers = #tpu.dot_dimension_numbers<[1], [0], [0], [1], [0, 0, 1, 1], [], []>, transpose_lhs_hint = false} : vector<2000x128xf32>, vector<128x128xf32>, vector<2000x128xf32> -> vector<2000x128xf32>
    %get3A_6 = arith.constant 0 : index
    %get3A_7 = arith.constant 0 : index
    %get3A_8 = vector.load %arg3[%get3A_6, %get3A_7] : memref<1x128xf32, #tpu.memory_space<vmem>>, vector<1x128xf32>
    %add3A = vector.broadcast %get3A_8 : vector<1x128xf32> to vector<2000x128xf32>
    %add3A_9 = arith.addf %dot_general3A_5, %add3A : vector<2000x128xf32>
    %max3A = arith.constant 0.000000e+00 : f32
    %max3A_10 = vector.broadcast %max3A : f32 to vector<2000x128xf32>
    %max3A_11 = arith.maximumf %add3A_9, %max3A_10 : vector<2000x128xf32>
    %get3A_12 = arith.constant 0 : index
    %get3A_13 = arith.constant 0 : index
    %get3A_14 = vector.load %arg4[%get3A_12, %get3A_13] : memref<128x128xf32, #tpu.memory_space<vmem>>, vector<128x128xf32>
    %dot_general3A_15 = arith.constant dense<0.000000e+00> : vector<2000x128xf32>
    %dot_general3A_16 = tpu.matmul %max3A_11, %get3A_14, %dot_general3A_15 {dimension_numbers = #tpu.dot_dimension_numbers<[1], [0], [0], [1], [0, 0, 1, 1], [], []>, transpose_lhs_hint = false} : vector<2000x128xf32>, vector<128x128xf32>, vector<2000x128xf32> -> vector<2000x128xf32>
    %get3A_17 = arith.constant 0 : index
    %get3A_18 = arith.constant 0 : index
    %get3A_19 = vector.load %arg5[%get3A_17, %get3A_18] : memref<1x128xf32, #tpu.memory_space<vmem>>, vector<1x128xf32>
    %add3A_20 = vector.broadcast %get3A_19 : vector<1x128xf32> to vector<2000x128xf32>
    %add3A_21 = arith.addf %dot_general3A_16, %add3A_20 : vector<2000x128xf32>
    %swap3A = arith.constant 0 : index
    %swap3A_22 = arith.constant 0 : index
    %swap3A_23 = vector.load %arg6[%swap3A, %swap3A_22] : memref<2000x128xf32, #tpu.memory_space<vmem>>, vector<2000x128xf32>
    tpu.vector_store %arg6[%swap3A, %swap3A_22], %add3A_21 {strides = array<i32>} : memref<2000x128xf32, #tpu.memory_space<vmem>>, vector<2000x128xf32>,
    return
  }
  func.func @transform_0(%arg0: i32) -> (i32, i32) {
    %c0_i32 = arith.constant 0 : i32
    %c0_i32_0 = arith.constant 0 : i32
    return %arg0, %c0_i32 : i32, i32
  }
  func.func @transform_1(%arg0: i32) -> (i32, i32) {
    %c0_i32 = arith.constant 0 : i32
    %c0_i32_0 = arith.constant 0 : i32
    %c0_i32_1 = arith.constant 0 : i32
    return %c0_i32, %c0_i32_0 : i32, i32
  }
  func.func @transform_2(%arg0: i32) -> (i32, i32) {
    %c0_i32 = arith.constant 0 : i32
    %c0_i32_0 = arith.constant 0 : i32
    %c0_i32_1 = arith.constant 0 : i32
    return %c0_i32, %c0_i32_0 : i32, i32
  }
  func.func @transform_3(%arg0: i32) -> (i32, i32) {
    %c0_i32 = arith.constant 0 : i32
    %c0_i32_0 = arith.constant 0 : i32
    %c0_i32_1 = arith.constant 0 : i32
    return %c0_i32, %c0_i32_0 : i32, i32
  }
  func.func @transform_4(%arg0: i32) -> (i32, i32) {
    %c0_i32 = arith.constant 0 : i32
    %c0_i32_0 = arith.constant 0 : i32
    %c0_i32_1 = arith.constant 0 : i32
    return %c0_i32, %c0_i32_0 : i32, i32
  }
  func.func @transform_5(%arg0: i32) -> (i32, i32) {
    %c0_i32 = arith.constant 0 : i32
    %c0_i32_0 = arith.constant 0 : i32
    return %arg0, %c0_i32 : i32, i32
  }
}

module attributes {stable_mosaic.version = 14 : i64} {
  func.func @_conv_body(%arg0: i32, %arg1: memref<2000x128xf32, #tpu.memory_space<vmem>>, %arg2: memref<1x2000x128xf32, #tpu.memory_space<vmem>>, %arg3: memref<1x2000x128xf32, #tpu.memory_space<vmem>>, %arg4: memref<128x128xf32, #tpu.memory_space<vmem>>, %arg5: memref<1x128xf32, #tpu.memory_space<vmem>>, %arg6: memref<128x128xf32, #tpu.memory_space<vmem>>, %arg7: memref<1x128xf32, #tpu.memory_space<vmem>>, %arg8: memref<1x128xf32, #tpu.memory_space<vmem>>, %arg9: memref<1x128xf32, #tpu.memory_space<vmem>>, %arg10: memref<128x128xf32, #tpu.memory_space<vmem>>, %arg11: memref<1x128xf32, #tpu.memory_space<vmem>>, %arg12: memref<2000x128xf32, #tpu.memory_space<vmem>>, %arg13: memref<2000x128xf32, #tpu.memory_space<vmem>>) attributes {dimension_semantics = [#tpu.dimension_semantics<arbitrary>], iteration_bounds = array<i64: 5>, scalar_prefetch = 0 : i64, scratch_operands = 0 : i64, tpu.core_type = #tpu.core_type<tc>, window_params = [{transform_indices = @transform_0, window_bounds = array<i64: 2000, 128>}, {transform_indices = @transform_1, window_bounds = array<i64: 1, 2000, 128>}, {transform_indices = @transform_2, window_bounds = array<i64: 1, 2000, 128>}, {pipeline_mode = #tpu.pipeline_mode<synchronous>, transform_indices = @transform_3, window_bounds = array<i64: 128, 128>}, {pipeline_mode = #tpu.pipeline_mode<synchronous>, transform_indices = @transform_4, window_bounds = array<i64: 1, 128>}, {pipeline_mode = #tpu.pipeline_mode<synchronous>, transform_indices = @transform_5, window_bounds = array<i64: 128, 128>}, {pipeline_mode = #tpu.pipeline_mode<synchronous>, transform_indices = @transform_6, window_bounds = array<i64: 1, 128>}, {pipeline_mode = #tpu.pipeline_mode<synchronous>, transform_indices = @transform_7, window_bounds = array<i64: 1, 128>}, {pipeline_mode = #tpu.pipeline_mode<synchronous>, transform_indices = @transform_8, window_bounds = array<i64: 1, 128>}, {pipeline_mode = #tpu.pipeline_mode<synchronous>, transform_indices = @transform_9, window_bounds = array<i64: 128, 128>}, {pipeline_mode = #tpu.pipeline_mode<synchronous>, transform_indices = @transform_10, window_bounds = array<i64: 1, 128>}, {transform_indices = @transform_11, window_bounds = array<i64: 2000, 128>}, {transform_indices = @transform_12, window_bounds = array<i64: 2000, 128>}]} {
    %get3A = arith.constant 0 : index
    %get3A_0 = arith.constant 0 : index
    %get3A_1 = vector.load %arg1[%get3A, %get3A_0] : memref<2000x128xf32, #tpu.memory_space<vmem>>, vector<2000x128xf32>
    %get3A_2 = arith.constant 0 : index
    %get3A_3 = arith.constant 0 : index
    %get3A_4 = arith.constant 0 : index
    %get3A_5 = vector.load %arg2[%get3A_2, %get3A_3, %get3A_4] : memref<1x2000x128xf32, #tpu.memory_space<vmem>>, vector<1x2000x128xf32>
    %get3A_6 = vector.shape_cast %get3A_5 : vector<1x2000x128xf32> to vector<2000x128xf32>
    %add3A = arith.addf %get3A_1, %get3A_6 : vector<2000x128xf32>
    %get3A_7 = arith.constant 0 : index
    %get3A_8 = arith.constant 0 : index
    %get3A_9 = arith.constant 0 : index
    %get3A_10 = vector.load %arg3[%get3A_7, %get3A_8, %get3A_9] : memref<1x2000x128xf32, #tpu.memory_space<vmem>>, vector<1x2000x128xf32>
    %get3A_11 = vector.shape_cast %get3A_10 : vector<1x2000x128xf32> to vector<2000x128xf32>
    %add3A_12 = arith.addf %add3A, %get3A_11 : vector<2000x128xf32>
    %get3A_13 = arith.constant 0 : index
    %get3A_14 = arith.constant 0 : index
    %get3A_15 = vector.load %arg4[%get3A_13, %get3A_14] : memref<128x128xf32, #tpu.memory_space<vmem>>, vector<128x128xf32>
    %dot_general3A = arith.constant dense<0.000000e+00> : vector<2000x128xf32>
    %dot_general3A_16 = tpu.matmul %add3A_12, %get3A_15, %dot_general3A {dimension_numbers = #tpu.dot_dimension_numbers<[1], [0], [0], [1], [0, 0, 1, 1], [], []>, transpose_lhs_hint = false} : vector<2000x128xf32>, vector<128x128xf32>, vector<2000x128xf32> -> vector<2000x128xf32>
    %get3A_17 = arith.constant 0 : index
    %get3A_18 = arith.constant 0 : index
    %get3A_19 = vector.load %arg5[%get3A_17, %get3A_18] : memref<1x128xf32, #tpu.memory_space<vmem>>, vector<1x128xf32>
    %add3A_20 = vector.broadcast %get3A_19 : vector<1x128xf32> to vector<2000x128xf32>
    %add3A_21 = arith.addf %dot_general3A_16, %add3A_20 : vector<2000x128xf32>
    %max3A = arith.constant 0.000000e+00 : f32
    %max3A_22 = vector.broadcast %max3A : f32 to vector<2000x128xf32>
    %max3A_23 = arith.maximumf %add3A_21, %max3A_22 : vector<2000x128xf32>
    %get3A_24 = arith.constant 0 : index
    %get3A_25 = arith.constant 0 : index
    %get3A_26 = vector.load %arg6[%get3A_24, %get3A_25] : memref<128x128xf32, #tpu.memory_space<vmem>>, vector<128x128xf32>
    %dot_general3A_27 = arith.constant dense<0.000000e+00> : vector<2000x128xf32>
    %dot_general3A_28 = tpu.matmul %max3A_23, %get3A_26, %dot_general3A_27 {dimension_numbers = #tpu.dot_dimension_numbers<[1], [0], [0], [1], [0, 0, 1, 1], [], []>, transpose_lhs_hint = false} : vector<2000x128xf32>, vector<128x128xf32>, vector<2000x128xf32> -> vector<2000x128xf32>
    %get3A_29 = arith.constant 0 : index
    %get3A_30 = arith.constant 0 : index
    %get3A_31 = vector.load %arg7[%get3A_29, %get3A_30] : memref<1x128xf32, #tpu.memory_space<vmem>>, vector<1x128xf32>
    %add3A_32 = vector.broadcast %get3A_31 : vector<1x128xf32> to vector<2000x128xf32>
    %add3A_33 = arith.addf %dot_general3A_28, %add3A_32 : vector<2000x128xf32>
    %max3A_34 = arith.constant 0.000000e+00 : f32
    %max3A_35 = vector.broadcast %max3A_34 : f32 to vector<2000x128xf32>
    %max3A_36 = arith.maximumf %add3A_33, %max3A_35 : vector<2000x128xf32>
    %add3A_37 = arith.addf %max3A_36, %get3A_1 : vector<2000x128xf32>
    %reduce_sum3A = arith.constant dense<0.000000e+00> : vector<2000xf32>
    %reduce_sum3A_38 = vector.multi_reduction <add>, %add3A_37, %reduce_sum3A [1] : vector<2000x128xf32> to vector<2000xf32>
    %broadcast_in_dim3A = vector.shape_cast %reduce_sum3A_38 : vector<2000xf32> to vector<2000x1xf32>
    %div3A = arith.constant 1.280000e+02 : f32
    %div3A_39 = vector.broadcast %div3A : f32 to vector<2000x1xf32>
    %div3A_40 = arith.divf %broadcast_in_dim3A, %div3A_39 : vector<2000x1xf32>
    %sub3A = vector.broadcast %div3A_40 : vector<2000x1xf32> to vector<2000x128xf32>
    %sub3A_41 = arith.subf %add3A_37, %sub3A : vector<2000x128xf32>
    %integer_pow3A = arith.mulf %sub3A_41, %sub3A_41 : vector<2000x128xf32>
    %reduce_sum3A_42 = arith.constant dense<0.000000e+00> : vector<2000xf32>
    %reduce_sum3A_43 = vector.multi_reduction <add>, %integer_pow3A, %reduce_sum3A_42 [1] : vector<2000x128xf32> to vector<2000xf32>
    %broadcast_in_dim3A_44 = vector.shape_cast %reduce_sum3A_43 : vector<2000xf32> to vector<2000x1xf32>
    %div3A_45 = arith.constant 1.280000e+02 : f32
    %div3A_46 = vector.broadcast %div3A_45 : f32 to vector<2000x1xf32>
    %div3A_47 = arith.divf %broadcast_in_dim3A_44, %div3A_46 : vector<2000x1xf32>
    %sub3A_48 = vector.broadcast %div3A_40 : vector<2000x1xf32> to vector<2000x128xf32>
    %sub3A_49 = arith.subf %add3A_37, %sub3A_48 : vector<2000x128xf32>
    %add3A_50 = arith.constant 9.99999974E-6 : f32
    %add3A_51 = vector.broadcast %add3A_50 : f32 to vector<2000x1xf32>
    %add3A_52 = arith.addf %div3A_47, %add3A_51 : vector<2000x1xf32>
    %sqrt3A = math.sqrt %add3A_52 : vector<2000x1xf32>
    %div3A_53 = vector.broadcast %sqrt3A : vector<2000x1xf32> to vector<2000x128xf32>
    %div3A_54 = arith.divf %sub3A_49, %div3A_53 : vector<2000x128xf32>
    %get3A_55 = arith.constant 0 : index
    %get3A_56 = arith.constant 0 : index
    %get3A_57 = vector.load %arg8[%get3A_55, %get3A_56] : memref<1x128xf32, #tpu.memory_space<vmem>>, vector<1x128xf32>
    %mul3A = vector.broadcast %get3A_57 : vector<1x128xf32> to vector<2000x128xf32>
    %mul3A_58 = arith.mulf %div3A_54, %mul3A : vector<2000x128xf32>
    %get3A_59 = arith.constant 0 : index
    %get3A_60 = arith.constant 0 : index
    %get3A_61 = vector.load %arg9[%get3A_59, %get3A_60] : memref<1x128xf32, #tpu.memory_space<vmem>>, vector<1x128xf32>
    %add3A_62 = vector.broadcast %get3A_61 : vector<1x128xf32> to vector<2000x128xf32>
    %add3A_63 = arith.addf %mul3A_58, %add3A_62 : vector<2000x128xf32>
    %swap3A = arith.constant 0 : index
    %swap3A_64 = arith.constant 0 : index
    %swap3A_65 = vector.load %arg12[%swap3A, %swap3A_64] : memref<2000x128xf32, #tpu.memory_space<vmem>>, vector<2000x128xf32>
    tpu.vector_store %arg12[%swap3A, %swap3A_64], %add3A_63 {strides = array<i32>} : memref<2000x128xf32, #tpu.memory_space<vmem>>, vector<2000x128xf32>,
    %get3A_66 = arith.constant 0 : index
    %get3A_67 = arith.constant 0 : index
    %get3A_68 = vector.load %arg10[%get3A_66, %get3A_67] : memref<128x128xf32, #tpu.memory_space<vmem>>, vector<128x128xf32>
    %dot_general3A_69 = arith.constant dense<0.000000e+00> : vector<2000x128xf32>
    %dot_general3A_70 = tpu.matmul %add3A_63, %get3A_68, %dot_general3A_69 {dimension_numbers = #tpu.dot_dimension_numbers<[1], [0], [0], [1], [0, 0, 1, 1], [], []>, transpose_lhs_hint = false} : vector<2000x128xf32>, vector<128x128xf32>, vector<2000x128xf32> -> vector<2000x128xf32>
    %get3A_71 = arith.constant 0 : index
    %get3A_72 = arith.constant 0 : index
    %get3A_73 = vector.load %arg11[%get3A_71, %get3A_72] : memref<1x128xf32, #tpu.memory_space<vmem>>, vector<1x128xf32>
    %add3A_74 = vector.broadcast %get3A_73 : vector<1x128xf32> to vector<2000x128xf32>
    %add3A_75 = arith.addf %dot_general3A_70, %add3A_74 : vector<2000x128xf32>
    %swap3A_76 = arith.constant 0 : index
    %swap3A_77 = arith.constant 0 : index
    %swap3A_78 = vector.load %arg13[%swap3A_76, %swap3A_77] : memref<2000x128xf32, #tpu.memory_space<vmem>>, vector<2000x128xf32>
    tpu.vector_store %arg13[%swap3A_76, %swap3A_77], %add3A_75 {strides = array<i32>} : memref<2000x128xf32, #tpu.memory_space<vmem>>, vector<2000x128xf32>,
    return
  }
  func.func @transform_0(%arg0: i32) -> (i32, i32) {
    %c0_i32 = arith.constant 0 : i32
    %c0_i32_0 = arith.constant 0 : i32
    return %arg0, %c0_i32 : i32, i32
  }
  func.func @transform_1(%arg0: i32) -> (i32, i32, i32) {
    %c0_i32 = arith.constant 0 : i32
    %c0_i32_0 = arith.constant 0 : i32
    %c0_i32_1 = arith.constant 0 : i32
    return %c0_i32, %arg0, %c0_i32_0 : i32, i32, i32
  }
  func.func @transform_2(%arg0: i32) -> (i32, i32, i32) {
    %c1_i32 = arith.constant 1 : i32
    %c0_i32 = arith.constant 0 : i32
    %c0_i32_0 = arith.constant 0 : i32
    return %c1_i32, %arg0, %c0_i32 : i32, i32, i32
  }
  func.func @transform_3(%arg0: i32) -> (i32, i32) {
    %c0_i32 = arith.constant 0 : i32
    %c0_i32_0 = arith.constant 0 : i32
    %c0_i32_1 = arith.constant 0 : i32
    return %c0_i32, %c0_i32_0 : i32, i32
  }
  func.func @transform_4(%arg0: i32) -> (i32, i32) {
    %c0_i32 = arith.constant 0 : i32
    %c0_i32_0 = arith.constant 0 : i32
    %c0_i32_1 = arith.constant 0 : i32
    return %c0_i32, %c0_i32_0 : i32, i32
  }
  func.func @transform_5(%arg0: i32) -> (i32, i32) {
    %c0_i32 = arith.constant 0 : i32
    %c0_i32_0 = arith.constant 0 : i32
    %c0_i32_1 = arith.constant 0 : i32
    return %c0_i32, %c0_i32_0 : i32, i32
  }
  func.func @transform_6(%arg0: i32) -> (i32, i32) {
    %c0_i32 = arith.constant 0 : i32
    %c0_i32_0 = arith.constant 0 : i32
    %c0_i32_1 = arith.constant 0 : i32
    return %c0_i32, %c0_i32_0 : i32, i32
  }
  func.func @transform_7(%arg0: i32) -> (i32, i32) {
    %c0_i32 = arith.constant 0 : i32
    %c0_i32_0 = arith.constant 0 : i32
    %c0_i32_1 = arith.constant 0 : i32
    return %c0_i32, %c0_i32_0 : i32, i32
  }
  func.func @transform_8(%arg0: i32) -> (i32, i32) {
    %c0_i32 = arith.constant 0 : i32
    %c0_i32_0 = arith.constant 0 : i32
    %c0_i32_1 = arith.constant 0 : i32
    return %c0_i32, %c0_i32_0 : i32, i32
  }
  func.func @transform_9(%arg0: i32) -> (i32, i32) {
    %c0_i32 = arith.constant 0 : i32
    %c0_i32_0 = arith.constant 0 : i32
    %c0_i32_1 = arith.constant 0 : i32
    return %c0_i32, %c0_i32_0 : i32, i32
  }
  func.func @transform_10(%arg0: i32) -> (i32, i32) {
    %c0_i32 = arith.constant 0 : i32
    %c0_i32_0 = arith.constant 0 : i32
    %c0_i32_1 = arith.constant 0 : i32
    return %c0_i32, %c0_i32_0 : i32, i32
  }
  func.func @transform_11(%arg0: i32) -> (i32, i32) {
    %c0_i32 = arith.constant 0 : i32
    %c0_i32_0 = arith.constant 0 : i32
    return %arg0, %c0_i32 : i32, i32
  }
  func.func @transform_12(%arg0: i32) -> (i32, i32) {
    %c0_i32 = arith.constant 0 : i32
    %c0_i32_0 = arith.constant 0 : i32
    return %arg0, %c0_i32 : i32, i32
  }
}

module attributes {stable_mosaic.version = 14 : i64} {
  func.func @_scores_body(%arg0: i32, %arg1: memref<2000x128xf32, #tpu.memory_space<vmem>>, %arg2: memref<128x128xf32, #tpu.memory_space<vmem>>, %arg3: memref<1x128xf32, #tpu.memory_space<vmem>>, %arg4: memref<128x4xf32, #tpu.memory_space<vmem>>, %arg5: memref<2000x4xf32, #tpu.memory_space<vmem>>) attributes {dimension_semantics = [#tpu.dimension_semantics<arbitrary>], iteration_bounds = array<i64: 5>, scalar_prefetch = 0 : i64, scratch_operands = 0 : i64, tpu.core_type = #tpu.core_type<tc>, window_params = [{transform_indices = @transform_0, window_bounds = array<i64: 2000, 128>}, {pipeline_mode = #tpu.pipeline_mode<synchronous>, transform_indices = @transform_1, window_bounds = array<i64: 128, 128>}, {pipeline_mode = #tpu.pipeline_mode<synchronous>, transform_indices = @transform_2, window_bounds = array<i64: 1, 128>}, {pipeline_mode = #tpu.pipeline_mode<synchronous>, transform_indices = @transform_3, window_bounds = array<i64: 128, 4>}, {transform_indices = @transform_4, window_bounds = array<i64: 2000, 4>}]} {
    %get3A = arith.constant 0 : index
    %get3A_0 = arith.constant 0 : index
    %get3A_1 = vector.load %arg1[%get3A, %get3A_0] : memref<2000x128xf32, #tpu.memory_space<vmem>>, vector<2000x128xf32>
    %get3A_2 = arith.constant 0 : index
    %get3A_3 = arith.constant 0 : index
    %get3A_4 = vector.load %arg2[%get3A_2, %get3A_3] : memref<128x128xf32, #tpu.memory_space<vmem>>, vector<128x128xf32>
    %dot_general3A = arith.constant dense<0.000000e+00> : vector<2000x128xf32>
    %dot_general3A_5 = tpu.matmul %get3A_1, %get3A_4, %dot_general3A {dimension_numbers = #tpu.dot_dimension_numbers<[1], [0], [0], [1], [0, 0, 1, 1], [], []>, transpose_lhs_hint = false} : vector<2000x128xf32>, vector<128x128xf32>, vector<2000x128xf32> -> vector<2000x128xf32>
    %get3A_6 = arith.constant 0 : index
    %get3A_7 = arith.constant 0 : index
    %get3A_8 = vector.load %arg3[%get3A_6, %get3A_7] : memref<1x128xf32, #tpu.memory_space<vmem>>, vector<1x128xf32>
    %add3A = vector.broadcast %get3A_8 : vector<1x128xf32> to vector<2000x128xf32>
    %add3A_9 = arith.addf %dot_general3A_5, %add3A : vector<2000x128xf32>
    %get3A_10 = arith.constant 0 : index
    %get3A_11 = arith.constant 0 : index
    %get3A_12 = vector.load %arg4[%get3A_10, %get3A_11] : memref<128x4xf32, #tpu.memory_space<vmem>>, vector<128x4xf32>
    %dot_general3A_13 = arith.constant dense<0.000000e+00> : vector<2000x4xf32>
    %dot_general3A_14 = tpu.matmul %add3A_9, %get3A_12, %dot_general3A_13 {dimension_numbers = #tpu.dot_dimension_numbers<[1], [0], [0], [1], [0, 0, 1, 1], [], []>, transpose_lhs_hint = false} : vector<2000x128xf32>, vector<128x4xf32>, vector<2000x4xf32> -> vector<2000x4xf32>
    %sqrt3A = arith.constant 3.200000e+01 : f32
    %sqrt3A_15 = math.sqrt %sqrt3A : f32
    %div3A = arith.constant 1.000000e+00 : f32
    %div3A_16 = arith.divf %div3A, %sqrt3A_15 : f32
    %mul3A = vector.broadcast %div3A_16 : f32 to vector<2000x4xf32>
    %mul3A_17 = arith.mulf %dot_general3A_14, %mul3A : vector<2000x4xf32>
    %swap3A = arith.constant 0 : index
    %swap3A_18 = arith.constant 0 : index
    %swap3A_19 = vector.load %arg5[%swap3A, %swap3A_18] : memref<2000x4xf32, #tpu.memory_space<vmem>>, vector<2000x4xf32>
    tpu.vector_store %arg5[%swap3A, %swap3A_18], %mul3A_17 {strides = array<i32>} : memref<2000x4xf32, #tpu.memory_space<vmem>>, vector<2000x4xf32>,
    return
  }
  func.func @transform_0(%arg0: i32) -> (i32, i32) {
    %c0_i32 = arith.constant 0 : i32
    %c0_i32_0 = arith.constant 0 : i32
    return %arg0, %c0_i32 : i32, i32
  }
  func.func @transform_1(%arg0: i32) -> (i32, i32) {
    %c0_i32 = arith.constant 0 : i32
    %c0_i32_0 = arith.constant 0 : i32
    %c0_i32_1 = arith.constant 0 : i32
    return %c0_i32, %c0_i32_0 : i32, i32
  }
  func.func @transform_2(%arg0: i32) -> (i32, i32) {
    %c0_i32 = arith.constant 0 : i32
    %c0_i32_0 = arith.constant 0 : i32
    %c0_i32_1 = arith.constant 0 : i32
    return %c0_i32, %c0_i32_0 : i32, i32
  }
  func.func @transform_3(%arg0: i32) -> (i32, i32) {
    %c0_i32 = arith.constant 0 : i32
    %c0_i32_0 = arith.constant 0 : i32
    %c0_i32_1 = arith.constant 0 : i32
    return %c0_i32, %c0_i32_0 : i32, i32
  }
  func.func @transform_4(%arg0: i32) -> (i32, i32) {
    %c0_i32 = arith.constant 0 : i32
    %c0_i32_0 = arith.constant 0 : i32
    return %arg0, %c0_i32 : i32, i32
  }
}

module attributes {stable_mosaic.version = 14 : i64} {
  func.func @_softmax_body(%arg0: memref<10000x4xf32, #tpu.memory_space<vmem>>, %arg1: memref<1x10000xi32, #tpu.memory_space<vmem>>, %arg2: memref<10000x4xf32, #tpu.memory_space<vmem>>) attributes {dimension_semantics = [], scalar_prefetch = 0 : i64, scratch_operands = 0 : i64, tpu.core_type = #tpu.core_type<tc>} {
    %get3A = arith.constant 0 : index
    %get3A_0 = arith.constant 0 : index
    %get3A_1 = vector.load %arg0[%get3A, %get3A_0] : memref<10000x4xf32, #tpu.memory_space<vmem>>, vector<10000x4xf32>
    %transpose3A = tpu.transpose %get3A_1, [1, 0] : vector<10000x4xf32> -> vector<4x10000xf32>
    %get3A_2 = arith.constant 0 : index
    %get3A_3 = arith.constant 0 : index
    %get3A_4 = vector.load %arg1[%get3A_2, %get3A_3] : memref<1x10000xi32, #tpu.memory_space<vmem>>, vector<1x10000xi32>
    %iota3A = tpu.iota {dimensions = array<i32: 0>} : vector<16x1xi32>
    %eq3A = vector.broadcast %get3A_4 : vector<1x10000xi32> to vector<16x10000xi32>
    %eq3A_5 = vector.broadcast %iota3A : vector<16x1xi32> to vector<16x10000xi32>
    %eq3A_6 = arith.cmpi eq, %eq3A, %eq3A_5 : vector<16x10000xi32>
    %convert_element_type3A = arith.extui %eq3A_6 : vector<16x10000xi1> to vector<16x10000xi32>
    %convert_element_type3A_7 = arith.sitofp %convert_element_type3A : vector<16x10000xi32> to vector<16x10000xf32>
    %slice3A = vector.extract_strided_slice %convert_element_type3A_7 {offsets = [0, 0], sizes = [1, 10000], strides = [1, 1]} : vector<16x10000xf32> to vector<1x10000xf32>
    %gt3A = arith.constant 0.000000e+00 : f32
    %gt3A_8 = vector.broadcast %gt3A : f32 to vector<1x10000xf32>
    %gt3A_9 = arith.cmpf ogt, %slice3A, %gt3A_8 : vector<1x10000xf32>
    %jit3A = arith.constant 0xFF800000 : f32
    %broadcast_in_dim3A = vector.shape_cast %gt3A_9 : vector<1x10000xi1> to vector<1x10000xi1>
    %broadcast_in_dim3A_10 = vector.broadcast %broadcast_in_dim3A : vector<1x10000xi1> to vector<4x10000xi1>
    %broadcast_in_dim3A_11 = vector.broadcast %jit3A : f32 to vector<4x10000xf32>
    %select_n3A = arith.select %broadcast_in_dim3A_10, %transpose3A, %broadcast_in_dim3A_11 : vector<4x10000xi1>, vector<4x10000xf32>
    %reduce_max3A = arith.constant dense<0xFF800000> : vector<4xf32>
    %reduce_max3A_12 = vector.multi_reduction <maximumf>, %select_n3A, %reduce_max3A [1] : vector<4x10000xf32> to vector<4xf32>
    %broadcast_in_dim3A_13 = vector.shape_cast %reduce_max3A_12 : vector<4xf32> to vector<4x1xf32>
    %slice3A_14 = vector.extract_strided_slice %convert_element_type3A_7 {offsets = [1, 0], sizes = [1, 10000], strides = [1, 1]} : vector<16x10000xf32> to vector<1x10000xf32>
    %gt3A_15 = arith.constant 0.000000e+00 : f32
    %gt3A_16 = vector.broadcast %gt3A_15 : f32 to vector<1x10000xf32>
    %gt3A_17 = arith.cmpf ogt, %slice3A_14, %gt3A_16 : vector<1x10000xf32>
    %jit3A_18 = arith.constant 0xFF800000 : f32
    %broadcast_in_dim3A_19 = vector.shape_cast %gt3A_17 : vector<1x10000xi1> to vector<1x10000xi1>
    %broadcast_in_dim3A_20 = vector.broadcast %broadcast_in_dim3A_19 : vector<1x10000xi1> to vector<4x10000xi1>
    %broadcast_in_dim3A_21 = vector.broadcast %jit3A_18 : f32 to vector<4x10000xf32>
    %select_n3A_22 = arith.select %broadcast_in_dim3A_20, %transpose3A, %broadcast_in_dim3A_21 : vector<4x10000xi1>, vector<4x10000xf32>
    %reduce_max3A_23 = arith.constant dense<0xFF800000> : vector<4xf32>
    %reduce_max3A_24 = vector.multi_reduction <maximumf>, %select_n3A_22, %reduce_max3A_23 [1] : vector<4x10000xf32> to vector<4xf32>
    %broadcast_in_dim3A_25 = vector.shape_cast %reduce_max3A_24 : vector<4xf32> to vector<4x1xf32>
    %slice3A_26 = vector.extract_strided_slice %convert_element_type3A_7 {offsets = [2, 0], sizes = [1, 10000], strides = [1, 1]} : vector<16x10000xf32> to vector<1x10000xf32>
    %gt3A_27 = arith.constant 0.000000e+00 : f32
    %gt3A_28 = vector.broadcast %gt3A_27 : f32 to vector<1x10000xf32>
    %gt3A_29 = arith.cmpf ogt, %slice3A_26, %gt3A_28 : vector<1x10000xf32>
    %jit3A_30 = arith.constant 0xFF800000 : f32
    %broadcast_in_dim3A_31 = vector.shape_cast %gt3A_29 : vector<1x10000xi1> to vector<1x10000xi1>
    %broadcast_in_dim3A_32 = vector.broadcast %broadcast_in_dim3A_31 : vector<1x10000xi1> to vector<4x10000xi1>
    %broadcast_in_dim3A_33 = vector.broadcast %jit3A_30 : f32 to vector<4x10000xf32>
    %select_n3A_34 = arith.select %broadcast_in_dim3A_32, %transpose3A, %broadcast_in_dim3A_33 : vector<4x10000xi1>, vector<4x10000xf32>
    %reduce_max3A_35 = arith.constant dense<0xFF800000> : vector<4xf32>
    %reduce_max3A_36 = vector.multi_reduction <maximumf>, %select_n3A_34, %reduce_max3A_35 [1] : vector<4x10000xf32> to vector<4xf32>
    %broadcast_in_dim3A_37 = vector.shape_cast %reduce_max3A_36 : vector<4xf32> to vector<4x1xf32>
    %slice3A_38 = vector.extract_strided_slice %convert_element_type3A_7 {offsets = [3, 0], sizes = [1, 10000], strides = [1, 1]} : vector<16x10000xf32> to vector<1x10000xf32>
    %gt3A_39 = arith.constant 0.000000e+00 : f32
    %gt3A_40 = vector.broadcast %gt3A_39 : f32 to vector<1x10000xf32>
    %gt3A_41 = arith.cmpf ogt, %slice3A_38, %gt3A_40 : vector<1x10000xf32>
    %jit3A_42 = arith.constant 0xFF800000 : f32
    %broadcast_in_dim3A_43 = vector.shape_cast %gt3A_41 : vector<1x10000xi1> to vector<1x10000xi1>
    %broadcast_in_dim3A_44 = vector.broadcast %broadcast_in_dim3A_43 : vector<1x10000xi1> to vector<4x10000xi1>
    %broadcast_in_dim3A_45 = vector.broadcast %jit3A_42 : f32 to vector<4x10000xf32>
    %select_n3A_46 = arith.select %broadcast_in_dim3A_44, %transpose3A, %broadcast_in_dim3A_45 : vector<4x10000xi1>, vector<4x10000xf32>
    %reduce_max3A_47 = arith.constant dense<0xFF800000> : vector<4xf32>
    %reduce_max3A_48 = vector.multi_reduction <maximumf>, %select_n3A_46, %reduce_max3A_47 [1] : vector<4x10000xf32> to vector<4xf32>
    %broadcast_in_dim3A_49 = vector.shape_cast %reduce_max3A_48 : vector<4xf32> to vector<4x1xf32>
    %slice3A_50 = vector.extract_strided_slice %convert_element_type3A_7 {offsets = [4, 0], sizes = [1, 10000], strides = [1, 1]} : vector<16x10000xf32> to vector<1x10000xf32>
    %gt3A_51 = arith.constant 0.000000e+00 : f32
    %gt3A_52 = vector.broadcast %gt3A_51 : f32 to vector<1x10000xf32>
    %gt3A_53 = arith.cmpf ogt, %slice3A_50, %gt3A_52 : vector<1x10000xf32>
    %jit3A_54 = arith.constant 0xFF800000 : f32
    %broadcast_in_dim3A_55 = vector.shape_cast %gt3A_53 : vector<1x10000xi1> to vector<1x10000xi1>
    %broadcast_in_dim3A_56 = vector.broadcast %broadcast_in_dim3A_55 : vector<1x10000xi1> to vector<4x10000xi1>
    %broadcast_in_dim3A_57 = vector.broadcast %jit3A_54 : f32 to vector<4x10000xf32>
    %select_n3A_58 = arith.select %broadcast_in_dim3A_56, %transpose3A, %broadcast_in_dim3A_57 : vector<4x10000xi1>, vector<4x10000xf32>
    %reduce_max3A_59 = arith.constant dense<0xFF800000> : vector<4xf32>
    %reduce_max3A_60 = vector.multi_reduction <maximumf>, %select_n3A_58, %reduce_max3A_59 [1] : vector<4x10000xf32> to vector<4xf32>
    %broadcast_in_dim3A_61 = vector.shape_cast %reduce_max3A_60 : vector<4xf32> to vector<4x1xf32>
    %slice3A_62 = vector.extract_strided_slice %convert_element_type3A_7 {offsets = [5, 0], sizes = [1, 10000], strides = [1, 1]} : vector<16x10000xf32> to vector<1x10000xf32>
    %gt3A_63 = arith.constant 0.000000e+00 : f32
    %gt3A_64 = vector.broadcast %gt3A_63 : f32 to vector<1x10000xf32>
    %gt3A_65 = arith.cmpf ogt, %slice3A_62, %gt3A_64 : vector<1x10000xf32>
    %jit3A_66 = arith.constant 0xFF800000 : f32
    %broadcast_in_dim3A_67 = vector.shape_cast %gt3A_65 : vector<1x10000xi1> to vector<1x10000xi1>
    %broadcast_in_dim3A_68 = vector.broadcast %broadcast_in_dim3A_67 : vector<1x10000xi1> to vector<4x10000xi1>
    %broadcast_in_dim3A_69 = vector.broadcast %jit3A_66 : f32 to vector<4x10000xf32>
    %select_n3A_70 = arith.select %broadcast_in_dim3A_68, %transpose3A, %broadcast_in_dim3A_69 : vector<4x10000xi1>, vector<4x10000xf32>
    %reduce_max3A_71 = arith.constant dense<0xFF800000> : vector<4xf32>
    %reduce_max3A_72 = vector.multi_reduction <maximumf>, %select_n3A_70, %reduce_max3A_71 [1] : vector<4x10000xf32> to vector<4xf32>
    %broadcast_in_dim3A_73 = vector.shape_cast %reduce_max3A_72 : vector<4xf32> to vector<4x1xf32>
    %slice3A_74 = vector.extract_strided_slice %convert_element_type3A_7 {offsets = [6, 0], sizes = [1, 10000], strides = [1, 1]} : vector<16x10000xf32> to vector<1x10000xf32>
    %gt3A_75 = arith.constant 0.000000e+00 : f32
    %gt3A_76 = vector.broadcast %gt3A_75 : f32 to vector<1x10000xf32>
    %gt3A_77 = arith.cmpf ogt, %slice3A_74, %gt3A_76 : vector<1x10000xf32>
    %jit3A_78 = arith.constant 0xFF800000 : f32
    %broadcast_in_dim3A_79 = vector.shape_cast %gt3A_77 : vector<1x10000xi1> to vector<1x10000xi1>
    %broadcast_in_dim3A_80 = vector.broadcast %broadcast_in_dim3A_79 : vector<1x10000xi1> to vector<4x10000xi1>
    %broadcast_in_dim3A_81 = vector.broadcast %jit3A_78 : f32 to vector<4x10000xf32>
    %select_n3A_82 = arith.select %broadcast_in_dim3A_80, %transpose3A, %broadcast_in_dim3A_81 : vector<4x10000xi1>, vector<4x10000xf32>
    %reduce_max3A_83 = arith.constant dense<0xFF800000> : vector<4xf32>
    %reduce_max3A_84 = vector.multi_reduction <maximumf>, %select_n3A_82, %reduce_max3A_83 [1] : vector<4x10000xf32> to vector<4xf32>
    %broadcast_in_dim3A_85 = vector.shape_cast %reduce_max3A_84 : vector<4xf32> to vector<4x1xf32>
    %slice3A_86 = vector.extract_strided_slice %convert_element_type3A_7 {offsets = [7, 0], sizes = [1, 10000], strides = [1, 1]} : vector<16x10000xf32> to vector<1x10000xf32>
    %gt3A_87 = arith.constant 0.000000e+00 : f32
    %gt3A_88 = vector.broadcast %gt3A_87 : f32 to vector<1x10000xf32>
    %gt3A_89 = arith.cmpf ogt, %slice3A_86, %gt3A_88 : vector<1x10000xf32>
    %jit3A_90 = arith.constant 0xFF800000 : f32
    %broadcast_in_dim3A_91 = vector.shape_cast %gt3A_89 : vector<1x10000xi1> to vector<1x10000xi1>
    %broadcast_in_dim3A_92 = vector.broadcast %broadcast_in_dim3A_91 : vector<1x10000xi1> to vector<4x10000xi1>
    %broadcast_in_dim3A_93 = vector.broadcast %jit3A_90 : f32 to vector<4x10000xf32>
    %select_n3A_94 = arith.select %broadcast_in_dim3A_92, %transpose3A, %broadcast_in_dim3A_93 : vector<4x10000xi1>, vector<4x10000xf32>
    %reduce_max3A_95 = arith.constant dense<0xFF800000> : vector<4xf32>
    %reduce_max3A_96 = vector.multi_reduction <maximumf>, %select_n3A_94, %reduce_max3A_95 [1] : vector<4x10000xf32> to vector<4xf32>
    %broadcast_in_dim3A_97 = vector.shape_cast %reduce_max3A_96 : vector<4xf32> to vector<4x1xf32>
    %slice3A_98 = vector.extract_strided_slice %convert_element_type3A_7 {offsets = [8, 0], sizes = [1, 10000], strides = [1, 1]} : vector<16x10000xf32> to vector<1x10000xf32>
    %gt3A_99 = arith.constant 0.000000e+00 : f32
    %gt3A_100 = vector.broadcast %gt3A_99 : f32 to vector<1x10000xf32>
    %gt3A_101 = arith.cmpf ogt, %slice3A_98, %gt3A_100 : vector<1x10000xf32>
    %jit3A_102 = arith.constant 0xFF800000 : f32
    %broadcast_in_dim3A_103 = vector.shape_cast %gt3A_101 : vector<1x10000xi1> to vector<1x10000xi1>
    %broadcast_in_dim3A_104 = vector.broadcast %broadcast_in_dim3A_103 : vector<1x10000xi1> to vector<4x10000xi1>
    %broadcast_in_dim3A_105 = vector.broadcast %jit3A_102 : f32 to vector<4x10000xf32>
    %select_n3A_106 = arith.select %broadcast_in_dim3A_104, %transpose3A, %broadcast_in_dim3A_105 : vector<4x10000xi1>, vector<4x10000xf32>
    %reduce_max3A_107 = arith.constant dense<0xFF800000> : vector<4xf32>
    %reduce_max3A_108 = vector.multi_reduction <maximumf>, %select_n3A_106, %reduce_max3A_107 [1] : vector<4x10000xf32> to vector<4xf32>
    %broadcast_in_dim3A_109 = vector.shape_cast %reduce_max3A_108 : vector<4xf32> to vector<4x1xf32>
    %slice3A_110 = vector.extract_strided_slice %convert_element_type3A_7 {offsets = [9, 0], sizes = [1, 10000], strides = [1, 1]} : vector<16x10000xf32> to vector<1x10000xf32>
    %gt3A_111 = arith.constant 0.000000e+00 : f32
    %gt3A_112 = vector.broadcast %gt3A_111 : f32 to vector<1x10000xf32>
    %gt3A_113 = arith.cmpf ogt, %slice3A_110, %gt3A_112 : vector<1x10000xf32>
    %jit3A_114 = arith.constant 0xFF800000 : f32
    %broadcast_in_dim3A_115 = vector.shape_cast %gt3A_113 : vector<1x10000xi1> to vector<1x10000xi1>
    %broadcast_in_dim3A_116 = vector.broadcast %broadcast_in_dim3A_115 : vector<1x10000xi1> to vector<4x10000xi1>
    %broadcast_in_dim3A_117 = vector.broadcast %jit3A_114 : f32 to vector<4x10000xf32>
    %select_n3A_118 = arith.select %broadcast_in_dim3A_116, %transpose3A, %broadcast_in_dim3A_117 : vector<4x10000xi1>, vector<4x10000xf32>
    %reduce_max3A_119 = arith.constant dense<0xFF800000> : vector<4xf32>
    %reduce_max3A_120 = vector.multi_reduction <maximumf>, %select_n3A_118, %reduce_max3A_119 [1] : vector<4x10000xf32> to vector<4xf32>
    %broadcast_in_dim3A_121 = vector.shape_cast %reduce_max3A_120 : vector<4xf32> to vector<4x1xf32>
    %slice3A_122 = vector.extract_strided_slice %convert_element_type3A_7 {offsets = [10, 0], sizes = [1, 10000], strides = [1, 1]} : vector<16x10000xf32> to vector<1x10000xf32>
    %gt3A_123 = arith.constant 0.000000e+00 : f32
    %gt3A_124 = vector.broadcast %gt3A_123 : f32 to vector<1x10000xf32>
    %gt3A_125 = arith.cmpf ogt, %slice3A_122, %gt3A_124 : vector<1x10000xf32>
    %jit3A_126 = arith.constant 0xFF800000 : f32
    %broadcast_in_dim3A_127 = vector.shape_cast %gt3A_125 : vector<1x10000xi1> to vector<1x10000xi1>
    %broadcast_in_dim3A_128 = vector.broadcast %broadcast_in_dim3A_127 : vector<1x10000xi1> to vector<4x10000xi1>
    %broadcast_in_dim3A_129 = vector.broadcast %jit3A_126 : f32 to vector<4x10000xf32>
    %select_n3A_130 = arith.select %broadcast_in_dim3A_128, %transpose3A, %broadcast_in_dim3A_129 : vector<4x10000xi1>, vector<4x10000xf32>
    %reduce_max3A_131 = arith.constant dense<0xFF800000> : vector<4xf32>
    %reduce_max3A_132 = vector.multi_reduction <maximumf>, %select_n3A_130, %reduce_max3A_131 [1] : vector<4x10000xf32> to vector<4xf32>
    %broadcast_in_dim3A_133 = vector.shape_cast %reduce_max3A_132 : vector<4xf32> to vector<4x1xf32>
    %slice3A_134 = vector.extract_strided_slice %convert_element_type3A_7 {offsets = [11, 0], sizes = [1, 10000], strides = [1, 1]} : vector<16x10000xf32> to vector<1x10000xf32>
    %gt3A_135 = arith.constant 0.000000e+00 : f32
    %gt3A_136 = vector.broadcast %gt3A_135 : f32 to vector<1x10000xf32>
    %gt3A_137 = arith.cmpf ogt, %slice3A_134, %gt3A_136 : vector<1x10000xf32>
    %jit3A_138 = arith.constant 0xFF800000 : f32
    %broadcast_in_dim3A_139 = vector.shape_cast %gt3A_137 : vector<1x10000xi1> to vector<1x10000xi1>
    %broadcast_in_dim3A_140 = vector.broadcast %broadcast_in_dim3A_139 : vector<1x10000xi1> to vector<4x10000xi1>
    %broadcast_in_dim3A_141 = vector.broadcast %jit3A_138 : f32 to vector<4x10000xf32>
    %select_n3A_142 = arith.select %broadcast_in_dim3A_140, %transpose3A, %broadcast_in_dim3A_141 : vector<4x10000xi1>, vector<4x10000xf32>
    %reduce_max3A_143 = arith.constant dense<0xFF800000> : vector<4xf32>
    %reduce_max3A_144 = vector.multi_reduction <maximumf>, %select_n3A_142, %reduce_max3A_143 [1] : vector<4x10000xf32> to vector<4xf32>
    %broadcast_in_dim3A_145 = vector.shape_cast %reduce_max3A_144 : vector<4xf32> to vector<4x1xf32>
    %slice3A_146 = vector.extract_strided_slice %convert_element_type3A_7 {offsets = [12, 0], sizes = [1, 10000], strides = [1, 1]} : vector<16x10000xf32> to vector<1x10000xf32>
    %gt3A_147 = arith.constant 0.000000e+00 : f32
    %gt3A_148 = vector.broadcast %gt3A_147 : f32 to vector<1x10000xf32>
    %gt3A_149 = arith.cmpf ogt, %slice3A_146, %gt3A_148 : vector<1x10000xf32>
    %jit3A_150 = arith.constant 0xFF800000 : f32
    %broadcast_in_dim3A_151 = vector.shape_cast %gt3A_149 : vector<1x10000xi1> to vector<1x10000xi1>
    %broadcast_in_dim3A_152 = vector.broadcast %broadcast_in_dim3A_151 : vector<1x10000xi1> to vector<4x10000xi1>
    %broadcast_in_dim3A_153 = vector.broadcast %jit3A_150 : f32 to vector<4x10000xf32>
    %select_n3A_154 = arith.select %broadcast_in_dim3A_152, %transpose3A, %broadcast_in_dim3A_153 : vector<4x10000xi1>, vector<4x10000xf32>
    %reduce_max3A_155 = arith.constant dense<0xFF800000> : vector<4xf32>
    %reduce_max3A_156 = vector.multi_reduction <maximumf>, %select_n3A_154, %reduce_max3A_155 [1] : vector<4x10000xf32> to vector<4xf32>
    %broadcast_in_dim3A_157 = vector.shape_cast %reduce_max3A_156 : vector<4xf32> to vector<4x1xf32>
    %slice3A_158 = vector.extract_strided_slice %convert_element_type3A_7 {offsets = [13, 0], sizes = [1, 10000], strides = [1, 1]} : vector<16x10000xf32> to vector<1x10000xf32>
    %gt3A_159 = arith.constant 0.000000e+00 : f32
    %gt3A_160 = vector.broadcast %gt3A_159 : f32 to vector<1x10000xf32>
    %gt3A_161 = arith.cmpf ogt, %slice3A_158, %gt3A_160 : vector<1x10000xf32>
    %jit3A_162 = arith.constant 0xFF800000 : f32
    %broadcast_in_dim3A_163 = vector.shape_cast %gt3A_161 : vector<1x10000xi1> to vector<1x10000xi1>
    %broadcast_in_dim3A_164 = vector.broadcast %broadcast_in_dim3A_163 : vector<1x10000xi1> to vector<4x10000xi1>
    %broadcast_in_dim3A_165 = vector.broadcast %jit3A_162 : f32 to vector<4x10000xf32>
    %select_n3A_166 = arith.select %broadcast_in_dim3A_164, %transpose3A, %broadcast_in_dim3A_165 : vector<4x10000xi1>, vector<4x10000xf32>
    %reduce_max3A_167 = arith.constant dense<0xFF800000> : vector<4xf32>
    %reduce_max3A_168 = vector.multi_reduction <maximumf>, %select_n3A_166, %reduce_max3A_167 [1] : vector<4x10000xf32> to vector<4xf32>
    %broadcast_in_dim3A_169 = vector.shape_cast %reduce_max3A_168 : vector<4xf32> to vector<4x1xf32>
    %slice3A_170 = vector.extract_strided_slice %convert_element_type3A_7 {offsets = [14, 0], sizes = [1, 10000], strides = [1, 1]} : vector<16x10000xf32> to vector<1x10000xf32>
    %gt3A_171 = arith.constant 0.000000e+00 : f32
    %gt3A_172 = vector.broadcast %gt3A_171 : f32 to vector<1x10000xf32>
    %gt3A_173 = arith.cmpf ogt, %slice3A_170, %gt3A_172 : vector<1x10000xf32>
    %jit3A_174 = arith.constant 0xFF800000 : f32
    %broadcast_in_dim3A_175 = vector.shape_cast %gt3A_173 : vector<1x10000xi1> to vector<1x10000xi1>
    %broadcast_in_dim3A_176 = vector.broadcast %broadcast_in_dim3A_175 : vector<1x10000xi1> to vector<4x10000xi1>
    %broadcast_in_dim3A_177 = vector.broadcast %jit3A_174 : f32 to vector<4x10000xf32>
    %select_n3A_178 = arith.select %broadcast_in_dim3A_176, %transpose3A, %broadcast_in_dim3A_177 : vector<4x10000xi1>, vector<4x10000xf32>
    %reduce_max3A_179 = arith.constant dense<0xFF800000> : vector<4xf32>
    %reduce_max3A_180 = vector.multi_reduction <maximumf>, %select_n3A_178, %reduce_max3A_179 [1] : vector<4x10000xf32> to vector<4xf32>
    %broadcast_in_dim3A_181 = vector.shape_cast %reduce_max3A_180 : vector<4xf32> to vector<4x1xf32>
    %slice3A_182 = vector.extract_strided_slice %convert_element_type3A_7 {offsets = [15, 0], sizes = [1, 10000], strides = [1, 1]} : vector<16x10000xf32> to vector<1x10000xf32>
    %gt3A_183 = arith.constant 0.000000e+00 : f32
    %gt3A_184 = vector.broadcast %gt3A_183 : f32 to vector<1x10000xf32>
    %gt3A_185 = arith.cmpf ogt, %slice3A_182, %gt3A_184 : vector<1x10000xf32>
    %jit3A_186 = arith.constant 0xFF800000 : f32
    %broadcast_in_dim3A_187 = vector.shape_cast %gt3A_185 : vector<1x10000xi1> to vector<1x10000xi1>
    %broadcast_in_dim3A_188 = vector.broadcast %broadcast_in_dim3A_187 : vector<1x10000xi1> to vector<4x10000xi1>
    %broadcast_in_dim3A_189 = vector.broadcast %jit3A_186 : f32 to vector<4x10000xf32>
    %select_n3A_190 = arith.select %broadcast_in_dim3A_188, %transpose3A, %broadcast_in_dim3A_189 : vector<4x10000xi1>, vector<4x10000xf32>
    %reduce_max3A_191 = arith.constant dense<0xFF800000> : vector<4xf32>
    %reduce_max3A_192 = vector.multi_reduction <maximumf>, %select_n3A_190, %reduce_max3A_191 [1] : vector<4x10000xf32> to vector<4xf32>
    %broadcast_in_dim3A_193 = vector.shape_cast %reduce_max3A_192 : vector<4xf32> to vector<4x1xf32>
    %concatenate3A = tpu.concatenate %broadcast_in_dim3A_13, %broadcast_in_dim3A_25, %broadcast_in_dim3A_37, %broadcast_in_dim3A_49, %broadcast_in_dim3A_61, %broadcast_in_dim3A_73, %broadcast_in_dim3A_85, %broadcast_in_dim3A_97, %broadcast_in_dim3A_109, %broadcast_in_dim3A_121, %broadcast_in_dim3A_133, %broadcast_in_dim3A_145, %broadcast_in_dim3A_157, %broadcast_in_dim3A_169, %broadcast_in_dim3A_181, %broadcast_in_dim3A_193 in 1 : vector<4x1xf32>, vector<4x1xf32>, vector<4x1xf32>, vector<4x1xf32>, vector<4x1xf32>, vector<4x1xf32>, vector<4x1xf32>, vector<4x1xf32>, vector<4x1xf32>, vector<4x1xf32>, vector<4x1xf32>, vector<4x1xf32>, vector<4x1xf32>, vector<4x1xf32>, vector<4x1xf32>, vector<4x1xf32> -> vector<4x16xf32>
    %gt3A_194 = arith.constant -1.000000e+30 : f32
    %gt3A_195 = vector.broadcast %gt3A_194 : f32 to vector<4x16xf32>
    %gt3A_196 = arith.cmpf ogt, %concatenate3A, %gt3A_195 : vector<4x16xf32>
    %jit3A_197 = arith.constant 0.000000e+00 : f32
    %broadcast_in_dim3A_198 = vector.broadcast %jit3A_197 : f32 to vector<4x16xf32>
    %select_n3A_199 = arith.select %gt3A_196, %concatenate3A, %broadcast_in_dim3A_198 : vector<4x16xi1>, vector<4x16xf32>
    %dot_general3A = arith.constant dense<0.000000e+00> : vector<4x10000xf32>
    %dot_general3A_200 = tpu.matmul %select_n3A_199, %convert_element_type3A_7, %dot_general3A {dimension_numbers = #tpu.dot_dimension_numbers<[1], [0], [0], [1], [0, 0, 1, 1], [], []>, transpose_lhs_hint = false} : vector<4x16xf32>, vector<16x10000xf32>, vector<4x10000xf32> -> vector<4x10000xf32>
    %sub3A = arith.subf %transpose3A, %dot_general3A_200 : vector<4x10000xf32>
    %exp3A = math.exp %sub3A : vector<4x10000xf32>
    %dot_general3A_201 = arith.constant dense<0.000000e+00> : vector<4x16xf32>
    %dot_general3A_202 = tpu.matmul %exp3A, %convert_element_type3A_7, %dot_general3A_201 {dimension_numbers = #tpu.dot_dimension_numbers<[1], [1], [0], [0], [0, 0, 1, 0], [], []>, transpose_lhs_hint = false} : vector<4x10000xf32>, vector<16x10000xf32>, vector<4x16xf32> -> vector<4x16xf32>
    %dot_general3A_203 = arith.constant dense<0.000000e+00> : vector<4x10000xf32>
    %dot_general3A_204 = tpu.matmul %dot_general3A_202, %convert_element_type3A_7, %dot_general3A_203 {dimension_numbers = #tpu.dot_dimension_numbers<[1], [0], [0], [1], [0, 0, 1, 1], [], []>, transpose_lhs_hint = false} : vector<4x16xf32>, vector<16x10000xf32>, vector<4x10000xf32> -> vector<4x10000xf32>
    %max3A = arith.constant 9.99999996E-13 : f32
    %max3A_205 = vector.broadcast %max3A : f32 to vector<4x10000xf32>
    %max3A_206 = arith.maximumf %dot_general3A_204, %max3A_205 : vector<4x10000xf32>
    %div3A = arith.divf %exp3A, %max3A_206 : vector<4x10000xf32>
    %transpose3A_207 = tpu.transpose %div3A, [1, 0] : vector<4x10000xf32> -> vector<10000x4xf32>
    %swap3A = arith.constant 0 : index
    %swap3A_208 = arith.constant 0 : index
    %swap3A_209 = vector.load %arg2[%swap3A, %swap3A_208] : memref<10000x4xf32, #tpu.memory_space<vmem>>, vector<10000x4xf32>
    tpu.vector_store %arg2[%swap3A, %swap3A_208], %transpose3A_207 {strides = array<i32>} : memref<10000x4xf32, #tpu.memory_space<vmem>>, vector<10000x4xf32>,
    return
  }
}

module attributes {stable_mosaic.version = 14 : i64} {
  func.func @_pool_body(%arg0: i32, %arg1: memref<2000x128xf32, #tpu.memory_space<vmem>>, %arg2: memref<2000x128xf32, #tpu.memory_space<vmem>>, %arg3: memref<2000x128xf32, #tpu.memory_space<vmem>>, %arg4: memref<2000x4xf32, #tpu.memory_space<vmem>>, %arg5: memref<2000x1xi32, #tpu.memory_space<vmem>>, %arg6: memref<128x128xf32, #tpu.memory_space<vmem>>, %arg7: memref<1x128xf32, #tpu.memory_space<vmem>>, %arg8: memref<4x128xf32, #tpu.memory_space<vmem>>, %arg9: memref<16x128xf32, #tpu.memory_space<vmem>>, %arg10: memref<16x128xf32, #tpu.memory_space<vmem>>, %arg11: memref<16x128xf32, #tpu.memory_space<vmem>>) attributes {dimension_semantics = [#tpu.dimension_semantics<arbitrary>], iteration_bounds = array<i64: 5>, scalar_prefetch = 0 : i64, scratch_operands = 0 : i64, tpu.core_type = #tpu.core_type<tc>, window_params = [{transform_indices = @transform_0, window_bounds = array<i64: 2000, 128>}, {transform_indices = @transform_1, window_bounds = array<i64: 2000, 128>}, {transform_indices = @transform_2, window_bounds = array<i64: 2000, 128>}, {transform_indices = @transform_3, window_bounds = array<i64: 2000, 4>}, {transform_indices = @transform_4, window_bounds = array<i64: 2000, 1>}, {pipeline_mode = #tpu.pipeline_mode<synchronous>, transform_indices = @transform_5, window_bounds = array<i64: 128, 128>}, {pipeline_mode = #tpu.pipeline_mode<synchronous>, transform_indices = @transform_6, window_bounds = array<i64: 1, 128>}, {pipeline_mode = #tpu.pipeline_mode<synchronous>, transform_indices = @transform_7, window_bounds = array<i64: 4, 128>}, {pipeline_mode = #tpu.pipeline_mode<synchronous>, transform_indices = @transform_8, window_bounds = array<i64: 16, 128>}, {pipeline_mode = #tpu.pipeline_mode<synchronous>, transform_indices = @transform_9, window_bounds = array<i64: 16, 128>}, {pipeline_mode = #tpu.pipeline_mode<synchronous>, transform_indices = @transform_10, window_bounds = array<i64: 16, 128>}]} {
    %get3A = arith.constant 0 : index
    %get3A_0 = arith.constant 0 : index
    %get3A_1 = vector.load %arg5[%get3A, %get3A_0] : memref<2000x1xi32, #tpu.memory_space<vmem>>, vector<2000x1xi32>
    %iota3A = tpu.iota {dimensions = array<i32: 1>} : vector<1x16xi32>
    %eq3A = vector.broadcast %get3A_1 : vector<2000x1xi32> to vector<2000x16xi32>
    %eq3A_2 = vector.broadcast %iota3A : vector<1x16xi32> to vector<2000x16xi32>
    %eq3A_3 = arith.cmpi eq, %eq3A, %eq3A_2 : vector<2000x16xi32>
    %convert_element_type3A = arith.extui %eq3A_3 : vector<2000x16xi1> to vector<2000x16xi32>
    %convert_element_type3A_4 = arith.sitofp %convert_element_type3A : vector<2000x16xi32> to vector<2000x16xf32>
    %get3A_5 = arith.constant 0 : index
    %get3A_6 = arith.constant 0 : index
    %get3A_7 = vector.load %arg1[%get3A_5, %get3A_6] : memref<2000x128xf32, #tpu.memory_space<vmem>>, vector<2000x128xf32>
    %get3A_8 = arith.constant 0 : index
    %get3A_9 = arith.constant 0 : index
    %get3A_10 = vector.load %arg6[%get3A_8, %get3A_9] : memref<128x128xf32, #tpu.memory_space<vmem>>, vector<128x128xf32>
    %dot_general3A = arith.constant dense<0.000000e+00> : vector<2000x128xf32>
    %dot_general3A_11 = tpu.matmul %get3A_7, %get3A_10, %dot_general3A {dimension_numbers = #tpu.dot_dimension_numbers<[1], [0], [0], [1], [0, 0, 1, 1], [], []>, transpose_lhs_hint = false} : vector<2000x128xf32>, vector<128x128xf32>, vector<2000x128xf32> -> vector<2000x128xf32>
    %get3A_12 = arith.constant 0 : index
    %get3A_13 = arith.constant 0 : index
    %get3A_14 = vector.load %arg7[%get3A_12, %get3A_13] : memref<1x128xf32, #tpu.memory_space<vmem>>, vector<1x128xf32>
    %add3A = vector.broadcast %get3A_14 : vector<1x128xf32> to vector<2000x128xf32>
    %add3A_15 = arith.addf %dot_general3A_11, %add3A : vector<2000x128xf32>
    %get3A_16 = arith.constant 0 : index
    %get3A_17 = arith.constant 0 : index
    %get3A_18 = vector.load %arg4[%get3A_16, %get3A_17] : memref<2000x4xf32, #tpu.memory_space<vmem>>, vector<2000x4xf32>
    %get3A_19 = arith.constant 0 : index
    %get3A_20 = arith.constant 0 : index
    %get3A_21 = vector.load %arg8[%get3A_19, %get3A_20] : memref<4x128xf32, #tpu.memory_space<vmem>>, vector<4x128xf32>
    %dot_general3A_22 = arith.constant dense<0.000000e+00> : vector<2000x128xf32>
    %dot_general3A_23 = tpu.matmul %get3A_18, %get3A_21, %dot_general3A_22 {dimension_numbers = #tpu.dot_dimension_numbers<[1], [0], [0], [1], [0, 0, 1, 1], [], []>, transpose_lhs_hint = false} : vector<2000x4xf32>, vector<4x128xf32>, vector<2000x128xf32> -> vector<2000x128xf32>
    %mul3A = arith.mulf %dot_general3A_23, %add3A_15 : vector<2000x128xf32>
    %eq3A_24 = arith.constant 0 : i32
    %eq3A_25 = arith.cmpi eq, %arg0, %eq3A_24 : i32
    %convert_element_type3A_26 = arith.extui %eq3A_25 : i1 to i32
    %cond3A = arith.constant 0 : i32
    %cond3A_27 = arith.cmpi ne, %convert_element_type3A_26, %cond3A : i32
    scf.if %cond3A_27 {
      %broadcast_in_dim3A = arith.constant 0.000000e+00 : f32
      %broadcast_in_dim3A_60 = vector.broadcast %broadcast_in_dim3A : f32 to vector<16x128xf32>
      %swap3A_61 = arith.constant 0 : index
      %swap3A_62 = arith.constant 0 : index
      %swap3A_63 = vector.load %arg9[%swap3A_61, %swap3A_62] : memref<16x128xf32, #tpu.memory_space<vmem>>, vector<16x128xf32>
      tpu.vector_store %arg9[%swap3A_61, %swap3A_62], %broadcast_in_dim3A_60 {strides = array<i32>} : memref<16x128xf32, #tpu.memory_space<vmem>>, vector<16x128xf32>,
      %broadcast_in_dim3A_64 = arith.constant 0.000000e+00 : f32
      %broadcast_in_dim3A_65 = vector.broadcast %broadcast_in_dim3A_64 : f32 to vector<16x128xf32>
      %swap3A_66 = arith.constant 0 : index
      %swap3A_67 = arith.constant 0 : index
      %swap3A_68 = vector.load %arg10[%swap3A_66, %swap3A_67] : memref<16x128xf32, #tpu.memory_space<vmem>>, vector<16x128xf32>
      tpu.vector_store %arg10[%swap3A_66, %swap3A_67], %broadcast_in_dim3A_65 {strides = array<i32>} : memref<16x128xf32, #tpu.memory_space<vmem>>, vector<16x128xf32>,
      %broadcast_in_dim3A_69 = arith.constant 0.000000e+00 : f32
      %broadcast_in_dim3A_70 = vector.broadcast %broadcast_in_dim3A_69 : f32 to vector<16x128xf32>
      %swap3A_71 = arith.constant 0 : index
      %swap3A_72 = arith.constant 0 : index
      %swap3A_73 = vector.load %arg11[%swap3A_71, %swap3A_72] : memref<16x128xf32, #tpu.memory_space<vmem>>, vector<16x128xf32>
      tpu.vector_store %arg11[%swap3A_71, %swap3A_72], %broadcast_in_dim3A_70 {strides = array<i32>} : memref<16x128xf32, #tpu.memory_space<vmem>>, vector<16x128xf32>,
    } else {
    }
    %get3A_28 = arith.constant 0 : index
    %get3A_29 = arith.constant 0 : index
    %get3A_30 = vector.load %arg9[%get3A_28, %get3A_29] : memref<16x128xf32, #tpu.memory_space<vmem>>, vector<16x128xf32>
    %dot_general3A_31 = arith.constant dense<0.000000e+00> : vector<16x128xf32>
    %dot_general3A_32 = tpu.matmul %convert_element_type3A_4, %mul3A, %dot_general3A_31 {dimension_numbers = #tpu.dot_dimension_numbers<[0], [0], [1], [1], [0, 1, 1, 1], [], []>, transpose_lhs_hint = false} : vector<2000x16xf32>, vector<2000x128xf32>, vector<16x128xf32> -> vector<16x128xf32>
    %add3A_33 = arith.addf %get3A_30, %dot_general3A_32 : vector<16x128xf32>
    %swap3A = arith.constant 0 : index
    %swap3A_34 = arith.constant 0 : index
    %swap3A_35 = vector.load %arg9[%swap3A, %swap3A_34] : memref<16x128xf32, #tpu.memory_space<vmem>>, vector<16x128xf32>
    tpu.vector_store %arg9[%swap3A, %swap3A_34], %add3A_33 {strides = array<i32>} : memref<16x128xf32, #tpu.memory_space<vmem>>, vector<16x128xf32>,
    %get3A_36 = arith.constant 0 : index
    %get3A_37 = arith.constant 0 : index
    %get3A_38 = vector.load %arg10[%get3A_36, %get3A_37] : memref<16x128xf32, #tpu.memory_space<vmem>>, vector<16x128xf32>
    %get3A_39 = arith.constant 0 : index
    %get3A_40 = arith.constant 0 : index
    %get3A_41 = vector.load %arg2[%get3A_39, %get3A_40] : memref<2000x128xf32, #tpu.memory_space<vmem>>, vector<2000x128xf32>
    %dot_general3A_42 = arith.constant dense<0.000000e+00> : vector<16x128xf32>
    %dot_general3A_43 = tpu.matmul %convert_element_type3A_4, %get3A_41, %dot_general3A_42 {dimension_numbers = #tpu.dot_dimension_numbers<[0], [0], [1], [1], [0, 1, 1, 1], [], []>, transpose_lhs_hint = false} : vector<2000x16xf32>, vector<2000x128xf32>, vector<16x128xf32> -> vector<16x128xf32>
    %add3A_44 = arith.addf %get3A_38, %dot_general3A_43 : vector<16x128xf32>
    %swap3A_45 = arith.constant 0 : index
    %swap3A_46 = arith.constant 0 : index
    %swap3A_47 = vector.load %arg10[%swap3A_45, %swap3A_46] : memref<16x128xf32, #tpu.memory_space<vmem>>, vector<16x128xf32>
    tpu.vector_store %arg10[%swap3A_45, %swap3A_46], %add3A_44 {strides = array<i32>} : memref<16x128xf32, #tpu.memory_space<vmem>>, vector<16x128xf32>,
    %get3A_48 = arith.constant 0 : index
    %get3A_49 = arith.constant 0 : index
    %get3A_50 = vector.load %arg11[%get3A_48, %get3A_49] : memref<16x128xf32, #tpu.memory_space<vmem>>, vector<16x128xf32>
    %get3A_51 = arith.constant 0 : index
    %get3A_52 = arith.constant 0 : index
    %get3A_53 = vector.load %arg3[%get3A_51, %get3A_52] : memref<2000x128xf32, #tpu.memory_space<vmem>>, vector<2000x128xf32>
    %dot_general3A_54 = arith.constant dense<0.000000e+00> : vector<16x128xf32>
    %dot_general3A_55 = tpu.matmul %convert_element_type3A_4, %get3A_53, %dot_general3A_54 {dimension_numbers = #tpu.dot_dimension_numbers<[0], [0], [1], [1], [0, 1, 1, 1], [], []>, transpose_lhs_hint = false} : vector<2000x16xf32>, vector<2000x128xf32>, vector<16x128xf32> -> vector<16x128xf32>
    %add3A_56 = arith.addf %get3A_50, %dot_general3A_55 : vector<16x128xf32>
    %swap3A_57 = arith.constant 0 : index
    %swap3A_58 = arith.constant 0 : index
    %swap3A_59 = vector.load %arg11[%swap3A_57, %swap3A_58] : memref<16x128xf32, #tpu.memory_space<vmem>>, vector<16x128xf32>
    tpu.vector_store %arg11[%swap3A_57, %swap3A_58], %add3A_56 {strides = array<i32>} : memref<16x128xf32, #tpu.memory_space<vmem>>, vector<16x128xf32>,
    return
  }
  func.func @transform_0(%arg0: i32) -> (i32, i32) {
    %c0_i32 = arith.constant 0 : i32
    %c0_i32_0 = arith.constant 0 : i32
    return %arg0, %c0_i32 : i32, i32
  }
  func.func @transform_1(%arg0: i32) -> (i32, i32) {
    %c0_i32 = arith.constant 0 : i32
    %c0_i32_0 = arith.constant 0 : i32
    return %arg0, %c0_i32 : i32, i32
  }
  func.func @transform_2(%arg0: i32) -> (i32, i32) {
    %c0_i32 = arith.constant 0 : i32
    %c0_i32_0 = arith.constant 0 : i32
    return %arg0, %c0_i32 : i32, i32
  }
  func.func @transform_3(%arg0: i32) -> (i32, i32) {
    %c0_i32 = arith.constant 0 : i32
    %c0_i32_0 = arith.constant 0 : i32
    return %arg0, %c0_i32 : i32, i32
  }
  func.func @transform_4(%arg0: i32) -> (i32, i32) {
    %c0_i32 = arith.constant 0 : i32
    %c0_i32_0 = arith.constant 0 : i32
    return %arg0, %c0_i32 : i32, i32
  }
  func.func @transform_5(%arg0: i32) -> (i32, i32) {
    %c0_i32 = arith.constant 0 : i32
    %c0_i32_0 = arith.constant 0 : i32
    %c0_i32_1 = arith.constant 0 : i32
    return %c0_i32, %c0_i32_0 : i32, i32
  }
  func.func @transform_6(%arg0: i32) -> (i32, i32) {
    %c0_i32 = arith.constant 0 : i32
    %c0_i32_0 = arith.constant 0 : i32
    %c0_i32_1 = arith.constant 0 : i32
    return %c0_i32, %c0_i32_0 : i32, i32
  }
  func.func @transform_7(%arg0: i32) -> (i32, i32) {
    %c0_i32 = arith.constant 0 : i32
    %c0_i32_0 = arith.constant 0 : i32
    %c0_i32_1 = arith.constant 0 : i32
    return %c0_i32, %c0_i32_0 : i32, i32
  }
  func.func @transform_8(%arg0: i32) -> (i32, i32) {
    %c0_i32 = arith.constant 0 : i32
    %c0_i32_0 = arith.constant 0 : i32
    %c0_i32_1 = arith.constant 0 : i32
    return %c0_i32, %c0_i32_0 : i32, i32
  }
  func.func @transform_9(%arg0: i32) -> (i32, i32) {
    %c0_i32 = arith.constant 0 : i32
    %c0_i32_0 = arith.constant 0 : i32
    %c0_i32_1 = arith.constant 0 : i32
    return %c0_i32, %c0_i32_0 : i32, i32
  }
  func.func @transform_10(%arg0: i32) -> (i32, i32) {
    %c0_i32 = arith.constant 0 : i32
    %c0_i32_0 = arith.constant 0 : i32
    %c0_i32_1 = arith.constant 0 : i32
    return %c0_i32, %c0_i32_0 : i32, i32
  }
}

module attributes {stable_mosaic.version = 14 : i64} {
  func.func @_head_body(%arg0: memref<16x128xf32, #tpu.memory_space<vmem>>, %arg1: memref<16x128xf32, #tpu.memory_space<vmem>>, %arg2: memref<16x128xf32, #tpu.memory_space<vmem>>, %arg3: memref<128x128xf32, #tpu.memory_space<vmem>>, %arg4: memref<1x128xf32, #tpu.memory_space<vmem>>, %arg5: memref<1x128xf32, #tpu.memory_space<vmem>>, %arg6: memref<1x128xf32, #tpu.memory_space<vmem>>, %arg7: memref<384x128xf32, #tpu.memory_space<vmem>>, %arg8: memref<1x128xf32, #tpu.memory_space<vmem>>, %arg9: memref<128x128xf32, #tpu.memory_space<vmem>>, %arg10: memref<1x128xf32, #tpu.memory_space<vmem>>, %arg11: memref<128x128xf32, #tpu.memory_space<vmem>>, %arg12: memref<1x128xf32, #tpu.memory_space<vmem>>, %arg13: memref<16x128xf32, #tpu.memory_space<vmem>>) attributes {dimension_semantics = [], scalar_prefetch = 0 : i64, scratch_operands = 0 : i64, tpu.core_type = #tpu.core_type<tc>} {
    %get3A = arith.constant 0 : index
    %get3A_0 = arith.constant 0 : index
    %get3A_1 = vector.load %arg0[%get3A, %get3A_0] : memref<16x128xf32, #tpu.memory_space<vmem>>, vector<16x128xf32>
    %get3A_2 = arith.constant 0 : index
    %get3A_3 = arith.constant 0 : index
    %get3A_4 = vector.load %arg3[%get3A_2, %get3A_3] : memref<128x128xf32, #tpu.memory_space<vmem>>, vector<128x128xf32>
    %dot_general3A = arith.constant dense<0.000000e+00> : vector<16x128xf32>
    %dot_general3A_5 = tpu.matmul %get3A_1, %get3A_4, %dot_general3A {dimension_numbers = #tpu.dot_dimension_numbers<[1], [0], [0], [1], [0, 0, 1, 1], [], []>, transpose_lhs_hint = false} : vector<16x128xf32>, vector<128x128xf32>, vector<16x128xf32> -> vector<16x128xf32>
    %get3A_6 = arith.constant 0 : index
    %get3A_7 = arith.constant 0 : index
    %get3A_8 = vector.load %arg4[%get3A_6, %get3A_7] : memref<1x128xf32, #tpu.memory_space<vmem>>, vector<1x128xf32>
    %add3A = vector.broadcast %get3A_8 : vector<1x128xf32> to vector<16x128xf32>
    %add3A_9 = arith.addf %dot_general3A_5, %add3A : vector<16x128xf32>
    %reduce_sum3A = arith.constant dense<0.000000e+00> : vector<16xf32>
    %reduce_sum3A_10 = vector.multi_reduction <add>, %add3A_9, %reduce_sum3A [1] : vector<16x128xf32> to vector<16xf32>
    %broadcast_in_dim3A = vector.shape_cast %reduce_sum3A_10 : vector<16xf32> to vector<16x1xf32>
    %div3A = arith.constant 1.280000e+02 : f32
    %div3A_11 = vector.broadcast %div3A : f32 to vector<16x1xf32>
    %div3A_12 = arith.divf %broadcast_in_dim3A, %div3A_11 : vector<16x1xf32>
    %sub3A = vector.broadcast %div3A_12 : vector<16x1xf32> to vector<16x128xf32>
    %sub3A_13 = arith.subf %add3A_9, %sub3A : vector<16x128xf32>
    %integer_pow3A = arith.mulf %sub3A_13, %sub3A_13 : vector<16x128xf32>
    %reduce_sum3A_14 = arith.constant dense<0.000000e+00> : vector<16xf32>
    %reduce_sum3A_15 = vector.multi_reduction <add>, %integer_pow3A, %reduce_sum3A_14 [1] : vector<16x128xf32> to vector<16xf32>
    %broadcast_in_dim3A_16 = vector.shape_cast %reduce_sum3A_15 : vector<16xf32> to vector<16x1xf32>
    %div3A_17 = arith.constant 1.280000e+02 : f32
    %div3A_18 = vector.broadcast %div3A_17 : f32 to vector<16x1xf32>
    %div3A_19 = arith.divf %broadcast_in_dim3A_16, %div3A_18 : vector<16x1xf32>
    %sub3A_20 = vector.broadcast %div3A_12 : vector<16x1xf32> to vector<16x128xf32>
    %sub3A_21 = arith.subf %add3A_9, %sub3A_20 : vector<16x128xf32>
    %add3A_22 = arith.constant 9.99999974E-6 : f32
    %add3A_23 = vector.broadcast %add3A_22 : f32 to vector<16x1xf32>
    %add3A_24 = arith.addf %div3A_19, %add3A_23 : vector<16x1xf32>
    %sqrt3A = math.sqrt %add3A_24 : vector<16x1xf32>
    %div3A_25 = vector.broadcast %sqrt3A : vector<16x1xf32> to vector<16x128xf32>
    %div3A_26 = arith.divf %sub3A_21, %div3A_25 : vector<16x128xf32>
    %get3A_27 = arith.constant 0 : index
    %get3A_28 = arith.constant 0 : index
    %get3A_29 = vector.load %arg5[%get3A_27, %get3A_28] : memref<1x128xf32, #tpu.memory_space<vmem>>, vector<1x128xf32>
    %mul3A = vector.broadcast %get3A_29 : vector<1x128xf32> to vector<16x128xf32>
    %mul3A_30 = arith.mulf %div3A_26, %mul3A : vector<16x128xf32>
    %get3A_31 = arith.constant 0 : index
    %get3A_32 = arith.constant 0 : index
    %get3A_33 = vector.load %arg6[%get3A_31, %get3A_32] : memref<1x128xf32, #tpu.memory_space<vmem>>, vector<1x128xf32>
    %add3A_34 = vector.broadcast %get3A_33 : vector<1x128xf32> to vector<16x128xf32>
    %add3A_35 = arith.addf %mul3A_30, %add3A_34 : vector<16x128xf32>
    %get3A_36 = arith.constant 0 : index
    %get3A_37 = arith.constant 0 : index
    %get3A_38 = vector.load %arg1[%get3A_36, %get3A_37] : memref<16x128xf32, #tpu.memory_space<vmem>>, vector<16x128xf32>
    %get3A_39 = arith.constant 0 : index
    %get3A_40 = arith.constant 0 : index
    %get3A_41 = vector.load %arg2[%get3A_39, %get3A_40] : memref<16x128xf32, #tpu.memory_space<vmem>>, vector<16x128xf32>
    %concatenate3A = tpu.concatenate %add3A_35, %get3A_38, %get3A_41 in 1 : vector<16x128xf32>, vector<16x128xf32>, vector<16x128xf32> -> vector<16x384xf32>
    %get3A_42 = arith.constant 0 : index
    %get3A_43 = arith.constant 0 : index
    %get3A_44 = vector.load %arg7[%get3A_42, %get3A_43] : memref<384x128xf32, #tpu.memory_space<vmem>>, vector<384x128xf32>
    %dot_general3A_45 = arith.constant dense<0.000000e+00> : vector<16x128xf32>
    %dot_general3A_46 = tpu.matmul %concatenate3A, %get3A_44, %dot_general3A_45 {dimension_numbers = #tpu.dot_dimension_numbers<[1], [0], [0], [1], [0, 0, 1, 1], [], []>, transpose_lhs_hint = false} : vector<16x384xf32>, vector<384x128xf32>, vector<16x128xf32> -> vector<16x128xf32>
    %get3A_47 = arith.constant 0 : index
    %get3A_48 = arith.constant 0 : index
    %get3A_49 = vector.load %arg8[%get3A_47, %get3A_48] : memref<1x128xf32, #tpu.memory_space<vmem>>, vector<1x128xf32>
    %add3A_50 = vector.broadcast %get3A_49 : vector<1x128xf32> to vector<16x128xf32>
    %add3A_51 = arith.addf %dot_general3A_46, %add3A_50 : vector<16x128xf32>
    %max3A = arith.constant 0.000000e+00 : f32
    %max3A_52 = vector.broadcast %max3A : f32 to vector<16x128xf32>
    %max3A_53 = arith.maximumf %add3A_51, %max3A_52 : vector<16x128xf32>
    %get3A_54 = arith.constant 0 : index
    %get3A_55 = arith.constant 0 : index
    %get3A_56 = vector.load %arg9[%get3A_54, %get3A_55] : memref<128x128xf32, #tpu.memory_space<vmem>>, vector<128x128xf32>
    %dot_general3A_57 = arith.constant dense<0.000000e+00> : vector<16x128xf32>
    %dot_general3A_58 = tpu.matmul %max3A_53, %get3A_56, %dot_general3A_57 {dimension_numbers = #tpu.dot_dimension_numbers<[1], [0], [0], [1], [0, 0, 1, 1], [], []>, transpose_lhs_hint = false} : vector<16x128xf32>, vector<128x128xf32>, vector<16x128xf32> -> vector<16x128xf32>
    %get3A_59 = arith.constant 0 : index
    %get3A_60 = arith.constant 0 : index
    %get3A_61 = vector.load %arg10[%get3A_59, %get3A_60] : memref<1x128xf32, #tpu.memory_space<vmem>>, vector<1x128xf32>
    %add3A_62 = vector.broadcast %get3A_61 : vector<1x128xf32> to vector<16x128xf32>
    %add3A_63 = arith.addf %dot_general3A_58, %add3A_62 : vector<16x128xf32>
    %max3A_64 = arith.constant 0.000000e+00 : f32
    %max3A_65 = vector.broadcast %max3A_64 : f32 to vector<16x128xf32>
    %max3A_66 = arith.maximumf %add3A_63, %max3A_65 : vector<16x128xf32>
    %get3A_67 = arith.constant 0 : index
    %get3A_68 = arith.constant 0 : index
    %get3A_69 = vector.load %arg11[%get3A_67, %get3A_68] : memref<128x128xf32, #tpu.memory_space<vmem>>, vector<128x128xf32>
    %dot_general3A_70 = arith.constant dense<0.000000e+00> : vector<16x128xf32>
    %dot_general3A_71 = tpu.matmul %max3A_66, %get3A_69, %dot_general3A_70 {dimension_numbers = #tpu.dot_dimension_numbers<[1], [0], [0], [1], [0, 0, 1, 1], [], []>, transpose_lhs_hint = false} : vector<16x128xf32>, vector<128x128xf32>, vector<16x128xf32> -> vector<16x128xf32>
    %get3A_72 = arith.constant 0 : index
    %get3A_73 = arith.constant 0 : index
    %get3A_74 = vector.load %arg12[%get3A_72, %get3A_73] : memref<1x128xf32, #tpu.memory_space<vmem>>, vector<1x128xf32>
    %add3A_75 = vector.broadcast %get3A_74 : vector<1x128xf32> to vector<16x128xf32>
    %add3A_76 = arith.addf %dot_general3A_71, %add3A_75 : vector<16x128xf32>
    %mul3A_77 = arith.mulf %add3A_76, %add3A_76 : vector<16x128xf32>
    %reduce_sum3A_78 = arith.constant dense<0.000000e+00> : vector<16xf32>
    %reduce_sum3A_79 = vector.multi_reduction <add>, %mul3A_77, %reduce_sum3A_78 [1] : vector<16x128xf32> to vector<16xf32>
    %broadcast_in_dim3A_80 = vector.shape_cast %reduce_sum3A_79 : vector<16xf32> to vector<16x1xf32>
    %sqrt3A_81 = math.sqrt %broadcast_in_dim3A_80 : vector<16x1xf32>
    %max3A_82 = arith.constant 9.99999996E-13 : f32
    %max3A_83 = vector.broadcast %max3A_82 : f32 to vector<16x1xf32>
    %max3A_84 = arith.maximumf %sqrt3A_81, %max3A_83 : vector<16x1xf32>
    %div3A_85 = vector.broadcast %max3A_84 : vector<16x1xf32> to vector<16x128xf32>
    %div3A_86 = arith.divf %add3A_76, %div3A_85 : vector<16x128xf32>
    %swap3A = arith.constant 0 : index
    %swap3A_87 = arith.constant 0 : index
    %swap3A_88 = vector.load %arg13[%swap3A, %swap3A_87] : memref<16x128xf32, #tpu.memory_space<vmem>>, vector<16x128xf32>
    tpu.vector_store %arg13[%swap3A, %swap3A_87], %div3A_86 {strides = array<i32>} : memref<16x128xf32, #tpu.memory_space<vmem>>, vector<16x128xf32>,
    return
  }
}

</mosaic_0001>

<sc_bundles>
// kernel: kernel.12.cloned.1.call-start
scs
__scs_entry_jumppad:
0x0: {  	(pc) =	sbr.rel $0x88, $3  }
0x1: {  	(tag) =	ssettag $0x0;
	lr =	simm.s32 $0x1  }
0x2: {  	[smem:$0x3F76] =	sst lr;
	_ =	strace $0xD0000000  }
0x3: {  	_ = 	snop  }
0x4: {  	_ = 	snop  }
0x5: {  	_ = 	snop  }
0x6: {  	_ = 	snop  }
0x7: {  	_ = 	snop  }
__scs_overlays_trampoline_lowered:
0x8: {  	[smem:$0x3F85] =	sst s0  }
0x9: {  	[smem:$0x3F86] =	sst s1  }
0xa: {  	[smem:$0x3F87] =	sst s2  }
0xb: {  	[smem:$0x3F88] =	sst s3  }
0xc: {  	[smem:$0x3F89] =	sst s4  }
0xd: {  	[smem:$0x3F8A] =	sst s5  }
0xe: {  	[smem:$0x3F8B] =	sst s6  }
0xf: {  	[smem:$0x3F8C] =	sst s7  }
0x10: {  	[smem:$0x3F8D] =	sst s8  }
0x11: {  	[smem:$0x3F8E] =	sst s9;
	s0 =	simm.s32 @!p0 $0x0  }
0x12: {  	s1 =	sld [smem:$0x3F74];
	s0 =	simm.s32 @p0 $0x1  }
0x13: {  	[smem:$0x3F8F] =	sst s0;
	s0 =	simm.s32 @!p1 $0x0  }
0x14: {  	s2 =	sld [smem:$0x3F73];
	s0 =	simm.s32 @p1 $0x1  }
0x15: {  	[smem:$0x3F90] =	sst s0;
	s0 =	simm.s32 @!p2 $0x0  }
0x16: {  	s3 =	sld [smem:$0x3FDB];
	s0 =	simm.s32 @p2 $0x1  }
0x17: {  	s4 =	simm.s32 $0x1BF5;
	[smem:$0x3F92] =	sst s0  }
0x18: {  	s0 =	sld [smem:$0x3F75];
	_ =	swait.ge [sflag:s4], $0x0  }
0x19: {  	s7 =	sld [smem:$0x3F76]  }
0x1a: {  	s8 =	sadd.s32 $0xFFFFE003, lr  }
0x1b: {  	s9 =	sadd.s32 $0xFFFFFEF7, lr;
	s5 =	simm.s32 $0xFFFFFFFF;
	p2 =	slt.u32 s8, $0xFFFFF086  }
0x1c: {  	p1 =	slt.u32 s9, $0xF7A;
	s5 =	simm.s32 @!p2 $0x0  }
0x1d: {  	s5 =	simm.s32 @p1 $0x1;
	p0 =	seq.s32 s7, s2  }
0x1e: {  	s7 =	smul.u32 @!p0 $0xF7A, s2;
	p2 =	seq.s32 @!p0 s5, $0x0  }
0x1f: {  	s9 =	smul.u32 $0xF7A, s1;
	s8 =	simm.s32 @!p0 $0x1BF5;
	p2 =	por !p2, p0  }
0x20: {  	[sflag:s8] =	ssyncset.s32 @!p0 $0xFFFFF086;
	s6 =	sadd.s32 @!p0 s3, s7;
	s7 =	simm.s32 @!p0 $0x108  }
0x21: {  	s3 =	sadd.s32 s3, s9;
	s6 =	sadd.s32 @!p0 $0x88, s6;
	s7 =	simm.s32 @p2 $0x1082  }
0x22: {  	[simem:s7], [sflag:s8] =	dma.local @!p0 [hbm:s6], $0xF7A  }
0x23: {  	s9 =	sor.u32 $0xD0000000, s2;
	s6 =	simm.s32 $0x108;
	_ =	swait.ge @!p0 [sflag:s8], $0x0  }
0x24: {  	s3 =	sadd.s32 $0x88, s3;
	s6 =	simm.s32 @!p1 $0x1082;
	[sflag:s4] =	ssyncset.s32 $0xFFFFF086  }
0x25: {  	[simem:s6], [sflag:s4] =	dma.local [hbm:s3], $0xF7A  }
0x26: {  	[smem:$0x3F76] =	sst s1;
	(tag) =	ssettag s2;
	_ =	strace s9  }
0x27: {  	s1 =	sld [smem:$0x3F86]  }
0x28: {  	s2 =	sld [smem:$0x3F87]  }
0x29: {  	s4 =	sld [smem:$0x3F89]  }
0x2a: {  	p0 =	seq.s32 s5, $0x0;
	s5 =	sld [smem:$0x3F8A]  }
0x2b: {  	s6 =	sld [smem:$0x3F8B]  }
0x2c: {  	s7 =	sld [smem:$0x3F8C]  }
0x2d: {  	s3 =	simm.s32 $0x108;
	s8 =	sld [smem:$0x3F8D]  }
0x2e: {  	s3 =	simm.s32 @!p0 $0x1082;
	s9 =	sld [smem:$0x3F8E]  }
0x2f: {  	lr =	sadd.s32 s0, s3;
	s0 =	sld [smem:$0x3F85]  }
0x30: {  	s3 =	sld [smem:$0x3F88]  }
0x31: {  	[smem:$0x3F91] =	sst s10  }
0x32: {  	s10 =	sld [smem:$0x3F8F];
	_ =	sdelay $0x3  }
0x33: {  	p0 =	seq.s32 s10, $0x1;
	s10 =	sld [smem:$0x3F91];
	_ =	sdelay $0x3  }
0x34: {  	[smem:$0x3F91] =	sst s10  }
0x35: {  	s10 =	sld [smem:$0x3F90];
	_ =	sdelay $0x3  }
0x36: {  	p1 =	seq.s32 s10, $0x1;
	s10 =	sld [smem:$0x3F91];
	_ =	sdelay $0x3  }
0x37: {  	[smem:$0x3F91] =	sst s10  }
0x38: {  	s10 =	sld [smem:$0x3F92]  }
0x39: {  	_ = 	snop;
	(pc) =	sbr.ind lr, $3  }
0x3a: {  	_ = 	snop  }
0x3b: {  	_ = 	snop  }
0x3c: {  	p2 =	seq.s32 s10, $0x1;
	s10 =	sld [smem:$0x3F91]  }
0x3d: {  	_ =	shalt  }
0x3e: {  	_ =	shalt  }
0x3f: {  	_ =	shalt  }
0x40: {  	_ =	shalt  }
0x41: {  	_ =	shalt  }
0x42: {  	_ =	shalt  }
0x43: {  	_ =	shalt  }
0x44: {  	_ =	shalt  }
0x45: {  	_ =	shalt  }
0x46: {  	_ =	shalt  }
0x47: {  	_ =	shalt  }
0x48: {  	_ =	shalt  }
0x49: {  	_ =	shalt  }
0x4a: {  	_ =	shalt  }
0x4b: {  	_ =	shalt  }
0x4c: {  	_ =	shalt  }
0x4d: {  	_ =	shalt  }
0x4e: {  	_ =	shalt  }
0x4f: {  	_ =	shalt  }
0x50: {  	_ =	shalt  }
0x51: {  	_ =	shalt  }
0x52: {  	_ =	shalt  }
0x53: {  	_ =	shalt  }
0x54: {  	_ =	shalt  }
0x55: {  	_ =	shalt  }
0x56: {  	_ =	shalt  }
0x57: {  	_ =	shalt  }
0x58: {  	_ =	shalt  }
0x59: {  	_ =	shalt  }
0x5a: {  	_ =	shalt  }
0x5b: {  	_ =	shalt  }
0x5c: {  	_ =	shalt  }
0x5d: {  	_ =	shalt  }
0x5e: {  	_ =	shalt  }
0x5f: {  	_ =	shalt  }
0x60: {  	_ =	shalt  }
0x61: {  	_ =	shalt  }
0x62: {  	_ =	shalt  }
0x63: {  	_ =	shalt  }
0x64: {  	_ =	shalt  }
0x65: {  	_ =	shalt  }
0x66: {  	_ =	shalt  }
0x67: {  	_ =	shalt  }
0x68: {  	_ =	shalt  }
0x69: {  	_ =	shalt  }
0x6a: {  	_ =	shalt  }
0x6b: {  	_ =	shalt  }
0x6c: {  	_ =	shalt  }
0x6d: {  	_ =	shalt  }
0x6e: {  	_ =	shalt  }
0x6f: {  	_ =	shalt  }
0x70: {  	_ =	shalt  }
0x71: {  	_ =	shalt  }
0x72: {  	_ =	shalt  }
0x73: {  	_ =	shalt  }
0x74: {  	_ =	shalt  }
0x75: {  	_ =	shalt  }
0x76: {  	_ =	shalt  }
0x77: {  	_ =	shalt  }
0x78: {  	_ =	shalt  }
0x79: {  	_ =	shalt  }
0x7a: {  	_ =	shalt  }
0x7b: {  	_ =	shalt  }
0x7c: {  	_ =	shalt  }
0x7d: {  	_ =	shalt  }
0x7e: {  	_ =	shalt  }
0x7f: {  	_ =	shalt  }
0x80: {  	_ =	shalt  }
0x81: {  	_ =	shalt  }
0x82: {  	_ =	shalt  }
0x83: {  	_ =	shalt  }
0x84: {  	_ =	shalt  }
0x85: {  	_ =	shalt  }
0x86: {  	_ =	shalt  }
0x87: {  	_ =	shalt  }
.Lfunc_end0:
.L_simem_size_0:
called_computation_lowered:
.L_overlay_start_0:
0x88: {  	s2 =	sld [smem:$0x3FD9]  }
0x89: {  	s3 =	sld [smem:$0x3FFE];
	_ =	sdelay $0x1  }
0x8a: {  	s1 =	srdreg.scid  }
0x8b: {  	s0 =	sand.u32 $0x1, s1  }
0x8c: {  	s16 =	sshll.u32 s0, $0xA;
	s2 =	sadd.s32 s3, s2  }
0x8d: {  	s2 =	sadd.s32 s2, s16  }
0x8e: {  	[smem:$0x3F9D] =	sst s2  }
0x8f: {  	_ = 	snop  }
0x90: {  	(tm) =	ssettm $0x1  }
0x91: {  	s17 =	sld [smem:$0x3FFB];
	_ =	sdelay $0x3  }
0x92: {  	_ =	strace s17  }
0x93: {  	s2 =	sld [smem:$0x3FFC];
	_ =	sdelay $0x3  }
0x94: {  	_ =	strace s2  }
0x95: {  	s2 =	sld [smem:$0x3FFD];
	_ =	sdelay $0x3  }
0x96: {  	_ =	strace s2  }
0x97: {  	_ =	strace $0x8FFFFFFF  }
0x98: {  	s18 =	sld [smem:$0x3FDB];
	_ =	sdelay $0x1  }
0x99: {  	s19 =	simm.s32 $_scs_section_size  }
0x9a: {  	s4 =	simm.s32 $_size__tile_overlayer_lowered;
	s5 =	simm.s32 $_tile_overlayer_lowered  }
0x9b: {  	s22 =	simm.s32 $0x1BFF;
	s21 =	sshll.u32 s5, $0x1;
	s2 =	sadd.s32 s19, s18  }
0x9c: {  	s6 =	simm.s32 $0x0;
	s20 =	sshll.u32 s4, $0x1;
	s4 =	sadd.s32 s21, s2  }
0x9d: {  	[timem:s6], [sflag:s22] =	dma.local [hbm:s4], s20  }
0x9e: {  	_ =	swait.ge [sflag:s22], s20  }
0x9f: {  	s3 =	ssub.s32 $0x0, s20;
	[sflag:s22] =	ssyncset.done $0x0  }
0xa0: {  	[sflag:s22] =	ssyncadd.s32 s3;
	_ =	sdelay $0x1  }
0xa1: {  	s23 =	simm.s32 $0x1B8B  }
0xa2: {  	_ =	swait.ge [sflag:s23], $0x1  }
0xa3: {  	[sflag:s23] =	ssyncset.done $0x0  }
0xa4: {  	s25 =	simm.s32 $0x1B8E;
	s24 =	sld [smem:$0x3FFE];
	[sflag:s23] =	ssyncadd.s32 $0xFFFFFFFF  }
0xa5: {  	s26 =	simm.s32 $execute0_lowered;
	[smem:$0x3FD2] =	sst s25  }
0xa6: {  	s4 =	sshll.u32 s26, $0x1;
	_ =	strace $0x80000046;
	[dreg:$0x1] =	wrdreg $0xFFFFFFFF  }
0xa7: {  	s28 =	simm.s32 $_size_execute0_lowered;
	s2 =	sadd.s32 s2, s4;
	[dreg:$0x0] =	wrdreg $0x0  }
0xa8: {  	s4 =	sshll.u32 s28, $0x1;
	[dreg:$0x2] =	wrdreg s2  }
0xa9: {  	[dreg:$0x3] =	wrdreg s4  }
0xaa: {  	[dreg:$0x4] =	wrdreg $0xC0  }
0xab: {  	_ =	task [dreg:s6], $0x5FFFF  }
0xac: {  	[dreg:$0x1] =	wrdreg $0xFFFFFFFF  }
0xad: {  	[dreg:$0x0] =	wrdreg $0x60  }
0xae: {  	[dreg:$0x2] =	wrdreg s24  }
0xaf: {  	[dreg:$0x3] =	wrdreg $0xA8800  }
0xb0: {  	[dreg:$0x4] =	wrdreg $0x9  }
0xb1: {  	_ =	task.clear_ibuf [dreg:s6], $0x5FFFF;
	_ =	strace $0x90000046  }
0xb2: {  	s29 =	simm.s32 $0x9;
	_ =	strace $0x80000048  }
0xb3: {  	_ =	swait.ge [sflag:s29], $0x1  }
0xb4: {  	[sflag:s29] =	ssyncadd.s32 $0xFFFFFFFF  }
0xb5: {  	_ =	strace $0x90000048  }
0xb6: {  	_ =	sfence  }
0xb7: {  	s30 =	sld [smem:$0x0];
	_ =	sdelay $0x2  }
0xb8: {  	s31 =	sshll.u32 s1, $0xD;
	s1 =	sshrl.u32 s1, $0x2  }
0xb9: {  	s3 =	sand.u32 $0x4000, s31;
	s1 =	sadd.s32 s1, s30  }
0xba: {  	s0 =	sor.u32 s3, s0;
	s1 =	sshll.u32 s1, $0x11  }
0xbb: {  	s0 =	sor.u32 s1, s0  }
0xbc: {  	s0 =	sadd.s32 $0x8F2B, s0  }
0xbd: {  	[sflag:s0] =	ssyncadd.remote.s32 $0x1  }
0xbe: {  	_ =	sfence.sel $0xFFFF  }
0xbf: {  	[dreg:$0x0] =	wrdreg $0xFFFFFFFF;
	(pc) =	sbr.abs _section_cstart, $3  }
0xc0: {  	[dreg:$0x1] =	wrdreg $0xFFFFFFFF  }
0xc1: {  	_ =	task.clear_ibuf [dreg:s6], $0x2FFFF;
	_ =	strace $0x9FFFFFFF  }
0xc2: {  	(tm) =	ssettm $0x7FFFFFFF  }
0xc3: {  	_ =	shalt  }
tec
execute0_lowered:
.L_overlay_start_1:
0x0: {  	(tag) =	ssettag $0x1  }
0x1: {  	s1 =	srdreg.scid  }
0x2: {  	s0 =	stileid.u32;
	s10 =	rddreg [dreg:$0x0]  }
0x3: {  	s2 =	rddreg [dreg:$0x1];
	s3 =	simm.s32 $0x0;
	s19 =	simm.s32 $0x3  }
0x4: {  	s20 =	simm.s32 $0x80;
	s21 =	simm.s32 $0x2880;
	s22 =	simm.s32 $0x6880  }
0x5: {  	s23 =	simm.s32 $0x1;
	s24 =	simm.s32 $0x2;
	s25 =	simm.s32 $0x0  }
0x6: {  	s9 =	sand.u32 $0x1, s1;
	s1 =	rddreg [dreg:$0x2];
	s8 =	smul.u32 $0x2780, s0  }
0x7: {  	s26 =	sshll.u32 s0, $0x1;
	[smem:$0x7FF] =	sst s3;
	s13 =	smul.u32 $0x4F000, s0  }
0x8: {  	s15 =	sadd.s32 $0x5F000, s10;
	p0 =	slt.u32 s0, $0x2;
	s30 =	smul.u32 $0x13C00, s0  }
0x9: {  	s17 =	sadd.s32 $0x128400, s2;
	s4 =	sor.u32 s9, s26;
	_ =	strace $0x80000047  }
0xa: {  	s12 =	ssub.s32 $0x2, s9;
	s29 =	smul.u32 $0x138800, s9;
	s9 =	simm.s32 $0x4F  }
0xb: {  	s5 =	smul.u32 $0x4E, s4;
	s6 =	smin.u32 s4, $0x4;
	s4 =	sadd.s32 $0x10C00, s10  }
0xc: {  	s8 =	sadd.s32 s8, s10;
	s14 =	sshrl.u32 s12, $0x1;
	s28 =	sshrl.u32 s13, $0x2  }
0xd: {  	s9 =	simm.s32 @!p0 $0x4E;
	p0 =	seq.s32 s0, $0xF;
	s16 =	ssub.s32 s12, s14  }
0xe: {  	s18 =	sadd.s32 s28, s2;
	s8 =	sadd.s32 $0x37E00, s8;
	s13 =	sadd.s32 s30, s29  }
0xf: {  	s31 =	sshrl.u32 s29, $0x3;
	s12 =	sadd.s32 $0xFFFFFFFF, s9;
	s5 =	sadd.s32 s6, s5  }
0x10: {  	s6 =	sadd.s32 $0x4FCA00, s10;
	s13 =	sshrl.u32 s13, $0x3;
	s14 =	sadd.s32 s15, s31  }
0x11: {  	s18 =	sshrl.u32 @!p0 s18, $0x3;
	s7 =	sshll.u32 s5, $0x4;
	s13 =	sadd.s32 s15, s13  }
0x12: {  	s14 =	sadd.s32 $0x25080, s14;
	s15 =	smax.u32 s16, $0x1;
	s16 =	sshrl.u32 @p0 s17, $0x3  }
0x13: {  	s17 =	sshll.u32 @!p0 s0, $0x6;
	s11 =	sadd.s32 s7, s10;
	s7 =	sadd.s32 $0x6E00, s10  }
0x14: {  	s10 =	sadd.s32 $0x5CE80, s10;
	s17 =	sor.u32 @!p0 $0x1C03, s17;
	s11 =	sadd.s32 $0x4F2C00, s11  }
.LBB2_1:
0x15: {  	s26 =	simm.s32 @p0 $0x1FC3  }
0x16: {  	[spmem:s16], [sflag:s26] =	dma.local @p0 [hbm:s10], $0x2080  }
0x17: {  	s26 =	simm.s32 @p0 $0x3  }
0x18: {  	_ =	swait.ge @p0 [sflag:s26], $0x2080  }
0x19: {  	[sflag:s26] =	ssyncset.done @p0 $0x0  }
0x1a: {  	[sflag:s26] =	ssyncadd.s32 @p0 $0xFFFFDF80;
	s26 =	simm.s32 @!p0 $0x3  }
0x1b: {  	[spmem:s18], [sflag:s17] =	dma.local @!p0 [hbm:s8], $0x2780  }
0x1c: {  	_ =	swait.ge @!p0 [sflag:s26], $0x2780  }
0x1d: {  	[sflag:s26] =	ssyncset.done @!p0 $0x0  }
0x1e: {  	[sflag:s26] =	ssyncadd.s32 @!p0 $0xFFFFD880  }
0x1f: {  	[bflag:$0x0] =	sbarrier.arrive $0xFFFF  }
0x20: {  	[tilespmem:s3], [sflag:$0x3] =	stream.linear.gather [hbm4b:s11+s3], $0x2780, $0x38;
	[tilespmem:$0x1E100] =	vst v63  }
0x21: {  	_ =	swait.ge [sflag:s19], $0x2780  }
0x22: {  	[sflag:s19] =	ssyncset.done $0x0  }
0x23: {  	s26 =	simm.s32 $0x0;
	[sflag:s19] =	ssyncadd.s32 $0xFFFFD880  }
0x24: {  	[tilespmem:s21], [sflag:$0x1] =	stream.indirect.gather [hbm4b:s4+s20], $0x80, s3, s20, $0xb8;
	[tilespmem:$0x1E100] =	vst v63  }
.LBB2_2:
0x25: {  	s29 =	sadd.s32 s5, s26  }
0x26: {  	s28 =	sshll.u32 s26, $0x7;
	s30 =	sshll.u32 s29, $0x4  }
0x27: {  	s28 =	sand.u32 $0x80, s28;
	s30 =	sand.u32 $0x1FFFFFF0, s30  }
0x28: {  	s28 =	sadd.s32 $0x2780, s28;
	s30 =	sadd.s32 s7, s30  }
0x29: {  	[tilespmem:s28], [sflag:$0x3] =	stream.linear.gather [hbm4b:s30+s3], $0x80, $0x38;
	[tilespmem:$0x1E100] =	vst v63  }
0x2a: {  	_ =	swait.ge [sflag:s19], $0x80  }
0x2b: {  	p1 =	seq.s32 s26, $0x0;
	[sflag:s19] =	ssyncset.done $0x0  }
0x2c: {  	s30 =	simm.s32 @!p1 $0x2;
	[sflag:s19] =	ssyncadd.s32 $0xFFFFFF80  }
0x2d: {  	s29 =	sshll.u32 s29, $0xB;
	_ =	swait.ge @!p1 [sflag:s30], $0x4000  }
0x2e: {  	s29 =	sand.u32 $0x1FFFF800, s29;
	[sflag:s30] =	ssyncset.done @!p1 $0x0  }
0x2f: {  	s29 =	sadd.s32 s6, s29;
	[sflag:s30] =	ssyncadd.s32 @!p1 $0xFFFFC000;
	s30 =	simm.s32 $0x0  }
0x30: {  	[tilespmem:s22], [sflag:$0x3] =	stream.linear.gather [hbm4b:s29+s30], $0x4000, $0x38;
	[tilespmem:$0x1E100] =	vst v63  }
0x31: {  	_ =	swait.ge [sflag:s19], $0x4000  }
0x32: {  	[sflag:s19] =	ssyncset.done $0x0  }
0x33: {  	[sflag:s19] =	ssyncadd.s32 $0xFFFFC000  }
0x34: {  	_ =	swait.ge [sflag:s23], $0x4000  }
0x35: {  	[sflag:s23] =	ssyncset.done $0x0  }
0x36: {  	s29 =	simm.s32 $0x0;
	[sflag:s23] =	ssyncadd.s32 $0xFFFFC000  }
0x37: {  	v6 =	vld [tilespmem:s29+$0x2880]  }
0x38: {  	v11 =	vld [tilespmem:s29+$0x2890]  }
0x39: {  	v5 =	vld [tilespmem:s29+$0x28A0]  }
0x3a: {  	v4 =	vld [tilespmem:s29+$0x28B0]  }
0x3b: {  	v3 =	vld [tilespmem:s29+$0x28C0]  }
0x3c: {  	v2 =	vld [tilespmem:s29+$0x28D0]  }
0x3d: {  	v1 =	vld [tilespmem:s29+$0x28E0]  }
0x3e: {  	v0 =	vld [tilespmem:s29+$0x28F0]  }
0x3f: {  	v12 =	vld [tilespmem:s29+$0x6880]  }
0x40: {  	v13 =	vld [tilespmem:s29+$0x6890]  }
0x41: {  	v10 =	vld [tilespmem:s29+$0x68A0]  }
0x42: {  	v9 =	vld [tilespmem:s29+$0x68B0]  }
0x43: {  	v8 =	vld [tilespmem:s29+$0x68C0]  }
0x44: {  	v7 =	vld [tilespmem:s29+$0x68D0];
	v12 =	vadd.f32 v12, v6  }
0x45: {  	s30 =	simm.s32 $0x200;
	v11 =	vadd.f32 v13, v11;
	v6 =	vld [tilespmem:s29+$0x68E0]  }
.LBB2_3:
0x46: {  	s31 =	sshra.s32 s30, $0x2;
	p1 =	sne.s32 s30, $0xFE00;
	v12 =	vmax.f32 v12, $0.0e+00;
	v5 =	vadd.f32 v10, v5;
	v10 =	vld [tilespmem:s29+$0x68F0]  }
0x47: {  	v13 =	vld [tilespmem:s31+$0x2880];
	[tilespmem:s29+$0x6880] =	vst v12;
	v11 =	vmax.f32 v11, $0.0e+00;
	v4 =	vadd.f32 v9, v4  }
0x48: {  	v14 =	vld [tilespmem:s31+$0x2890];
	[tilespmem:s29+$0x6890] =	vst v11;
	v9 =	vmax.f32 v5, $0.0e+00;
	v3 =	vadd.f32 v8, v3  }
0x49: {  	v5 =	vld [tilespmem:s31+$0x28A0];
	[tilespmem:s29+$0x68A0] =	vst v9;
	v8 =	vmax.f32 v4, $0.0e+00;
	v2 =	vadd.f32 v7, v2  }
0x4a: {  	v4 =	vld [tilespmem:s31+$0x28B0];
	[tilespmem:s29+$0x68B0] =	vst v8;
	v7 =	vmax.f32 v3, $0.0e+00;
	v1 =	vadd.f32 v6, v1  }
0x4b: {  	v3 =	vld [tilespmem:s31+$0x28C0];
	[tilespmem:s29+$0x68C0] =	vst v7;
	v6 =	vmax.f32 v2, $0.0e+00;
	v0 =	vadd.f32 v10, v0  }
0x4c: {  	v2 =	vld [tilespmem:s31+$0x28D0];
	[tilespmem:s29+$0x68D0] =	vst v6;
	v6 =	vmax.f32 v1, $0.0e+00  }
0x4d: {  	v1 =	vld [tilespmem:s31+$0x28E0];
	[tilespmem:s29+$0x68E0] =	vst v6;
	v6 =	vmax.f32 v0, $0.0e+00  }
0x4e: {  	v0 =	vld [tilespmem:s31+$0x28F0];
	[tilespmem:s29+$0x68F0] =	vst v6;
	s29 =	smov.u32 s31  }
0x4f: {  	v6 =	vld [tilespmem:s29+$0x6880]  }
0x50: {  	v11 =	vld [tilespmem:s29+$0x6890]  }
.Ltmp0:
0x51: {  	v10 =	vld [tilespmem:s29+$0x68A0];
	(pc) =	sbr.rel @p1 .LBB2_3-.Ltmp0, $4  }
0x52: {  	v9 =	vld [tilespmem:s29+$0x68B0]  }
0x53: {  	v8 =	vld [tilespmem:s29+$0x68C0]  }
0x54: {  	v12 =	vadd.f32 v6, v13;
	v7 =	vld [tilespmem:s29+$0x68D0]  }
0x55: {  	s30 =	sadd.s32 $0x200, s30;
	v11 =	vadd.f32 v11, v14;
	v6 =	vld [tilespmem:s29+$0x68E0]  }
0x56: {  	v12 =	vmax.f32 v12, $0.0e+00;
	v5 =	vadd.f32 v10, v5;
	v63 =	vld [tilespmem:s29+$0x68F0]  }
0x57: {  	[tilespmem:s29+$0x6880] =	vst v12;
	v11 =	vmax.f32 v11, $0.0e+00;
	v4 =	vadd.f32 v9, v4  }
0x58: {  	[tilespmem:s29+$0x6890] =	vst v11;
	v5 =	vmax.f32 v5, $0.0e+00;
	v3 =	vadd.f32 v8, v3  }
0x59: {  	[tilespmem:s29+$0x68A0] =	vst v5;
	v4 =	vmax.f32 v4, $0.0e+00;
	v2 =	vadd.f32 v7, v2  }
0x5a: {  	s26 =	sadd.s32 $0x1, s26;
	[tilespmem:s29+$0x68B0] =	vst v4;
	v3 =	vmax.f32 v3, $0.0e+00;
	v1 =	vadd.f32 v6, v1  }
0x5b: {  	s30 =	smov.u32 s12;
	p1 =	slt.s32 s26, s12;
	[tilespmem:s29+$0x68C0] =	vst v3;
	v2 =	vmax.f32 v2, $0.0e+00;
	v0 =	vadd.f32 v63, v0  }
0x5c: {  	s30 =	smov.u32 @p1 s26;
	p1 =	sne.s32 s26, s9;
	[tilespmem:s29+$0x68D0] =	vst v2;
	v1 =	vmax.f32 v1, $0.0e+00  }
.Ltmp1:
0x5d: {  	s30 =	sshll.u32 s30, $0x7;
	[tilespmem:s29+$0x68E0] =	vst v1;
	v0 =	vmax.f32 v0, $0.0e+00;
	(pc) =	sbr.rel @p1 .LBB2_2-.Ltmp1, $4  }
0x5e: {  	s31 =	sand.u32 $0x3FFFFF80, s30;
	[tilespmem:s29+$0x68F0] =	vst v0  }
0x5f: {  	[tilespmem:s21], [sflag:$0x1] =	stream.indirect.gather [hbm4b:s4+s20], $0x80, s31, s20, $0xb8;
	[tilespmem:$0x1E100] =	vst v63  }
0x60: {  	_ = 	snop  }
0x61: {  	[spmem:s2] =	stream.indirect.scatter.add.f32 [tilespmem:s22], [sflag:$0x2], $0x80, s28, s20, $0xb8;
	[tilespmem:$0x1E100] =	vst v63  }
0x62: {  	_ =	swait.ge [sflag:s23], $0x4000  }
0x63: {  	[sflag:s23] =	ssyncset.done $0x0  }
0x64: {  	[sflag:s23] =	ssyncadd.s32 $0xFFFFC000  }
0x65: {  	_ =	swait.ge [sflag:s24], $0x4000  }
0x66: {  	[sflag:s24] =	ssyncset.done $0x0  }
0x67: {  	[sflag:s24] =	ssyncadd.s32 $0xFFFFC000  }
0x68: {  	s26 =	simm.s32 @p0 $0x1FC3;
	[bflag:$0x0] =	sbarrier.arrive $0xFFFF  }
0x69: {  	[hbm:s14], [sflag:s26] =	dma.local @p0 [spmem:s16], $0x2080  }
0x6a: {  	s26 =	simm.s32 @p0 $0x3  }
0x6b: {  	s25 =	sadd.s32 $0x1, s25;
	_ =	swait.ge @p0 [sflag:s26], $0x2080  }
0x6c: {  	p1 =	sne.s32 s25, s15;
	[sflag:s26] =	ssyncset.done @p0 $0x0  }
.Ltmp2:
0x6d: {  	[sflag:s26] =	ssyncadd.s32 @p0 $0xFFFFDF80;
	s26 =	simm.s32 @!p0 $0x3;
	(pc) =	sbr.rel @p1 .LBB2_1-.Ltmp2, $4  }
0x6e: {  	[hbm:s13], [sflag:s17] =	dma.local @!p0 [spmem:s18], $0x2780  }
0x6f: {  	_ =	swait.ge @!p0 [sflag:s26], $0x2780  }
0x70: {  	[sflag:s26] =	ssyncset.done @!p0 $0x0  }
0x71: {  	[sflag:s26] =	ssyncadd.s32 @!p0 $0xFFFFD880  }
0x72: {  	_ =	sfence.sel $0x180000  }
0x73: {  	[bflag:$0x0] =	sbarrier.arrive $0xFFFF  }
0x74: {  	p0 =	sne.s32 s0, $0x0;
	_ =	strace $0x90000047  }
0x75: {  	s0 =	sadd.s32 @!p0 $0x100000, s1;
	[bflag:$0x2] =	sbarrier.arrive $0xFFFF  }
0x76: {  	[sflag:s0] =	ssyncadd.tile.s32 @!p0 $0x1;
	_ =	shalt  }
.Lfunc_end2:
_tile_overlayer_lowered:
.L_overlay_start_2:
0x77: {  	(tag) =	ssettag $0x2  }
0x78: {  	s0 =	rddreg [dreg:$0x0];
	s2 =	stileid.u32  }
0x79: {  	s1 =	rddreg [dreg:$0x1];
	p0 =	sne.s32 s2, $0x0  }
0x7a: {  	s3 =	rddreg [dreg:$0x2];
	[bflag:$0x3] =	sbarrier.arrive $0xFFFF;
	s2 =	simm.s32 @!p0 $0x1C03  }
0x7b: {  	[timem:s3], [sflag:s2] =	dma.local @!p0 [hbm:s0], s1  }
0x7c: {  	s0 =	simm.s32 @!p0 $0x3  }
0x7d: {  	_ =	swait.ge @!p0 [sflag:s0], s1  }
0x7e: {  	s1 =	ssub.s32 @!p0 $0x0, s1;
	[sflag:s0] =	ssyncset.done @!p0 $0x0  }
0x7f: {  	[sflag:s0] =	ssyncadd.s32 @!p0 s1  }
0x80: {  	[bflag:$0x3] =	sbarrier.arrive $0xFFFF  }
0x81: {  	_ =	shalt  }

// kernel: kernel.15.cloned.1.call-start
scs
__scs_entry_jumppad:
0x0: {  	(pc) =	sbr.rel $0x88, $3  }
0x1: {  	(tag) =	ssettag $0x0;
	lr =	simm.s32 $0x1  }
0x2: {  	[smem:$0x3F76] =	sst lr;
	_ =	strace $0xD0000000  }
0x3: {  	_ = 	snop  }
0x4: {  	_ = 	snop  }
0x5: {  	_ = 	snop  }
0x6: {  	_ = 	snop  }
0x7: {  	_ = 	snop  }
__scs_overlays_trampoline_lowered:
0x8: {  	[smem:$0x3F85] =	sst s0  }
0x9: {  	[smem:$0x3F86] =	sst s1  }
0xa: {  	[smem:$0x3F87] =	sst s2  }
0xb: {  	[smem:$0x3F88] =	sst s3  }
0xc: {  	[smem:$0x3F89] =	sst s4  }
0xd: {  	[smem:$0x3F8A] =	sst s5  }
0xe: {  	[smem:$0x3F8B] =	sst s6  }
0xf: {  	[smem:$0x3F8C] =	sst s7  }
0x10: {  	[smem:$0x3F8D] =	sst s8  }
0x11: {  	[smem:$0x3F8E] =	sst s9;
	s0 =	simm.s32 @!p0 $0x0  }
0x12: {  	s1 =	sld [smem:$0x3F74];
	s0 =	simm.s32 @p0 $0x1  }
0x13: {  	[smem:$0x3F8F] =	sst s0;
	s0 =	simm.s32 @!p1 $0x0  }
0x14: {  	s2 =	sld [smem:$0x3F73];
	s0 =	simm.s32 @p1 $0x1  }
0x15: {  	[smem:$0x3F90] =	sst s0;
	s0 =	simm.s32 @!p2 $0x0  }
0x16: {  	s3 =	sld [smem:$0x3FDB];
	s0 =	simm.s32 @p2 $0x1  }
0x17: {  	s4 =	simm.s32 $0x1BF5;
	[smem:$0x3F92] =	sst s0  }
0x18: {  	s0 =	sld [smem:$0x3F75];
	_ =	swait.ge [sflag:s4], $0x0  }
0x19: {  	s7 =	sld [smem:$0x3F76]  }
0x1a: {  	s8 =	sadd.s32 $0xFFFFE003, lr  }
0x1b: {  	s9 =	sadd.s32 $0xFFFFFEF7, lr;
	s5 =	simm.s32 $0xFFFFFFFF;
	p2 =	slt.u32 s8, $0xFFFFF086  }
0x1c: {  	p1 =	slt.u32 s9, $0xF7A;
	s5 =	simm.s32 @!p2 $0x0  }
0x1d: {  	s5 =	simm.s32 @p1 $0x1;
	p0 =	seq.s32 s7, s2  }
0x1e: {  	s7 =	smul.u32 @!p0 $0xF7A, s2;
	p2 =	seq.s32 @!p0 s5, $0x0  }
0x1f: {  	s9 =	smul.u32 $0xF7A, s1;
	s8 =	simm.s32 @!p0 $0x1BF5;
	p2 =	por !p2, p0  }
0x20: {  	[sflag:s8] =	ssyncset.s32 @!p0 $0xFFFFF086;
	s6 =	sadd.s32 @!p0 s3, s7;
	s7 =	simm.s32 @!p0 $0x108  }
0x21: {  	s3 =	sadd.s32 s3, s9;
	s6 =	sadd.s32 @!p0 $0x88, s6;
	s7 =	simm.s32 @p2 $0x1082  }
0x22: {  	[simem:s7], [sflag:s8] =	dma.local @!p0 [hbm:s6], $0xF7A  }
0x23: {  	s9 =	sor.u32 $0xD0000000, s2;
	s6 =	simm.s32 $0x108;
	_ =	swait.ge @!p0 [sflag:s8], $0x0  }
0x24: {  	s3 =	sadd.s32 $0x88, s3;
	s6 =	simm.s32 @!p1 $0x1082;
	[sflag:s4] =	ssyncset.s32 $0xFFFFF086  }
0x25: {  	[simem:s6], [sflag:s4] =	dma.local [hbm:s3], $0xF7A  }
0x26: {  	[smem:$0x3F76] =	sst s1;
	(tag) =	ssettag s2;
	_ =	strace s9  }
0x27: {  	s1 =	sld [smem:$0x3F86]  }
0x28: {  	s2 =	sld [smem:$0x3F87]  }
0x29: {  	s4 =	sld [smem:$0x3F89]  }
0x2a: {  	p0 =	seq.s32 s5, $0x0;
	s5 =	sld [smem:$0x3F8A]  }
0x2b: {  	s6 =	sld [smem:$0x3F8B]  }
0x2c: {  	s7 =	sld [smem:$0x3F8C]  }
0x2d: {  	s3 =	simm.s32 $0x108;
	s8 =	sld [smem:$0x3F8D]  }
0x2e: {  	s3 =	simm.s32 @!p0 $0x1082;
	s9 =	sld [smem:$0x3F8E]  }
0x2f: {  	lr =	sadd.s32 s0, s3;
	s0 =	sld [smem:$0x3F85]  }
0x30: {  	s3 =	sld [smem:$0x3F88]  }
0x31: {  	[smem:$0x3F91] =	sst s10  }
0x32: {  	s10 =	sld [smem:$0x3F8F];
	_ =	sdelay $0x3  }
0x33: {  	p0 =	seq.s32 s10, $0x1;
	s10 =	sld [smem:$0x3F91];
	_ =	sdelay $0x3  }
0x34: {  	[smem:$0x3F91] =	sst s10  }
0x35: {  	s10 =	sld [smem:$0x3F90];
	_ =	sdelay $0x3  }
0x36: {  	p1 =	seq.s32 s10, $0x1;
	s10 =	sld [smem:$0x3F91];
	_ =	sdelay $0x3  }
0x37: {  	[smem:$0x3F91] =	sst s10  }
0x38: {  	s10 =	sld [smem:$0x3F92]  }
0x39: {  	_ = 	snop;
	(pc) =	sbr.ind lr, $3  }
0x3a: {  	_ = 	snop  }
0x3b: {  	_ = 	snop  }
0x3c: {  	p2 =	seq.s32 s10, $0x1;
	s10 =	sld [smem:$0x3F91]  }
0x3d: {  	_ =	shalt  }
0x3e: {  	_ =	shalt  }
0x3f: {  	_ =	shalt  }
0x40: {  	_ =	shalt  }
0x41: {  	_ =	shalt  }
0x42: {  	_ =	shalt  }
0x43: {  	_ =	shalt  }
0x44: {  	_ =	shalt  }
0x45: {  	_ =	shalt  }
0x46: {  	_ =	shalt  }
0x47: {  	_ =	shalt  }
0x48: {  	_ =	shalt  }
0x49: {  	_ =	shalt  }
0x4a: {  	_ =	shalt  }
0x4b: {  	_ =	shalt  }
0x4c: {  	_ =	shalt  }
0x4d: {  	_ =	shalt  }
0x4e: {  	_ =	shalt  }
0x4f: {  	_ =	shalt  }
0x50: {  	_ =	shalt  }
0x51: {  	_ =	shalt  }
0x52: {  	_ =	shalt  }
0x53: {  	_ =	shalt  }
0x54: {  	_ =	shalt  }
0x55: {  	_ =	shalt  }
0x56: {  	_ =	shalt  }
0x57: {  	_ =	shalt  }
0x58: {  	_ =	shalt  }
0x59: {  	_ =	shalt  }
0x5a: {  	_ =	shalt  }
0x5b: {  	_ =	shalt  }
0x5c: {  	_ =	shalt  }
0x5d: {  	_ =	shalt  }
0x5e: {  	_ =	shalt  }
0x5f: {  	_ =	shalt  }
0x60: {  	_ =	shalt  }
0x61: {  	_ =	shalt  }
0x62: {  	_ =	shalt  }
0x63: {  	_ =	shalt  }
0x64: {  	_ =	shalt  }
0x65: {  	_ =	shalt  }
0x66: {  	_ =	shalt  }
0x67: {  	_ =	shalt  }
0x68: {  	_ =	shalt  }
0x69: {  	_ =	shalt  }
0x6a: {  	_ =	shalt  }
0x6b: {  	_ =	shalt  }
0x6c: {  	_ =	shalt  }
0x6d: {  	_ =	shalt  }
0x6e: {  	_ =	shalt  }
0x6f: {  	_ =	shalt  }
0x70: {  	_ =	shalt  }
0x71: {  	_ =	shalt  }
0x72: {  	_ =	shalt  }
0x73: {  	_ =	shalt  }
0x74: {  	_ =	shalt  }
0x75: {  	_ =	shalt  }
0x76: {  	_ =	shalt  }
0x77: {  	_ =	shalt  }
0x78: {  	_ =	shalt  }
0x79: {  	_ =	shalt  }
0x7a: {  	_ =	shalt  }
0x7b: {  	_ =	shalt  }
0x7c: {  	_ =	shalt  }
0x7d: {  	_ =	shalt  }
0x7e: {  	_ =	shalt  }
0x7f: {  	_ =	shalt  }
0x80: {  	_ =	shalt  }
0x81: {  	_ =	shalt  }
0x82: {  	_ =	shalt  }
0x83: {  	_ =	shalt  }
0x84: {  	_ =	shalt  }
0x85: {  	_ =	shalt  }
0x86: {  	_ =	shalt  }
0x87: {  	_ =	shalt  }
.Lfunc_end0:
.L_simem_size_0:
called_computation.1_lowered:
.L_overlay_start_0:
0x88: {  	s2 =	sld [smem:$0x3FD9]  }
0x89: {  	s3 =	sld [smem:$0x3FFE];
	_ =	sdelay $0x1  }
0x8a: {  	s1 =	srdreg.scid  }
0x8b: {  	s0 =	sand.u32 $0x1, s1  }
0x8c: {  	s16 =	sshll.u32 s0, $0xA;
	s2 =	sadd.s32 s3, s2  }
0x8d: {  	s2 =	sadd.s32 s2, s16  }
0x8e: {  	[smem:$0x3F9D] =	sst s2  }
0x8f: {  	_ = 	snop  }
0x90: {  	(tm) =	ssettm $0x1  }
0x91: {  	s17 =	sld [smem:$0x3FFB];
	_ =	sdelay $0x3  }
0x92: {  	_ =	strace s17  }
0x93: {  	s2 =	sld [smem:$0x3FFC];
	_ =	sdelay $0x3  }
0x94: {  	_ =	strace s2  }
0x95: {  	s2 =	sld [smem:$0x3FFD];
	_ =	sdelay $0x3  }
0x96: {  	_ =	strace s2  }
0x97: {  	_ =	strace $0x8FFFFFFF  }
0x98: {  	s18 =	sld [smem:$0x3FDB];
	_ =	sdelay $0x1  }
0x99: {  	s19 =	simm.s32 $_scs_section_size  }
0x9a: {  	s4 =	simm.s32 $_size__tile_overlayer_lowered;
	s5 =	simm.s32 $_tile_overlayer_lowered  }
0x9b: {  	s22 =	simm.s32 $0x1BFF;
	s21 =	sshll.u32 s5, $0x1;
	s2 =	sadd.s32 s19, s18  }
0x9c: {  	s6 =	simm.s32 $0x0;
	s20 =	sshll.u32 s4, $0x1;
	s4 =	sadd.s32 s21, s2  }
0x9d: {  	[timem:s6], [sflag:s22] =	dma.local [hbm:s4], s20  }
0x9e: {  	_ =	swait.ge [sflag:s22], s20  }
0x9f: {  	s3 =	ssub.s32 $0x0, s20;
	[sflag:s22] =	ssyncset.done $0x0  }
0xa0: {  	[sflag:s22] =	ssyncadd.s32 s3;
	_ =	sdelay $0x1  }
0xa1: {  	s23 =	simm.s32 $0x1B8B  }
0xa2: {  	_ =	swait.ge [sflag:s23], $0x1  }
0xa3: {  	[sflag:s23] =	ssyncset.done $0x0  }
0xa4: {  	s25 =	simm.s32 $0x1B8E;
	s24 =	sld [smem:$0x3FFE];
	[sflag:s23] =	ssyncadd.s32 $0xFFFFFFFF  }
0xa5: {  	s26 =	simm.s32 $execute0_lowered;
	[smem:$0x3FD2] =	sst s25  }
0xa6: {  	s4 =	sshll.u32 s26, $0x1;
	_ =	strace $0x80000049;
	[dreg:$0x1] =	wrdreg $0xFFFFFFFF  }
0xa7: {  	s28 =	simm.s32 $_size_execute0_lowered;
	s2 =	sadd.s32 s2, s4;
	[dreg:$0x0] =	wrdreg $0x0  }
0xa8: {  	s4 =	sshll.u32 s28, $0x1;
	[dreg:$0x2] =	wrdreg s2  }
0xa9: {  	[dreg:$0x3] =	wrdreg s4  }
0xaa: {  	[dreg:$0x4] =	wrdreg $0xC0  }
0xab: {  	_ =	task [dreg:s6], $0x5FFFF  }
0xac: {  	[dreg:$0x1] =	wrdreg $0xFFFFFFFF  }
0xad: {  	[dreg:$0x0] =	wrdreg $0x60  }
0xae: {  	[dreg:$0x2] =	wrdreg s24  }
0xaf: {  	[dreg:$0x3] =	wrdreg $0xA8800  }
0xb0: {  	[dreg:$0x4] =	wrdreg $0x9  }
0xb1: {  	_ =	task.clear_ibuf [dreg:s6], $0x5FFFF;
	_ =	strace $0x90000049  }
0xb2: {  	s29 =	simm.s32 $0x9;
	_ =	strace $0x8000004B  }
0xb3: {  	_ =	swait.ge [sflag:s29], $0x1  }
0xb4: {  	[sflag:s29] =	ssyncadd.s32 $0xFFFFFFFF  }
0xb5: {  	_ =	strace $0x9000004B  }
0xb6: {  	_ =	sfence  }
0xb7: {  	s30 =	sld [smem:$0x0];
	_ =	sdelay $0x2  }
0xb8: {  	s31 =	sshll.u32 s1, $0xD;
	s1 =	sshrl.u32 s1, $0x2  }
0xb9: {  	s3 =	sand.u32 $0x4000, s31;
	s1 =	sadd.s32 s1, s30  }
0xba: {  	s0 =	sor.u32 s3, s0;
	s1 =	sshll.u32 s1, $0x11  }
0xbb: {  	s0 =	sor.u32 s1, s0  }
0xbc: {  	s0 =	sadd.s32 $0x8F2B, s0  }
0xbd: {  	[sflag:s0] =	ssyncadd.remote.s32 $0x1  }
0xbe: {  	_ =	sfence.sel $0xFFFF  }
0xbf: {  	[dreg:$0x0] =	wrdreg $0xFFFFFFFF;
	(pc) =	sbr.abs _section_cstart, $3  }
0xc0: {  	[dreg:$0x1] =	wrdreg $0xFFFFFFFF  }
0xc1: {  	_ =	task.clear_ibuf [dreg:s6], $0x2FFFF;
	_ =	strace $0x9FFFFFFF  }
0xc2: {  	(tm) =	ssettm $0x7FFFFFFF  }
0xc3: {  	_ =	shalt  }
tec
execute0_lowered:
.L_overlay_start_1:
0x0: {  	(tag) =	ssettag $0x1  }
0x1: {  	s1 =	srdreg.scid  }
0x2: {  	s0 =	stileid.u32;
	s10 =	rddreg [dreg:$0x0]  }
0x3: {  	s2 =	rddreg [dreg:$0x1];
	s3 =	simm.s32 $0x0;
	s19 =	simm.s32 $0x3  }
0x4: {  	s20 =	simm.s32 $0x80;
	s21 =	simm.s32 $0x2880;
	s22 =	simm.s32 $0x6880  }
0x5: {  	s23 =	simm.s32 $0x1;
	s24 =	simm.s32 $0x2;
	s25 =	simm.s32 $0x0  }
0x6: {  	s9 =	sand.u32 $0x1, s1;
	s1 =	rddreg [dreg:$0x2];
	s8 =	smul.u32 $0x2780, s0  }
0x7: {  	s26 =	sshll.u32 s0, $0x1;
	[smem:$0x7FF] =	sst s3;
	s13 =	smul.u32 $0x4F000, s0  }
0x8: {  	s15 =	sadd.s32 $0x86200, s10;
	p0 =	slt.u32 s0, $0x2;
	s30 =	smul.u32 $0x13C00, s0  }
0x9: {  	s17 =	sadd.s32 $0x128400, s2;
	s4 =	sor.u32 s9, s26;
	_ =	strace $0x8000004A  }
0xa: {  	s12 =	ssub.s32 $0x2, s9;
	s29 =	smul.u32 $0x138800, s9;
	s9 =	simm.s32 $0x4F  }
0xb: {  	s5 =	smul.u32 $0x4E, s4;
	s6 =	smin.u32 s4, $0x4;
	s4 =	sadd.s32 $0x10C00, s10  }
0xc: {  	s8 =	sadd.s32 s8, s10;
	s14 =	sshrl.u32 s12, $0x1;
	s28 =	sshrl.u32 s13, $0x2  }
0xd: {  	s9 =	simm.s32 @!p0 $0x4E;
	p0 =	seq.s32 s0, $0xF;
	s16 =	ssub.s32 s12, s14  }
0xe: {  	s18 =	sadd.s32 s28, s2;
	s8 =	sadd.s32 $0x37E00, s8;
	s13 =	sadd.s32 s30, s29  }
0xf: {  	s31 =	sshrl.u32 s29, $0x3;
	s12 =	sadd.s32 $0xFFFFFFFF, s9;
	s5 =	sadd.s32 s6, s5  }
0x10: {  	s6 =	sadd.s32 $0x4FCA00, s10;
	s13 =	sshrl.u32 s13, $0x3;
	s14 =	sadd.s32 s15, s31  }
0x11: {  	s18 =	sshrl.u32 @!p0 s18, $0x3;
	s7 =	sshll.u32 s5, $0x4;
	s13 =	sadd.s32 s15, s13  }
0x12: {  	s14 =	sadd.s32 $0x25080, s14;
	s15 =	smax.u32 s16, $0x1;
	s16 =	sshrl.u32 @p0 s17, $0x3  }
0x13: {  	s17 =	sshll.u32 @!p0 s0, $0x6;
	s11 =	sadd.s32 s7, s10;
	s7 =	sadd.s32 $0x6E00, s10  }
0x14: {  	s10 =	sadd.s32 $0x5CE80, s10;
	s17 =	sor.u32 @!p0 $0x1C03, s17;
	s11 =	sadd.s32 $0x4F2C00, s11  }
.LBB2_1:
0x15: {  	s26 =	simm.s32 @p0 $0x1FC3  }
0x16: {  	[spmem:s16], [sflag:s26] =	dma.local @p0 [hbm:s10], $0x2080  }
0x17: {  	s26 =	simm.s32 @p0 $0x3  }
0x18: {  	_ =	swait.ge @p0 [sflag:s26], $0x2080  }
0x19: {  	[sflag:s26] =	ssyncset.done @p0 $0x0  }
0x1a: {  	[sflag:s26] =	ssyncadd.s32 @p0 $0xFFFFDF80;
	s26 =	simm.s32 @!p0 $0x3  }
0x1b: {  	[spmem:s18], [sflag:s17] =	dma.local @!p0 [hbm:s8], $0x2780  }
0x1c: {  	_ =	swait.ge @!p0 [sflag:s26], $0x2780  }
0x1d: {  	[sflag:s26] =	ssyncset.done @!p0 $0x0  }
0x1e: {  	[sflag:s26] =	ssyncadd.s32 @!p0 $0xFFFFD880  }
0x1f: {  	[bflag:$0x0] =	sbarrier.arrive $0xFFFF  }
0x20: {  	[tilespmem:s3], [sflag:$0x3] =	stream.linear.gather [hbm4b:s11+s3], $0x2780, $0x38;
	[tilespmem:$0x1E100] =	vst v63  }
0x21: {  	_ =	swait.ge [sflag:s19], $0x2780  }
0x22: {  	[sflag:s19] =	ssyncset.done $0x0  }
0x23: {  	s26 =	simm.s32 $0x0;
	[sflag:s19] =	ssyncadd.s32 $0xFFFFD880  }
0x24: {  	[tilespmem:s21], [sflag:$0x1] =	stream.indirect.gather [hbm4b:s4+s20], $0x80, s3, s20, $0xb8;
	[tilespmem:$0x1E100] =	vst v63  }
.LBB2_2:
0x25: {  	s29 =	sadd.s32 s5, s26  }
0x26: {  	s28 =	sshll.u32 s26, $0x7;
	s30 =	sshll.u32 s29, $0x4  }
0x27: {  	s28 =	sand.u32 $0x80, s28;
	s30 =	sand.u32 $0x1FFFFFF0, s30  }
0x28: {  	s28 =	sadd.s32 $0x2780, s28;
	s30 =	sadd.s32 s7, s30  }
0x29: {  	[tilespmem:s28], [sflag:$0x3] =	stream.linear.gather [hbm4b:s30+s3], $0x80, $0x38;
	[tilespmem:$0x1E100] =	vst v63  }
0x2a: {  	_ =	swait.ge [sflag:s19], $0x80  }
0x2b: {  	p1 =	seq.s32 s26, $0x0;
	[sflag:s19] =	ssyncset.done $0x0  }
0x2c: {  	s30 =	simm.s32 @!p1 $0x2;
	[sflag:s19] =	ssyncadd.s32 $0xFFFFFF80  }
0x2d: {  	s29 =	sshll.u32 s29, $0xB;
	_ =	swait.ge @!p1 [sflag:s30], $0x4000  }
0x2e: {  	s29 =	sand.u32 $0x1FFFF800, s29;
	[sflag:s30] =	ssyncset.done @!p1 $0x0  }
0x2f: {  	s29 =	sadd.s32 s6, s29;
	[sflag:s30] =	ssyncadd.s32 @!p1 $0xFFFFC000;
	s30 =	simm.s32 $0x0  }
0x30: {  	[tilespmem:s22], [sflag:$0x3] =	stream.linear.gather [hbm4b:s29+s30], $0x4000, $0x38;
	[tilespmem:$0x1E100] =	vst v63  }
0x31: {  	_ =	swait.ge [sflag:s19], $0x4000  }
0x32: {  	[sflag:s19] =	ssyncset.done $0x0  }
0x33: {  	[sflag:s19] =	ssyncadd.s32 $0xFFFFC000  }
0x34: {  	_ =	swait.ge [sflag:s23], $0x4000  }
0x35: {  	[sflag:s23] =	ssyncset.done $0x0  }
0x36: {  	s29 =	simm.s32 $0x0;
	[sflag:s23] =	ssyncadd.s32 $0xFFFFC000  }
0x37: {  	v6 =	vld [tilespmem:s29+$0x2880]  }
0x38: {  	v11 =	vld [tilespmem:s29+$0x2890]  }
0x39: {  	v5 =	vld [tilespmem:s29+$0x28A0]  }
0x3a: {  	v4 =	vld [tilespmem:s29+$0x28B0]  }
0x3b: {  	v3 =	vld [tilespmem:s29+$0x28C0]  }
0x3c: {  	v2 =	vld [tilespmem:s29+$0x28D0]  }
0x3d: {  	v1 =	vld [tilespmem:s29+$0x28E0]  }
0x3e: {  	v0 =	vld [tilespmem:s29+$0x28F0]  }
0x3f: {  	v12 =	vld [tilespmem:s29+$0x6880]  }
0x40: {  	v13 =	vld [tilespmem:s29+$0x6890]  }
0x41: {  	v10 =	vld [tilespmem:s29+$0x68A0]  }
0x42: {  	v9 =	vld [tilespmem:s29+$0x68B0]  }
0x43: {  	v8 =	vld [tilespmem:s29+$0x68C0]  }
0x44: {  	v7 =	vld [tilespmem:s29+$0x68D0];
	v12 =	vadd.f32 v12, v6  }
0x45: {  	s30 =	simm.s32 $0x200;
	v11 =	vadd.f32 v13, v11;
	v6 =	vld [tilespmem:s29+$0x68E0]  }
.LBB2_3:
0x46: {  	s31 =	sshra.s32 s30, $0x2;
	p1 =	sne.s32 s30, $0xFE00;
	v12 =	vmax.f32 v12, $0.0e+00;
	v5 =	vadd.f32 v10, v5;
	v10 =	vld [tilespmem:s29+$0x68F0]  }
0x47: {  	v13 =	vld [tilespmem:s31+$0x2880];
	[tilespmem:s29+$0x6880] =	vst v12;
	v11 =	vmax.f32 v11, $0.0e+00;
	v4 =	vadd.f32 v9, v4  }
0x48: {  	v14 =	vld [tilespmem:s31+$0x2890];
	[tilespmem:s29+$0x6890] =	vst v11;
	v9 =	vmax.f32 v5, $0.0e+00;
	v3 =	vadd.f32 v8, v3  }
0x49: {  	v5 =	vld [tilespmem:s31+$0x28A0];
	[tilespmem:s29+$0x68A0] =	vst v9;
	v8 =	vmax.f32 v4, $0.0e+00;
	v2 =	vadd.f32 v7, v2  }
0x4a: {  	v4 =	vld [tilespmem:s31+$0x28B0];
	[tilespmem:s29+$0x68B0] =	vst v8;
	v7 =	vmax.f32 v3, $0.0e+00;
	v1 =	vadd.f32 v6, v1  }
0x4b: {  	v3 =	vld [tilespmem:s31+$0x28C0];
	[tilespmem:s29+$0x68C0] =	vst v7;
	v6 =	vmax.f32 v2, $0.0e+00;
	v0 =	vadd.f32 v10, v0  }
0x4c: {  	v2 =	vld [tilespmem:s31+$0x28D0];
	[tilespmem:s29+$0x68D0] =	vst v6;
	v6 =	vmax.f32 v1, $0.0e+00  }
0x4d: {  	v1 =	vld [tilespmem:s31+$0x28E0];
	[tilespmem:s29+$0x68E0] =	vst v6;
	v6 =	vmax.f32 v0, $0.0e+00  }
0x4e: {  	v0 =	vld [tilespmem:s31+$0x28F0];
	[tilespmem:s29+$0x68F0] =	vst v6;
	s29 =	smov.u32 s31  }
0x4f: {  	v6 =	vld [tilespmem:s29+$0x6880]  }
0x50: {  	v11 =	vld [tilespmem:s29+$0x6890]  }
.Ltmp0:
0x51: {  	v10 =	vld [tilespmem:s29+$0x68A0];
	(pc) =	sbr.rel @p1 .LBB2_3-.Ltmp0, $4  }
0x52: {  	v9 =	vld [tilespmem:s29+$0x68B0]  }
0x53: {  	v8 =	vld [tilespmem:s29+$0x68C0]  }
0x54: {  	v12 =	vadd.f32 v6, v13;
	v7 =	vld [tilespmem:s29+$0x68D0]  }
0x55: {  	s30 =	sadd.s32 $0x200, s30;
	v11 =	vadd.f32 v11, v14;
	v6 =	vld [tilespmem:s29+$0x68E0]  }
0x56: {  	v12 =	vmax.f32 v12, $0.0e+00;
	v5 =	vadd.f32 v10, v5;
	v63 =	vld [tilespmem:s29+$0x68F0]  }
0x57: {  	[tilespmem:s29+$0x6880] =	vst v12;
	v11 =	vmax.f32 v11, $0.0e+00;
	v4 =	vadd.f32 v9, v4  }
0x58: {  	[tilespmem:s29+$0x6890] =	vst v11;
	v5 =	vmax.f32 v5, $0.0e+00;
	v3 =	vadd.f32 v8, v3  }
0x59: {  	[tilespmem:s29+$0x68A0] =	vst v5;
	v4 =	vmax.f32 v4, $0.0e+00;
	v2 =	vadd.f32 v7, v2  }
0x5a: {  	s26 =	sadd.s32 $0x1, s26;
	[tilespmem:s29+$0x68B0] =	vst v4;
	v3 =	vmax.f32 v3, $0.0e+00;
	v1 =	vadd.f32 v6, v1  }
0x5b: {  	s30 =	smov.u32 s12;
	p1 =	slt.s32 s26, s12;
	[tilespmem:s29+$0x68C0] =	vst v3;
	v2 =	vmax.f32 v2, $0.0e+00;
	v0 =	vadd.f32 v63, v0  }
0x5c: {  	s30 =	smov.u32 @p1 s26;
	p1 =	sne.s32 s26, s9;
	[tilespmem:s29+$0x68D0] =	vst v2;
	v1 =	vmax.f32 v1, $0.0e+00  }
.Ltmp1:
0x5d: {  	s30 =	sshll.u32 s30, $0x7;
	[tilespmem:s29+$0x68E0] =	vst v1;
	v0 =	vmax.f32 v0, $0.0e+00;
	(pc) =	sbr.rel @p1 .LBB2_2-.Ltmp1, $4  }
0x5e: {  	s31 =	sand.u32 $0x3FFFFF80, s30;
	[tilespmem:s29+$0x68F0] =	vst v0  }
0x5f: {  	[tilespmem:s21], [sflag:$0x1] =	stream.indirect.gather [hbm4b:s4+s20], $0x80, s31, s20, $0xb8;
	[tilespmem:$0x1E100] =	vst v63  }
0x60: {  	_ = 	snop  }
0x61: {  	[spmem:s2] =	stream.indirect.scatter.add.f32 [tilespmem:s22], [sflag:$0x2], $0x80, s28, s20, $0xb8;
	[tilespmem:$0x1E100] =	vst v63  }
0x62: {  	_ =	swait.ge [sflag:s23], $0x4000  }
0x63: {  	[sflag:s23] =	ssyncset.done $0x0  }
0x64: {  	[sflag:s23] =	ssyncadd.s32 $0xFFFFC000  }
0x65: {  	_ =	swait.ge [sflag:s24], $0x4000  }
0x66: {  	[sflag:s24] =	ssyncset.done $0x0  }
0x67: {  	[sflag:s24] =	ssyncadd.s32 $0xFFFFC000  }
0x68: {  	s26 =	simm.s32 @p0 $0x1FC3;
	[bflag:$0x0] =	sbarrier.arrive $0xFFFF  }
0x69: {  	[hbm:s14], [sflag:s26] =	dma.local @p0 [spmem:s16], $0x2080  }
0x6a: {  	s26 =	simm.s32 @p0 $0x3  }
0x6b: {  	s25 =	sadd.s32 $0x1, s25;
	_ =	swait.ge @p0 [sflag:s26], $0x2080  }
0x6c: {  	p1 =	sne.s32 s25, s15;
	[sflag:s26] =	ssyncset.done @p0 $0x0  }
.Ltmp2:
0x6d: {  	[sflag:s26] =	ssyncadd.s32 @p0 $0xFFFFDF80;
	s26 =	simm.s32 @!p0 $0x3;
	(pc) =	sbr.rel @p1 .LBB2_1-.Ltmp2, $4  }
0x6e: {  	[hbm:s13], [sflag:s17] =	dma.local @!p0 [spmem:s18], $0x2780  }
0x6f: {  	_ =	swait.ge @!p0 [sflag:s26], $0x2780  }
0x70: {  	[sflag:s26] =	ssyncset.done @!p0 $0x0  }
0x71: {  	[sflag:s26] =	ssyncadd.s32 @!p0 $0xFFFFD880  }
0x72: {  	_ =	sfence.sel $0x180000  }
0x73: {  	[bflag:$0x0] =	sbarrier.arrive $0xFFFF  }
0x74: {  	p0 =	sne.s32 s0, $0x0;
	_ =	strace $0x9000004A  }
0x75: {  	s0 =	sadd.s32 @!p0 $0x100000, s1;
	[bflag:$0x2] =	sbarrier.arrive $0xFFFF  }
0x76: {  	[sflag:s0] =	ssyncadd.tile.s32 @!p0 $0x1;
	_ =	shalt  }
.Lfunc_end2:
_tile_overlayer_lowered:
.L_overlay_start_2:
0x77: {  	(tag) =	ssettag $0x2  }
0x78: {  	s0 =	rddreg [dreg:$0x0];
	s2 =	stileid.u32  }
0x79: {  	s1 =	rddreg [dreg:$0x1];
	p0 =	sne.s32 s2, $0x0  }
0x7a: {  	s3 =	rddreg [dreg:$0x2];
	[bflag:$0x3] =	sbarrier.arrive $0xFFFF;
	s2 =	simm.s32 @!p0 $0x1C03  }
0x7b: {  	[timem:s3], [sflag:s2] =	dma.local @!p0 [hbm:s0], s1  }
0x7c: {  	s0 =	simm.s32 @!p0 $0x3  }
0x7d: {  	_ =	swait.ge @!p0 [sflag:s0], s1  }
0x7e: {  	s1 =	ssub.s32 @!p0 $0x0, s1;
	[sflag:s0] =	ssyncset.done @!p0 $0x0  }
0x7f: {  	[sflag:s0] =	ssyncadd.s32 @!p0 s1  }
0x80: {  	[bflag:$0x3] =	sbarrier.arrive $0xFFFF  }
0x81: {  	_ =	shalt  }

</sc_bundles>
